<compile_context>
chip_gen: v7x
topology: tpu7x:2x2x1
jax: 0.10.2.dev20260603
libtpu: 0.0.44.dev20260713+nightly
codegen_flags: <defaults>
</compile_context>

<pallas_src>
import math
import functools

import jax
import jax.numpy as jnp
from jax import lax
from jax.experimental import pallas as pl
from jax.experimental.pallas import tpu as pltpu
from jax.experimental.pallas import tpu_sc as plsc

X_DIM = 128
N_TRAIN = 100000
KEY_DIM = 64
HIDDEN = 128
TIME_DIM = 32
TOPK = 64
BATCH = 1024

N_PAD = 100352
NB = 2048
GRID_N = N_PAD // NB
NPIECE = N_PAD // 128
NEG_INF = float("-inf")

NSUB = 32
ROWS_PER = BATCH // NSUB
PIECE_CHUNK = 112
NCHUNK = NPIECE // PIECE_CHUNK
CAP = 1024
COMPACT_AT = 768
OUT_CAP = 128



def _emb_mm_kernel(x_ref, t_ref, w_ref, b_ref, o_ref):
    half = TIME_DIM // 2
    i = lax.broadcasted_iota(jnp.int32, (1, half), 1).astype(jnp.float32)
    freqs = jnp.exp((-math.log(10000.0)) * i / half)
    args = t_ref[:] * freqs
    h = jnp.concatenate([x_ref[:], jnp.sin(args), jnp.cos(args)], axis=-1)
    o_ref[:] = lax.dot_general(
        h, w_ref[:], (((1,), (1,)), ((), ())),
        preferred_element_type=jnp.float32) + b_ref[:]


def _mm_kernel(h_ref, w_ref, b_ref, o_ref):
    o_ref[:] = lax.dot_general(
        h_ref[:], w_ref[:], (((1,), (1,)), ((), ())),
        preferred_element_type=jnp.float32) + b_ref[:]


def _mm(h, W, b, n_out):
    return pl.pallas_call(
        _mm_kernel,
        out_shape=jax.ShapeDtypeStruct((BATCH, n_out), jnp.float32),
    )(h, W, b.reshape(1, n_out))


def _compute_q(x, t, W0, b0, W1, b1, W2, b2, W3, b3):
    y0 = pl.pallas_call(
        _emb_mm_kernel,
        out_shape=jax.ShapeDtypeStruct((BATCH, HIDDEN), jnp.float32),
    )(x, t.reshape(BATCH, 1), W0, b0.reshape(1, HIDDEN))
    h = jax.nn.selu(y0)
    h = jax.nn.selu(_mm(h, W1, b1, HIDDEN))
    h = jax.nn.selu(_mm(h, W2, b2, HIDDEN))
    return _mm(h, W3, b3, KEY_DIM)



def _logits3_kernel(q_ref, keys_ref, out_ref, pm_ref):
    i = pl.program_id(0)
    scale = 1.0 / math.sqrt(KEY_DIM)
    q = q_ref[:]
    lane = lax.broadcasted_iota(jnp.int32, (BATCH, 128), 1)
    pms = []
    for kk in range(16):
        lg = lax.dot_general(
            q, keys_ref[kk * 128:(kk + 1) * 128, :], (((1,), (1,)), ((), ())),
            preferred_element_type=jnp.float32) * scale
        col0 = i * NB + kk * 128
        lg = jnp.where(lane + col0 < N_TRAIN, lg, NEG_INF)
        out_ref[kk] = lg
        pms.append(jnp.max(lg, axis=1).reshape(1, BATCH))
    pm_ref[:] = jnp.concatenate(pms, axis=0)


def _compute_logits3(q, keys_pad):
    return pl.pallas_call(
        _logits3_kernel,
        grid=(GRID_N,),
        in_specs=[
            pl.BlockSpec((BATCH, KEY_DIM), lambda i: (0, 0)),
            pl.BlockSpec((NB, KEY_DIM), lambda i: (i, 0)),
        ],
        out_specs=[
            pl.BlockSpec((16, BATCH, 128), lambda i: (i, 0, 0)),
            pl.BlockSpec((16, BATCH), lambda i: (i, 0)),
        ],
        out_shape=[
            jax.ShapeDtypeStruct((NPIECE, BATCH, 128), jnp.float32),
            jax.ShapeDtypeStruct((896, BATCH), jnp.float32),
        ],
    )(q, keys_pad)



def _sc_prune(cv, ci, cv2, ci2, cnt, stop_at):
    ninf = jnp.full((16,), NEG_INF, jnp.float32)
    pinf = jnp.full((16,), float("inf"), jnp.float32)

    nv0 = (cnt + 15) // 16

    def _mm_body(p, carry):
        vmax, vmin = carry
        v = cv[pl.ds(p * 16, 16)]
        vmax = jnp.maximum(vmax, v)
        vmin = jnp.minimum(vmin, jnp.where(v == NEG_INF, pinf, v))
        return vmax, vmin

    vmax, vmin = lax.fori_loop(0, nv0, _mm_body, (ninf, pinf))
    hi0 = jnp.max(vmax)
    lo0 = jnp.min(vmin)

    def _cond(st):
        lo, hi, c, k = st
        return jnp.logical_and(c > stop_at, k < 40)

    def _body(st):
        lo, hi, c, k = st
        mid = 0.5 * (lo + hi)
        mid_v = jnp.full((16,), 0.0, jnp.float32) + mid
        nv = (c + 15) // 16

        def _cnt_body(p, acc):
            v = cv[pl.ds(p * 16, 16)]
            return acc + (v >= mid_v).astype(jnp.int32)

        acc = lax.fori_loop(0, nv, _cnt_body, jnp.full((16,), 0, jnp.int32))
        count = jnp.sum(acc)

        def _refilter(_):
            def _fill(qq, _c):
                cv2[pl.ds(qq * 16, 16)] = ninf
                ci2[pl.ds(qq * 16, 16)] = jnp.full((16,), 0, jnp.int32)
                return _c
            lax.fori_loop(0, nv + 1, _fill, 0)

            def _cp(p, j):
                v = cv[pl.ds(p * 16, 16)]
                ix = ci[pl.ds(p * 16, 16)]
                m = v >= mid_v
                plsc.store_compressed(cv2.at[pl.ds(j, 16)], v, mask=m)
                plsc.store_compressed(ci2.at[pl.ds(j, 16)], ix, mask=m)
                return j + jnp.sum(m.astype(jnp.int32))

            j = lax.fori_loop(0, nv, _cp, jnp.int32(0))
            nv2 = (j + 15) // 16

            def _back(p, _c):
                cv[pl.ds(p * 16, 16)] = cv2[pl.ds(p * 16, 16)]
                ci[pl.ds(p * 16, 16)] = ci2[pl.ds(p * 16, 16)]
                return _c
            lax.fori_loop(0, nv2 + 1, _back, 0)
            return j

        new_c = lax.cond(count >= TOPK, _refilter, lambda _: c, 0)
        new_lo = jnp.where(count >= TOPK, mid, lo)
        new_hi = jnp.where(count >= TOPK, hi, mid)
        return new_lo, new_hi, new_c, k + 1

    lo, hi, cnt2, _ = lax.while_loop(_cond, _body, (lo0, hi0, cnt, jnp.int32(0)))
    return cnt2, lo


HCAP = 192


def _sc_topk_body(lg2_hbm, pmax_hbm, outv_hbm, outi_hbm,
                  pm_slab, hl2, gbuf, cv, ci, cv2, ci2, sem0):
    wid = lax.axis_index("s") * 2 + lax.axis_index("c")
    ninf = jnp.full((16,), NEG_INF, jnp.float32)
    pinf = jnp.full((16,), float("inf"), jnp.float32)
    zero_i = jnp.full((16,), 0, jnp.int32)
    iota = lax.iota(jnp.int32, 16)
    NV = NPIECE // 16

    def _init_hl(qq, _c):
        hl2[pl.ds(qq * 16, 16)] = zero_i
        return _c
    lax.fori_loop(0, HCAP // 16, _init_hl, 0)
    pltpu.sync_copy(pmax_hbm.at[pl.ds(wid * ROWS_PER, ROWS_PER), :], pm_slab)

    def _row_body(r, _carry):
        row = wid * ROWS_PER + r

        def _init(qq, _c):
            cv[pl.ds(qq * 16, 16)] = ninf
            ci[pl.ds(qq * 16, 16)] = zero_i
            return _c
        lax.fori_loop(0, CAP // 16, _init, 0)

        def _mm(p, carry):
            vmax, vmin = carry
            v = pm_slab[r, pl.ds(p * 16, 16)]
            return (jnp.maximum(vmax, v),
                    jnp.minimum(vmin, jnp.where(v == NEG_INF, pinf, v)))
        vmax, vmin = lax.fori_loop(0, NV, _mm, (ninf, pinf))
        hi0 = jnp.max(vmax)
        lo0 = jnp.min(vmin)

        def _pcount(t):
            tv = jnp.full((16,), 0.0, jnp.float32) + t

            def _cb(p, acc):
                v = pm_slab[r, pl.ds(p * 16, 16)]
                return acc + (v >= tv).astype(jnp.int32)
            acc = lax.fori_loop(0, NV, _cb, jnp.full((16,), 0, jnp.int32))
            return jnp.sum(acc)

        def _bcond(st):
            lo, hi, clo, k = st
            return jnp.logical_and(clo > 96, k < 26)

        def _bbody(st):
            lo, hi, clo, k = st
            mid = 0.5 * (lo + hi)
            c = _pcount(mid)
            ok = c >= TOPK
            return (jnp.where(ok, mid, lo), jnp.where(ok, hi, mid),
                    jnp.where(ok, c, clo), k + 1)

        t, _hi, _clo, _k = lax.while_loop(
            _bcond, _bbody, (lo0, hi0, jnp.int32(NPIECE), jnp.int32(0)))

        tv = jnp.full((16,), 0.0, jnp.float32) + t

        def _hl(p, j):
            v = pm_slab[r, pl.ds(p * 16, 16)]
            m = jnp.logical_and(v >= tv, j < HCAP - 16)
            gidx = (p * 16 + iota) * BATCH + row
            plsc.store_compressed(hl2.at[pl.ds(j, 16)], gidx, mask=m)
            return j + jnp.sum(m.astype(jnp.int32))

        nh = lax.fori_loop(0, NV, _hl, jnp.int32(0))

        pltpu.async_copy(lg2_hbm.at[hl2], gbuf, sem0).wait()

        def _hit(h, st):
            tau, cnt = st
            tau_v = jnp.full((16,), 0.0, jnp.float32) + tau
            cnt_l = cnt
            for k in range(8):
                vk = gbuf[h, pl.ds(k * 16, 16)]
                m = vk > tau_v
                ixv = h * 128 + k * 16 + iota
                plsc.store_compressed(cv.at[pl.ds(cnt_l, 16)], vk, mask=m)
                plsc.store_compressed(ci.at[pl.ds(cnt_l, 16)], ixv, mask=m)
                cnt_l = cnt_l + jnp.sum(m.astype(jnp.int32))
            cv[pl.ds(cnt_l, 16)] = ninf
            cnt = cnt_l

            def _compact(args):
                c0, t0 = args
                c1, t1 = _sc_prune(cv, ci, cv2, ci2, c0, 96)
                return c1, jnp.maximum(t0, t1)

            tau, cnt = lax.cond(
                cnt >= COMPACT_AT,
                lambda a: _compact(a)[::-1],
                lambda a: (a[1], a[0]),
                (cnt, tau))
            return tau, cnt

        tau0 = jnp.where(t == lo0, jnp.float32(NEG_INF), t)
        tau, cnt = lax.fori_loop(0, nh, _hit, (tau0, jnp.int32(0)))

        fcnt, _ftau = _sc_prune(cv, ci, cv2, ci2, cnt, 96)
        for off in range(4):
            cv[pl.ds(fcnt + off * 16, 16)] = ninf
            ci[pl.ds(fcnt + off * 16, 16)] = zero_i

        for q8 in range(OUT_CAP // 16):
            loc = ci[pl.ds(q8 * 16, 16)]
            g = plsc.load_gather(hl2, [lax.shift_right_logical(loc, 7)])
            pid = lax.shift_right_logical(g - row, 10)
            ci[pl.ds(q8 * 16, 16)] = pid * 128 + jnp.bitwise_and(loc, 127)

        pltpu.sync_copy(cv.at[pl.ds(0, OUT_CAP)], outv_hbm.at[row])
        pltpu.sync_copy(ci.at[pl.ds(0, OUT_CAP)], outi_hbm.at[row])
        return _carry

    lax.fori_loop(0, ROWS_PER, _row_body, 0)


def _sc_topk(logits3, pmax):
    lg2 = logits3.reshape(NPIECE * BATCH, 128)
    mesh = plsc.VectorSubcoreMesh(core_axis_name="c", subcore_axis_name="s")
    fn = pl.kernel(
        _sc_topk_body,
        out_type=(jax.ShapeDtypeStruct((BATCH, OUT_CAP), jnp.float32),
                  jax.ShapeDtypeStruct((BATCH, OUT_CAP), jnp.int32)),
        mesh=mesh,
        compiler_params=pltpu.CompilerParams(needs_layout_passes=False),
        scratch_types=[
            pltpu.VMEM((ROWS_PER, 896), jnp.float32),
            pltpu.VMEM((HCAP,), jnp.int32),
            pltpu.VMEM((HCAP, 128), jnp.float32),
            pltpu.VMEM((CAP,), jnp.float32),
            pltpu.VMEM((CAP,), jnp.int32),
            pltpu.VMEM((CAP,), jnp.float32),
            pltpu.VMEM((CAP,), jnp.int32),
            pltpu.SemaphoreType.DMA,
        ],
    )
    return fn(lg2, pmax)



RB = 64


def _rank_kernel(cv_ref, ci_ref, w_ref, idx_ref):
    v = cv_ref[:]
    ix = ci_ref[:]
    vi = v[:, :, None]
    vj = v[:, None, :]
    ii = ix[:, :, None]
    ij = ix[:, None, :]
    beats = jnp.logical_or(vj > vi, jnp.logical_and(vj == vi, ij < ii))
    rank = jnp.sum(beats.astype(jnp.int32), axis=2)
    k = lax.broadcasted_iota(jnp.int32, (RB, 128, TOPK), 2)
    oh = (rank[:, :, None] == k)
    sv = jnp.sum(jnp.where(oh, v[:, :, None], 0.0), axis=1)
    si = jnp.sum(jnp.where(oh, ix[:, :, None], 0), axis=1)
    m = jnp.max(sv, axis=1, keepdims=True)
    e = jnp.exp(sv - m)
    s = jnp.sum(e, axis=1, keepdims=True)
    w_ref[:] = e / s
    idx_ref[:] = si


def _rank_softmax(cand_v, cand_i):
    return pl.pallas_call(
        _rank_kernel,
        grid=(BATCH // RB,),
        in_specs=[
            pl.BlockSpec((RB, OUT_CAP), lambda i: (i, 0)),
            pl.BlockSpec((RB, OUT_CAP), lambda i: (i, 0)),
        ],
        out_specs=[
            pl.BlockSpec((RB, TOPK), lambda i: (i, 0)),
            pl.BlockSpec((RB, TOPK), lambda i: (i, 0)),
        ],
        out_shape=[
            jax.ShapeDtypeStruct((BATCH, TOPK), jnp.float32),
            jax.ShapeDtypeStruct((BATCH, TOPK), jnp.int32),
        ],
    )(cand_v, cand_i)


def kernel(x, t, W0, b0, W1, b1, W2, b2, W3, b3, keys):
    q = _compute_q(x, t, W0, b0, W1, b1, W2, b2, W3, b3)
    keys_pad = jnp.pad(keys, ((0, N_PAD - N_TRAIN), (0, 0)))
    logits3, pmax_t = _compute_logits3(q, keys_pad)
    pmax = jnp.transpose(pmax_t)
    cand_v, cand_i = _sc_topk(logits3, pmax)
    weights, top_idx = _rank_softmax(cand_v, cand_i)
    return weights, top_idx

# --- scband reference (transcript-rebuilt; emitter-appended) ---
"""Pipeline reference for scband-attention-weight-net-50525995270370 (READ-ONLY COPY).

The authoritative reference and input builder live on the scoring server;
editing this copy changes nothing except your own understanding.
"""

import math
import jax, jax.numpy as jnp
import numpy as np

X_DIM = 128
N_TRAIN = 100000
KEY_DIM = 64
HIDDEN = 128
TIME_DIM = 32
TOPK = 64
BATCH = 1024


def time_embedding(t, dim):
    # Standard sinusoidal timestep embedding (TimeEmbedding is assumed sinusoidal).
    half = dim // 2
    freqs = jnp.exp(-math.log(10000.0) * jnp.arange(half, dtype=jnp.float32) / half)
    args = t[:, None] * freqs[None, :]
    return jnp.concatenate([jnp.sin(args), jnp.cos(args)], axis=-1)


def _linear_params(k, fan_in, fan_out):
    kw, kb = jax.random.split(k)
    bound = 1.0 / math.sqrt(fan_in)
    W = jax.random.uniform(kw, (fan_out, fan_in), minval=-bound, maxval=bound, dtype=jnp.float32)
    b = jax.random.uniform(kb, (fan_out,), minval=-bound, maxval=bound, dtype=jnp.float32)
    return W, b


def setup_inputs(seed: int = 0) -> dict:
    key = jax.random.key(seed)
    ks = jax.random.split(key, 8)
    x = jax.random.normal(ks[0], (BATCH, X_DIM), dtype=jnp.float32)
    t = jax.random.uniform(ks[1], (BATCH,), dtype=jnp.float32)
    W0, b0 = _linear_params(ks[2], X_DIM + TIME_DIM, HIDDEN)
    W1, b1 = _linear_params(ks[3], HIDDEN, HIDDEN)
    W2, b2 = _linear_params(ks[4], HIDDEN, HIDDEN)
    W3, b3 = _linear_params(ks[5], HIDDEN, KEY_DIM)
    keys = (1.0 / math.sqrt(KEY_DIM)) * jax.random.normal(ks[6], (N_TRAIN, KEY_DIM), dtype=jnp.float32)
    return {"x": x, "t": t, "W0": W0, "b0": b0, "W1": W1, "b1": b1,
            "W2": W2, "b2": b2, "W3": W3, "b3": b3, "keys": keys}


def reference(x, t, W0, b0, W1, b1, W2, b2, W3, b3, keys):
    t_emb = time_embedding(t, TIME_DIM)
    h = jnp.concatenate([x, t_emb], axis=-1)
    h = jax.nn.selu(h @ W0.T + b0)
    h = jax.nn.selu(h @ W1.T + b1)  # depth loop, iteration 1
    h = jax.nn.selu(h @ W2.T + b2)  # depth loop, iteration 2
    q = h @ W3.T + b3
    scale = 1.0 / math.sqrt(KEY_DIM)
    logits = (q @ keys.T) * scale
    top_logits, top_idx = jax.lax.top_k(logits, TOPK)
    weights = jax.nn.softmax(top_logits, axis=-1)
    return weights, top_idx

if __name__ == "__main__":
    import jax
    _d = setup_inputs()
    print(jax.jit(kernel)(*tuple(_d.values())))

</pallas_src>

<mosaic_0001>
#map = affine_map<(d0, d1) -> (0, 0)>
module attributes {stable_mosaic.version = 14 : i64} {
  func.func @_sc_topk_body(%arg0: i32, %arg1: i32, %arg2: memref<802816x128xf32, #tpu.memory_space<hbm>>, %arg3: memref<1024x896xf32, #tpu.memory_space<hbm>>, %arg4: memref<1024x128xf32, #tpu.memory_space<hbm>>, %arg5: memref<1024x128xi32, #tpu.memory_space<hbm>>, %arg6: memref<32x896xf32, #tpu.memory_space<vmem>>, %arg7: memref<192xi32, #tpu.memory_space<vmem>>, %arg8: memref<192x128xf32, #tpu.memory_space<vmem>>, %arg9: memref<1024xf32, #tpu.memory_space<vmem>>, %arg10: memref<1024xi32, #tpu.memory_space<vmem>>, %arg11: memref<1024xf32, #tpu.memory_space<vmem>>, %arg12: memref<1024xi32, #tpu.memory_space<vmem>>, %arg13: memref<!tpu.dma_semaphore, #tpu.memory_space<semaphore_mem>>) attributes {dimension_semantics = [#tpu.dimension_semantics<core_parallel>, #tpu.dimension_semantics<subcore_parallel>], iteration_bounds = array<i64: 2, 16>, scalar_prefetch = 0 : i64, scratch_operands = 8 : i64, tpu.core_type = #tpu.core_type<sc_vector_subcore>, window_params = [{transform_indices = #map}, {transform_indices = #map}, {transform_indices = #map}, {transform_indices = #map}]} {
    %mul3A = arith.constant 2 : i32
    %mul3A_0 = arith.muli %arg1, %mul3A : i32
    %add3A = arith.addi %mul3A_0, %arg0 : i32
    %broadcast_in_dim3A = arith.constant 0xFF800000 : f32
    %broadcast_in_dim3A_1 = vector.broadcast %broadcast_in_dim3A : f32 to vector<16xf32>
    %broadcast_in_dim3A_2 = arith.constant 0x7F800000 : f32
    %broadcast_in_dim3A_3 = vector.broadcast %broadcast_in_dim3A_2 : f32 to vector<16xf32>
    %broadcast_in_dim3A_4 = arith.constant 0 : i32
    %broadcast_in_dim3A_5 = vector.broadcast %broadcast_in_dim3A_4 : i32 to vector<16xi32>
    %iota3A = tpu.iota {dimensions = array<i32: 0>} : vector<16xi32>
    %scan3A = arith.constant 0 : i32
    %scan3A_6 = arith.constant 0 : i32
    %scan3A_7 = arith.constant 12 : i32
    %scan3A_8 = arith.addi %scan3A_6, %scan3A_7 : i32
    %scan3A_9 = arith.constant 1 : i32
    scf.for %scan3A_19 = %scan3A_6 to %scan3A_8 step %scan3A_9  : i32 {
      %mul3A_20 = arith.constant 16 : i32
      %mul3A_21 = arith.muli %scan3A_19, %mul3A_20 : i32
      %swap3A = arith.index_cast %mul3A_21 : i32 to index
      %swap3A_22 = tpu.vector_load %arg7[%swap3A] {strides = array<i32>} : memref<192xi32, #tpu.memory_space<vmem>>, vector<16xi32>,
      tpu.vector_store %arg7[%swap3A], %broadcast_in_dim3A_5 {strides = array<i32>} : memref<192xi32, #tpu.memory_space<vmem>>, vector<16xi32>,
    }
    %scan3A_10 = arith.constant 12 : i32
    %mul3A_11 = arith.constant 32 : i32
    %mul3A_12 = arith.muli %add3A, %mul3A_11 : i32
    "tpu.region"() ({
      %run_scoped3A = tpu.sem_alloc : memref<!tpu.dma_semaphore, #tpu.memory_space<semaphore_mem>>
      %dma_start3A = arith.constant 0 : i32
      %dma_start3A_19 = tpu.memref_slice %arg3[%mul3A_12, %dma_start3A] : memref<1024x896xf32, #tpu.memory_space<hbm>> -> memref<32x896xf32, #tpu.memory_space<hbm>>
      %dma_start3A_20 = arith.constant 0 : i32
      %dma_start3A_21 = tpu.memref_slice %arg3[%mul3A_12, %dma_start3A_20] : memref<1024x896xf32, #tpu.memory_space<hbm>> -> memref<32x896xf32, #tpu.memory_space<hbm>>
      tpu.enqueue_dma source(%dma_start3A_21 : memref<32x896xf32, #tpu.memory_space<hbm>>) target(%arg6 : memref<32x896xf32, #tpu.memory_space<vmem>>) target_semaphore(%run_scoped3A : memref<!tpu.dma_semaphore, #tpu.memory_space<semaphore_mem>>)
      %dma_wait3A = arith.constant 0 : i32
      %dma_wait3A_22 = tpu.memref_slice %arg3[%mul3A_12, %dma_wait3A] : memref<1024x896xf32, #tpu.memory_space<hbm>> -> memref<32x896xf32, #tpu.memory_space<hbm>>
      %dma_wait3A_23 = arith.constant 0 : i32
      %dma_wait3A_24 = tpu.memref_slice %arg3[%mul3A_12, %dma_wait3A_23] : memref<1024x896xf32, #tpu.memory_space<hbm>> -> memref<32x896xf32, #tpu.memory_space<hbm>>
      tpu.wait_dma2 semaphore(%run_scoped3A : memref<!tpu.dma_semaphore, #tpu.memory_space<semaphore_mem>>) src(%dma_wait3A_24 : memref<32x896xf32, #tpu.memory_space<hbm>>) dst(%arg6 : memref<32x896xf32, #tpu.memory_space<vmem>>)
      tpu.yield
    }) : () -> ()
    %scan3A_13 = arith.constant 0 : i32
    %scan3A_14 = arith.constant 0 : i32
    %scan3A_15 = arith.constant 32 : i32
    %scan3A_16 = arith.addi %scan3A_14, %scan3A_15 : i32
    %scan3A_17 = arith.constant 1 : i32
    scf.for %scan3A_19 = %scan3A_14 to %scan3A_16 step %scan3A_17  : i32 {
      %mul3A_20 = arith.constant 32 : i32
      %mul3A_21 = arith.muli %add3A, %mul3A_20 : i32
      %add3A_22 = arith.addi %mul3A_21, %scan3A_19 : i32
      %scan3A_23 = arith.constant 0 : i32
      %scan3A_24 = arith.constant 0 : i32
      %scan3A_25 = arith.constant 64 : i32
      %scan3A_26 = arith.addi %scan3A_24, %scan3A_25 : i32
      %scan3A_27 = arith.constant 1 : i32
      scf.for %scan3A_303 = %scan3A_24 to %scan3A_26 step %scan3A_27  : i32 {
        %mul3A_304 = arith.constant 16 : i32
        %mul3A_305 = arith.muli %scan3A_303, %mul3A_304 : i32
        %swap3A_306 = arith.index_cast %mul3A_305 : i32 to index
        %swap3A_307 = tpu.vector_load %arg9[%swap3A_306] {strides = array<i32>} : memref<1024xf32, #tpu.memory_space<vmem>>, vector<16xf32>,
        tpu.vector_store %arg9[%swap3A_306], %broadcast_in_dim3A_1 {strides = array<i32>} : memref<1024xf32, #tpu.memory_space<vmem>>, vector<16xf32>,
        %mul3A_308 = arith.constant 16 : i32
        %mul3A_309 = arith.muli %scan3A_303, %mul3A_308 : i32
        %swap3A_310 = arith.index_cast %mul3A_309 : i32 to index
        %swap3A_311 = tpu.vector_load %arg10[%swap3A_310] {strides = array<i32>} : memref<1024xi32, #tpu.memory_space<vmem>>, vector<16xi32>,
        tpu.vector_store %arg10[%swap3A_310], %broadcast_in_dim3A_5 {strides = array<i32>} : memref<1024xi32, #tpu.memory_space<vmem>>, vector<16xi32>,
      }
      %scan3A_28 = arith.constant 64 : i32
      %scan3A_29 = arith.constant 0 : i32
      %scan3A_30 = arith.constant 49 : i32
      %scan3A_31 = arith.addi %scan3A_29, %scan3A_30 : i32
      %scan3A_32 = arith.constant 1 : i32
      %scan3A_33:2 = scf.for %scan3A_303 = %scan3A_29 to %scan3A_31 step %scan3A_32 iter_args(%scan3A_304 = %broadcast_in_dim3A_1, %scan3A_305 = %broadcast_in_dim3A_3) -> (vector<16xf32>, vector<16xf32>)  : i32 {
        %mul3A_306 = arith.constant 16 : i32
        %mul3A_307 = arith.muli %scan3A_303, %mul3A_306 : i32
        %get3A_308 = arith.index_cast %scan3A_19 : i32 to index
        %get3A_309 = arith.index_cast %mul3A_307 : i32 to index
        %get3A_310 = tpu.vector_load %arg6[%get3A_308, %get3A_309] {strides = array<i32>} : memref<32x896xf32, #tpu.memory_space<vmem>>, vector<16xf32>,
        %max3A = arith.maximumf %scan3A_304, %get3A_310 : vector<16xf32>
        %eq3A_311 = arith.constant 0xFF800000 : f32
        %eq3A_312 = vector.broadcast %eq3A_311 : f32 to vector<16xf32>
        %eq3A_313 = arith.cmpf oeq, %get3A_310, %eq3A_312 : vector<16xf32>
        %select_n3A_314 = arith.select %eq3A_313, %broadcast_in_dim3A_3, %get3A_310 : vector<16xi1>, vector<16xf32>
        %min3A = arith.minimumf %scan3A_305, %select_n3A_314 : vector<16xf32>
        scf.yield %max3A, %min3A : vector<16xf32>, vector<16xf32>
      }
      %scan3A_34 = arith.constant 49 : i32
      %reduce_max3A = arith.constant true
      %reduce_max3A_35 = vector.broadcast %reduce_max3A : i1 to vector<16xi1>
      %reduce_max3A_36 = tpu.scan <max>, %scan3A_33#0 masked %reduce_max3A_35 : vector<16xf32>, vector<16xi1> -> vector<16xf32>
      %reduce_max3A_37 = vector.extract %reduce_max3A_36[15] : f32 from vector<16xf32>
      %reduce_min3A = arith.constant true
      %reduce_min3A_38 = vector.broadcast %reduce_min3A : i1 to vector<16xi1>
      %reduce_min3A_39 = tpu.scan <min>, %scan3A_33#1 masked %reduce_min3A_38 : vector<16xf32>, vector<16xi1> -> vector<16xf32>
      %reduce_min3A_40 = vector.extract %reduce_min3A_39[15] : f32 from vector<16xf32>
      %while3A = arith.constant 784 : i32
      %while3A_41 = arith.constant 0 : i32
      %while3A_42:4 = scf.while (%while3A_303 = %reduce_min3A_40, %while3A_304 = %reduce_max3A_37, %while3A_305 = %while3A, %while3A_306 = %while3A_41) : (f32, f32, i32, i32) -> (f32, f32, i32, i32) {
        %gt3A = arith.constant 96 : i32
        %gt3A_307 = arith.cmpi sgt, %while3A_305, %gt3A : i32
        %lt3A = arith.constant 26 : i32
        %lt3A_308 = arith.cmpi slt, %while3A_306, %lt3A : i32
        %and3A_309 = arith.andi %gt3A_307, %lt3A_308 : i1
        scf.condition(%and3A_309) %while3A_303, %while3A_304, %while3A_305, %while3A_306 : f32, f32, i32, i32
      } do {
      ^bb0(%while3A_303: f32, %while3A_304: f32, %while3A_305: i32, %while3A_306: i32):
        %add3A_307 = arith.addf %while3A_303, %while3A_304 : f32
        %mul3A_308 = arith.constant 5.000000e-01 : f32
        %mul3A_309 = arith.mulf %mul3A_308, %add3A_307 : f32
        %broadcast_in_dim3A_310 = arith.constant 0.000000e+00 : f32
        %broadcast_in_dim3A_311 = vector.broadcast %broadcast_in_dim3A_310 : f32 to vector<16xf32>
        %add3A_312 = vector.broadcast %mul3A_309 : f32 to vector<16xf32>
        %add3A_313 = arith.addf %broadcast_in_dim3A_311, %add3A_312 : vector<16xf32>
        %broadcast_in_dim3A_314 = arith.constant 0 : i32
        %broadcast_in_dim3A_315 = vector.broadcast %broadcast_in_dim3A_314 : i32 to vector<16xi32>
        %scan3A_316 = arith.constant 0 : i32
        %scan3A_317 = arith.constant 49 : i32
        %scan3A_318 = arith.addi %scan3A_316, %scan3A_317 : i32
        %scan3A_319 = arith.constant 1 : i32
        %scan3A_320 = scf.for %scan3A_331 = %scan3A_316 to %scan3A_318 step %scan3A_319 iter_args(%scan3A_332 = %broadcast_in_dim3A_315) -> (vector<16xi32>)  : i32 {
          %mul3A_333 = arith.constant 16 : i32
          %mul3A_334 = arith.muli %scan3A_331, %mul3A_333 : i32
          %get3A_335 = arith.index_cast %scan3A_19 : i32 to index
          %get3A_336 = arith.index_cast %mul3A_334 : i32 to index
          %get3A_337 = tpu.vector_load %arg6[%get3A_335, %get3A_336] {strides = array<i32>} : memref<32x896xf32, #tpu.memory_space<vmem>>, vector<16xf32>,
          %ge3A_338 = arith.cmpf oge, %get3A_337, %add3A_313 : vector<16xf32>
          %convert_element_type3A = arith.extui %ge3A_338 : vector<16xi1> to vector<16xi32>
          %add3A_339 = arith.addi %scan3A_332, %convert_element_type3A : vector<16xi32>
          scf.yield %add3A_339 : vector<16xi32>
        }
        %scan3A_321 = arith.constant 49 : i32
        %reduce_sum3A = arith.constant true
        %reduce_sum3A_322 = vector.broadcast %reduce_sum3A : i1 to vector<16xi1>
        %reduce_sum3A_323 = tpu.scan <sum>, %scan3A_320 masked %reduce_sum3A_322 : vector<16xi32>, vector<16xi1> -> vector<16xi32>
        %reduce_sum3A_324 = vector.extract %reduce_sum3A_323[15] : i32 from vector<16xi32>
        %ge3A = arith.constant 64 : i32
        %ge3A_325 = arith.cmpi sge, %reduce_sum3A_324, %ge3A : i32
        %select_n3A_326 = arith.select %ge3A_325, %mul3A_309, %while3A_303 : f32
        %select_n3A_327 = arith.select %ge3A_325, %while3A_304, %mul3A_309 : f32
        %select_n3A_328 = arith.select %ge3A_325, %reduce_sum3A_324, %while3A_305 : i32
        %add3A_329 = arith.constant 1 : i32
        %add3A_330 = arith.addi %while3A_306, %add3A_329 : i32
        scf.yield %select_n3A_326, %select_n3A_327, %select_n3A_328, %add3A_330 : f32, f32, i32, i32
      }
      %broadcast_in_dim3A_43 = arith.constant 0.000000e+00 : f32
      %broadcast_in_dim3A_44 = vector.broadcast %broadcast_in_dim3A_43 : f32 to vector<16xf32>
      %add3A_45 = vector.broadcast %while3A_42#0 : f32 to vector<16xf32>
      %add3A_46 = arith.addf %broadcast_in_dim3A_44, %add3A_45 : vector<16xf32>
      %scan3A_47 = arith.constant 0 : i32
      %scan3A_48 = arith.constant 0 : i32
      %scan3A_49 = arith.constant 49 : i32
      %scan3A_50 = arith.addi %scan3A_48, %scan3A_49 : i32
      %scan3A_51 = arith.constant 1 : i32
      %scan3A_52 = scf.for %scan3A_303 = %scan3A_48 to %scan3A_50 step %scan3A_51 iter_args(%scan3A_304 = %scan3A_47) -> (i32)  : i32 {
        %mul3A_305 = arith.constant 16 : i32
        %mul3A_306 = arith.muli %scan3A_303, %mul3A_305 : i32
        %get3A_307 = arith.index_cast %scan3A_19 : i32 to index
        %get3A_308 = arith.index_cast %mul3A_306 : i32 to index
        %get3A_309 = tpu.vector_load %arg6[%get3A_307, %get3A_308] {strides = array<i32>} : memref<32x896xf32, #tpu.memory_space<vmem>>, vector<16xf32>,
        %ge3A = arith.cmpf oge, %get3A_309, %add3A_46 : vector<16xf32>
        %lt3A = arith.constant 176 : i32
        %lt3A_310 = arith.cmpi slt, %scan3A_304, %lt3A : i32
        %and3A_311 = vector.broadcast %lt3A_310 : i1 to vector<16xi1>
        %and3A_312 = arith.andi %ge3A, %and3A_311 : vector<16xi1>
        %mul3A_313 = arith.constant 16 : i32
        %mul3A_314 = arith.muli %scan3A_303, %mul3A_313 : i32
        %add3A_315 = vector.broadcast %mul3A_314 : i32 to vector<16xi32>
        %add3A_316 = arith.addi %add3A_315, %iota3A : vector<16xi32>
        %mul3A_317 = arith.constant 1024 : i32
        %mul3A_318 = vector.broadcast %mul3A_317 : i32 to vector<16xi32>
        %mul3A_319 = arith.muli %add3A_316, %mul3A_318 : vector<16xi32>
        %add3A_320 = vector.broadcast %add3A_22 : i32 to vector<16xi32>
        %add3A_321 = arith.addi %mul3A_319, %add3A_320 : vector<16xi32>
        %swap3A_322 = arith.index_cast %scan3A_304 : i32 to index
        %swap3A_323 = tpu.vector_load %arg7[%swap3A_322] masked %and3A_312 {strides = array<i32>} : memref<192xi32, #tpu.memory_space<vmem>>, vector<16xi32>, vector<16xi1>
        tpu.vector_store %arg7[%swap3A_322], %add3A_321 masked %and3A_312 {strides = array<i32>} : memref<192xi32, #tpu.memory_space<vmem>>, vector<16xi32>, vector<16xi1>
        %convert_element_type3A = arith.extui %and3A_312 : vector<16xi1> to vector<16xi32>
        %reduce_sum3A = arith.constant true
        %reduce_sum3A_324 = vector.broadcast %reduce_sum3A : i1 to vector<16xi1>
        %reduce_sum3A_325 = tpu.scan <sum>, %convert_element_type3A masked %reduce_sum3A_324 : vector<16xi32>, vector<16xi1> -> vector<16xi32>
        %reduce_sum3A_326 = vector.extract %reduce_sum3A_325[15] : i32 from vector<16xi32>
        %add3A_327 = arith.addi %scan3A_304, %reduce_sum3A_326 : i32
        scf.yield %add3A_327 : i32
      }
      %scan3A_53 = arith.constant 49 : i32
      %dma_start3A = arith.constant 0 : i32
      %dma_start3A_54 = arith.constant 0 : i32
      %dma_start3A_55 = tpu.memref_slice %arg2[%dma_start3A, %dma_start3A_54] : memref<802816x128xf32, #tpu.memory_space<hbm>> -> memref<802816x128xf32, #tpu.memory_space<hbm>>
      tpu.enqueue_indirect_dma source(%dma_start3A_55 : memref<802816x128xf32, #tpu.memory_space<hbm>>) target(%arg8 : memref<192x128xf32, #tpu.memory_space<vmem>>) offsets(%arg7 : memref<192xi32, #tpu.memory_space<vmem>>) semaphore(%arg13 : memref<!tpu.dma_semaphore, #tpu.memory_space<semaphore_mem>>)
      %dma_wait3A = arith.constant 0 : i32
      %dma_wait3A_56 = arith.constant 0 : i32
      %dma_wait3A_57 = tpu.memref_slice %arg2[%dma_wait3A, %dma_wait3A_56] : memref<802816x128xf32, #tpu.memory_space<hbm>> -> memref<802816x128xf32, #tpu.memory_space<hbm>>
      tpu.wait_indirect_dma semaphore(%arg13 : memref<!tpu.dma_semaphore, #tpu.memory_space<semaphore_mem>>) src(%dma_wait3A_57 : memref<802816x128xf32, #tpu.memory_space<hbm>>) dst(%arg8 : memref<192x128xf32, #tpu.memory_space<vmem>>)
      %eq3A = arith.cmpf oeq, %while3A_42#0, %reduce_min3A_40 : f32
      %jit3A = arith.constant 0xFF800000 : f32
      %select_n3A = arith.select %eq3A, %jit3A, %while3A_42#0 : f32
      %while3A_58 = arith.constant 0 : i32
      %while3A_59 = arith.constant 0 : i32
      %while3A_60 = arith.subi %scan3A_52, %while3A_58 : i32
      %while3A_61 = arith.addi %while3A_58, %while3A_60 : i32
      %while3A_62 = arith.constant 1 : i32
      %while3A_63 = arith.divsi %while3A_60, %while3A_62 : i32
      %while3A_64 = arith.muli %while3A_63, %while3A_62 : i32
      %while3A_65 = arith.addi %while3A_58, %while3A_64 : i32
      %while3A_66 = arith.constant 1 : i32
      %while3A_67:2 = scf.for %while3A_303 = %while3A_58 to %while3A_65 step %while3A_66 iter_args(%while3A_304 = %select_n3A, %while3A_305 = %while3A_59) -> (f32, i32)  : i32 {
        %broadcast_in_dim3A_306 = arith.constant 0.000000e+00 : f32
        %broadcast_in_dim3A_307 = vector.broadcast %broadcast_in_dim3A_306 : f32 to vector<16xf32>
        %add3A_308 = vector.broadcast %while3A_304 : f32 to vector<16xf32>
        %add3A_309 = arith.addf %broadcast_in_dim3A_307, %add3A_308 : vector<16xf32>
        %get3A_310 = arith.index_cast %while3A_303 : i32 to index
        %get3A_311 = arith.constant 0 : index
        %get3A_312 = tpu.vector_load %arg8[%get3A_310, %get3A_311] {strides = array<i32>} : memref<192x128xf32, #tpu.memory_space<vmem>>, vector<16xf32>,
        %gt3A = arith.cmpf ogt, %get3A_312, %add3A_309 : vector<16xf32>
        %mul3A_313 = arith.constant 128 : i32
        %mul3A_314 = arith.muli %while3A_303, %mul3A_313 : i32
        %add3A_315 = arith.constant 0 : i32
        %add3A_316 = arith.addi %mul3A_314, %add3A_315 : i32
        %add3A_317 = vector.broadcast %add3A_316 : i32 to vector<16xi32>
        %add3A_318 = arith.addi %add3A_317, %iota3A : vector<16xi32>
        %swap3A_319 = arith.index_cast %while3A_305 : i32 to index
        %swap3A_320 = tpu.vector_load %arg9[%swap3A_319] masked %gt3A {strides = array<i32>} : memref<1024xf32, #tpu.memory_space<vmem>>, vector<16xf32>, vector<16xi1>
        tpu.vector_store %arg9[%swap3A_319], %get3A_312 masked %gt3A {strides = array<i32>} : memref<1024xf32, #tpu.memory_space<vmem>>, vector<16xf32>, vector<16xi1>
        %swap3A_321 = arith.index_cast %while3A_305 : i32 to index
        %swap3A_322 = tpu.vector_load %arg10[%swap3A_321] masked %gt3A {strides = array<i32>} : memref<1024xi32, #tpu.memory_space<vmem>>, vector<16xi32>, vector<16xi1>
        tpu.vector_store %arg10[%swap3A_321], %add3A_318 masked %gt3A {strides = array<i32>} : memref<1024xi32, #tpu.memory_space<vmem>>, vector<16xi32>, vector<16xi1>
        %convert_element_type3A = arith.extui %gt3A : vector<16xi1> to vector<16xi32>
        %reduce_sum3A = arith.constant true
        %reduce_sum3A_323 = vector.broadcast %reduce_sum3A : i1 to vector<16xi1>
        %reduce_sum3A_324 = tpu.scan <sum>, %convert_element_type3A masked %reduce_sum3A_323 : vector<16xi32>, vector<16xi1> -> vector<16xi32>
        %reduce_sum3A_325 = vector.extract %reduce_sum3A_324[15] : i32 from vector<16xi32>
        %add3A_326 = arith.addi %while3A_305, %reduce_sum3A_325 : i32
        %get3A_327 = arith.index_cast %while3A_303 : i32 to index
        %get3A_328 = arith.constant 16 : index
        %get3A_329 = tpu.vector_load %arg8[%get3A_327, %get3A_328] {strides = array<i32>} : memref<192x128xf32, #tpu.memory_space<vmem>>, vector<16xf32>,
        %gt3A_330 = arith.cmpf ogt, %get3A_329, %add3A_309 : vector<16xf32>
        %mul3A_331 = arith.constant 128 : i32
        %mul3A_332 = arith.muli %while3A_303, %mul3A_331 : i32
        %add3A_333 = arith.constant 16 : i32
        %add3A_334 = arith.addi %mul3A_332, %add3A_333 : i32
        %add3A_335 = vector.broadcast %add3A_334 : i32 to vector<16xi32>
        %add3A_336 = arith.addi %add3A_335, %iota3A : vector<16xi32>
        %swap3A_337 = arith.index_cast %add3A_326 : i32 to index
        %swap3A_338 = tpu.vector_load %arg9[%swap3A_337] masked %gt3A_330 {strides = array<i32>} : memref<1024xf32, #tpu.memory_space<vmem>>, vector<16xf32>, vector<16xi1>
        tpu.vector_store %arg9[%swap3A_337], %get3A_329 masked %gt3A_330 {strides = array<i32>} : memref<1024xf32, #tpu.memory_space<vmem>>, vector<16xf32>, vector<16xi1>
        %swap3A_339 = arith.index_cast %add3A_326 : i32 to index
        %swap3A_340 = tpu.vector_load %arg10[%swap3A_339] masked %gt3A_330 {strides = array<i32>} : memref<1024xi32, #tpu.memory_space<vmem>>, vector<16xi32>, vector<16xi1>
        tpu.vector_store %arg10[%swap3A_339], %add3A_336 masked %gt3A_330 {strides = array<i32>} : memref<1024xi32, #tpu.memory_space<vmem>>, vector<16xi32>, vector<16xi1>
        %convert_element_type3A_341 = arith.extui %gt3A_330 : vector<16xi1> to vector<16xi32>
        %reduce_sum3A_342 = arith.constant true
        %reduce_sum3A_343 = vector.broadcast %reduce_sum3A_342 : i1 to vector<16xi1>
        %reduce_sum3A_344 = tpu.scan <sum>, %convert_element_type3A_341 masked %reduce_sum3A_343 : vector<16xi32>, vector<16xi1> -> vector<16xi32>
        %reduce_sum3A_345 = vector.extract %reduce_sum3A_344[15] : i32 from vector<16xi32>
        %add3A_346 = arith.addi %add3A_326, %reduce_sum3A_345 : i32
        %get3A_347 = arith.index_cast %while3A_303 : i32 to index
        %get3A_348 = arith.constant 32 : index
        %get3A_349 = tpu.vector_load %arg8[%get3A_347, %get3A_348] {strides = array<i32>} : memref<192x128xf32, #tpu.memory_space<vmem>>, vector<16xf32>,
        %gt3A_350 = arith.cmpf ogt, %get3A_349, %add3A_309 : vector<16xf32>
        %mul3A_351 = arith.constant 128 : i32
        %mul3A_352 = arith.muli %while3A_303, %mul3A_351 : i32
        %add3A_353 = arith.constant 32 : i32
        %add3A_354 = arith.addi %mul3A_352, %add3A_353 : i32
        %add3A_355 = vector.broadcast %add3A_354 : i32 to vector<16xi32>
        %add3A_356 = arith.addi %add3A_355, %iota3A : vector<16xi32>
        %swap3A_357 = arith.index_cast %add3A_346 : i32 to index
        %swap3A_358 = tpu.vector_load %arg9[%swap3A_357] masked %gt3A_350 {strides = array<i32>} : memref<1024xf32, #tpu.memory_space<vmem>>, vector<16xf32>, vector<16xi1>
        tpu.vector_store %arg9[%swap3A_357], %get3A_349 masked %gt3A_350 {strides = array<i32>} : memref<1024xf32, #tpu.memory_space<vmem>>, vector<16xf32>, vector<16xi1>
        %swap3A_359 = arith.index_cast %add3A_346 : i32 to index
        %swap3A_360 = tpu.vector_load %arg10[%swap3A_359] masked %gt3A_350 {strides = array<i32>} : memref<1024xi32, #tpu.memory_space<vmem>>, vector<16xi32>, vector<16xi1>
        tpu.vector_store %arg10[%swap3A_359], %add3A_356 masked %gt3A_350 {strides = array<i32>} : memref<1024xi32, #tpu.memory_space<vmem>>, vector<16xi32>, vector<16xi1>
        %convert_element_type3A_361 = arith.extui %gt3A_350 : vector<16xi1> to vector<16xi32>
        %reduce_sum3A_362 = arith.constant true
        %reduce_sum3A_363 = vector.broadcast %reduce_sum3A_362 : i1 to vector<16xi1>
        %reduce_sum3A_364 = tpu.scan <sum>, %convert_element_type3A_361 masked %reduce_sum3A_363 : vector<16xi32>, vector<16xi1> -> vector<16xi32>
        %reduce_sum3A_365 = vector.extract %reduce_sum3A_364[15] : i32 from vector<16xi32>
        %add3A_366 = arith.addi %add3A_346, %reduce_sum3A_365 : i32
        %get3A_367 = arith.index_cast %while3A_303 : i32 to index
        %get3A_368 = arith.constant 48 : index
        %get3A_369 = tpu.vector_load %arg8[%get3A_367, %get3A_368] {strides = array<i32>} : memref<192x128xf32, #tpu.memory_space<vmem>>, vector<16xf32>,
        %gt3A_370 = arith.cmpf ogt, %get3A_369, %add3A_309 : vector<16xf32>
        %mul3A_371 = arith.constant 128 : i32
        %mul3A_372 = arith.muli %while3A_303, %mul3A_371 : i32
        %add3A_373 = arith.constant 48 : i32
        %add3A_374 = arith.addi %mul3A_372, %add3A_373 : i32
        %add3A_375 = vector.broadcast %add3A_374 : i32 to vector<16xi32>
        %add3A_376 = arith.addi %add3A_375, %iota3A : vector<16xi32>
        %swap3A_377 = arith.index_cast %add3A_366 : i32 to index
        %swap3A_378 = tpu.vector_load %arg9[%swap3A_377] masked %gt3A_370 {strides = array<i32>} : memref<1024xf32, #tpu.memory_space<vmem>>, vector<16xf32>, vector<16xi1>
        tpu.vector_store %arg9[%swap3A_377], %get3A_369 masked %gt3A_370 {strides = array<i32>} : memref<1024xf32, #tpu.memory_space<vmem>>, vector<16xf32>, vector<16xi1>
        %swap3A_379 = arith.index_cast %add3A_366 : i32 to index
        %swap3A_380 = tpu.vector_load %arg10[%swap3A_379] masked %gt3A_370 {strides = array<i32>} : memref<1024xi32, #tpu.memory_space<vmem>>, vector<16xi32>, vector<16xi1>
        tpu.vector_store %arg10[%swap3A_379], %add3A_376 masked %gt3A_370 {strides = array<i32>} : memref<1024xi32, #tpu.memory_space<vmem>>, vector<16xi32>, vector<16xi1>
        %convert_element_type3A_381 = arith.extui %gt3A_370 : vector<16xi1> to vector<16xi32>
        %reduce_sum3A_382 = arith.constant true
        %reduce_sum3A_383 = vector.broadcast %reduce_sum3A_382 : i1 to vector<16xi1>
        %reduce_sum3A_384 = tpu.scan <sum>, %convert_element_type3A_381 masked %reduce_sum3A_383 : vector<16xi32>, vector<16xi1> -> vector<16xi32>
        %reduce_sum3A_385 = vector.extract %reduce_sum3A_384[15] : i32 from vector<16xi32>
        %add3A_386 = arith.addi %add3A_366, %reduce_sum3A_385 : i32
        %get3A_387 = arith.index_cast %while3A_303 : i32 to index
        %get3A_388 = arith.constant 64 : index
        %get3A_389 = tpu.vector_load %arg8[%get3A_387, %get3A_388] {strides = array<i32>} : memref<192x128xf32, #tpu.memory_space<vmem>>, vector<16xf32>,
        %gt3A_390 = arith.cmpf ogt, %get3A_389, %add3A_309 : vector<16xf32>
        %mul3A_391 = arith.constant 128 : i32
        %mul3A_392 = arith.muli %while3A_303, %mul3A_391 : i32
        %add3A_393 = arith.constant 64 : i32
        %add3A_394 = arith.addi %mul3A_392, %add3A_393 : i32
        %add3A_395 = vector.broadcast %add3A_394 : i32 to vector<16xi32>
        %add3A_396 = arith.addi %add3A_395, %iota3A : vector<16xi32>
        %swap3A_397 = arith.index_cast %add3A_386 : i32 to index
        %swap3A_398 = tpu.vector_load %arg9[%swap3A_397] masked %gt3A_390 {strides = array<i32>} : memref<1024xf32, #tpu.memory_space<vmem>>, vector<16xf32>, vector<16xi1>
        tpu.vector_store %arg9[%swap3A_397], %get3A_389 masked %gt3A_390 {strides = array<i32>} : memref<1024xf32, #tpu.memory_space<vmem>>, vector<16xf32>, vector<16xi1>
        %swap3A_399 = arith.index_cast %add3A_386 : i32 to index
        %swap3A_400 = tpu.vector_load %arg10[%swap3A_399] masked %gt3A_390 {strides = array<i32>} : memref<1024xi32, #tpu.memory_space<vmem>>, vector<16xi32>, vector<16xi1>
        tpu.vector_store %arg10[%swap3A_399], %add3A_396 masked %gt3A_390 {strides = array<i32>} : memref<1024xi32, #tpu.memory_space<vmem>>, vector<16xi32>, vector<16xi1>
        %convert_element_type3A_401 = arith.extui %gt3A_390 : vector<16xi1> to vector<16xi32>
        %reduce_sum3A_402 = arith.constant true
        %reduce_sum3A_403 = vector.broadcast %reduce_sum3A_402 : i1 to vector<16xi1>
        %reduce_sum3A_404 = tpu.scan <sum>, %convert_element_type3A_401 masked %reduce_sum3A_403 : vector<16xi32>, vector<16xi1> -> vector<16xi32>
        %reduce_sum3A_405 = vector.extract %reduce_sum3A_404[15] : i32 from vector<16xi32>
        %add3A_406 = arith.addi %add3A_386, %reduce_sum3A_405 : i32
        %get3A_407 = arith.index_cast %while3A_303 : i32 to index
        %get3A_408 = arith.constant 80 : index
        %get3A_409 = tpu.vector_load %arg8[%get3A_407, %get3A_408] {strides = array<i32>} : memref<192x128xf32, #tpu.memory_space<vmem>>, vector<16xf32>,
        %gt3A_410 = arith.cmpf ogt, %get3A_409, %add3A_309 : vector<16xf32>
        %mul3A_411 = arith.constant 128 : i32
        %mul3A_412 = arith.muli %while3A_303, %mul3A_411 : i32
        %add3A_413 = arith.constant 80 : i32
        %add3A_414 = arith.addi %mul3A_412, %add3A_413 : i32
        %add3A_415 = vector.broadcast %add3A_414 : i32 to vector<16xi32>
        %add3A_416 = arith.addi %add3A_415, %iota3A : vector<16xi32>
        %swap3A_417 = arith.index_cast %add3A_406 : i32 to index
        %swap3A_418 = tpu.vector_load %arg9[%swap3A_417] masked %gt3A_410 {strides = array<i32>} : memref<1024xf32, #tpu.memory_space<vmem>>, vector<16xf32>, vector<16xi1>
        tpu.vector_store %arg9[%swap3A_417], %get3A_409 masked %gt3A_410 {strides = array<i32>} : memref<1024xf32, #tpu.memory_space<vmem>>, vector<16xf32>, vector<16xi1>
        %swap3A_419 = arith.index_cast %add3A_406 : i32 to index
        %swap3A_420 = tpu.vector_load %arg10[%swap3A_419] masked %gt3A_410 {strides = array<i32>} : memref<1024xi32, #tpu.memory_space<vmem>>, vector<16xi32>, vector<16xi1>
        tpu.vector_store %arg10[%swap3A_419], %add3A_416 masked %gt3A_410 {strides = array<i32>} : memref<1024xi32, #tpu.memory_space<vmem>>, vector<16xi32>, vector<16xi1>
        %convert_element_type3A_421 = arith.extui %gt3A_410 : vector<16xi1> to vector<16xi32>
        %reduce_sum3A_422 = arith.constant true
        %reduce_sum3A_423 = vector.broadcast %reduce_sum3A_422 : i1 to vector<16xi1>
        %reduce_sum3A_424 = tpu.scan <sum>, %convert_element_type3A_421 masked %reduce_sum3A_423 : vector<16xi32>, vector<16xi1> -> vector<16xi32>
        %reduce_sum3A_425 = vector.extract %reduce_sum3A_424[15] : i32 from vector<16xi32>
        %add3A_426 = arith.addi %add3A_406, %reduce_sum3A_425 : i32
        %get3A_427 = arith.index_cast %while3A_303 : i32 to index
        %get3A_428 = arith.constant 96 : index
        %get3A_429 = tpu.vector_load %arg8[%get3A_427, %get3A_428] {strides = array<i32>} : memref<192x128xf32, #tpu.memory_space<vmem>>, vector<16xf32>,
        %gt3A_430 = arith.cmpf ogt, %get3A_429, %add3A_309 : vector<16xf32>
        %mul3A_431 = arith.constant 128 : i32
        %mul3A_432 = arith.muli %while3A_303, %mul3A_431 : i32
        %add3A_433 = arith.constant 96 : i32
        %add3A_434 = arith.addi %mul3A_432, %add3A_433 : i32
        %add3A_435 = vector.broadcast %add3A_434 : i32 to vector<16xi32>
        %add3A_436 = arith.addi %add3A_435, %iota3A : vector<16xi32>
        %swap3A_437 = arith.index_cast %add3A_426 : i32 to index
        %swap3A_438 = tpu.vector_load %arg9[%swap3A_437] masked %gt3A_430 {strides = array<i32>} : memref<1024xf32, #tpu.memory_space<vmem>>, vector<16xf32>, vector<16xi1>
        tpu.vector_store %arg9[%swap3A_437], %get3A_429 masked %gt3A_430 {strides = array<i32>} : memref<1024xf32, #tpu.memory_space<vmem>>, vector<16xf32>, vector<16xi1>
        %swap3A_439 = arith.index_cast %add3A_426 : i32 to index
        %swap3A_440 = tpu.vector_load %arg10[%swap3A_439] masked %gt3A_430 {strides = array<i32>} : memref<1024xi32, #tpu.memory_space<vmem>>, vector<16xi32>, vector<16xi1>
        tpu.vector_store %arg10[%swap3A_439], %add3A_436 masked %gt3A_430 {strides = array<i32>} : memref<1024xi32, #tpu.memory_space<vmem>>, vector<16xi32>, vector<16xi1>
        %convert_element_type3A_441 = arith.extui %gt3A_430 : vector<16xi1> to vector<16xi32>
        %reduce_sum3A_442 = arith.constant true
        %reduce_sum3A_443 = vector.broadcast %reduce_sum3A_442 : i1 to vector<16xi1>
        %reduce_sum3A_444 = tpu.scan <sum>, %convert_element_type3A_441 masked %reduce_sum3A_443 : vector<16xi32>, vector<16xi1> -> vector<16xi32>
        %reduce_sum3A_445 = vector.extract %reduce_sum3A_444[15] : i32 from vector<16xi32>
        %add3A_446 = arith.addi %add3A_426, %reduce_sum3A_445 : i32
        %get3A_447 = arith.index_cast %while3A_303 : i32 to index
        %get3A_448 = arith.constant 112 : index
        %get3A_449 = tpu.vector_load %arg8[%get3A_447, %get3A_448] {strides = array<i32>} : memref<192x128xf32, #tpu.memory_space<vmem>>, vector<16xf32>,
        %gt3A_450 = arith.cmpf ogt, %get3A_449, %add3A_309 : vector<16xf32>
        %mul3A_451 = arith.constant 128 : i32
        %mul3A_452 = arith.muli %while3A_303, %mul3A_451 : i32
        %add3A_453 = arith.constant 112 : i32
        %add3A_454 = arith.addi %mul3A_452, %add3A_453 : i32
        %add3A_455 = vector.broadcast %add3A_454 : i32 to vector<16xi32>
        %add3A_456 = arith.addi %add3A_455, %iota3A : vector<16xi32>
        %swap3A_457 = arith.index_cast %add3A_446 : i32 to index
        %swap3A_458 = tpu.vector_load %arg9[%swap3A_457] masked %gt3A_450 {strides = array<i32>} : memref<1024xf32, #tpu.memory_space<vmem>>, vector<16xf32>, vector<16xi1>
        tpu.vector_store %arg9[%swap3A_457], %get3A_449 masked %gt3A_450 {strides = array<i32>} : memref<1024xf32, #tpu.memory_space<vmem>>, vector<16xf32>, vector<16xi1>
        %swap3A_459 = arith.index_cast %add3A_446 : i32 to index
        %swap3A_460 = tpu.vector_load %arg10[%swap3A_459] masked %gt3A_450 {strides = array<i32>} : memref<1024xi32, #tpu.memory_space<vmem>>, vector<16xi32>, vector<16xi1>
        tpu.vector_store %arg10[%swap3A_459], %add3A_456 masked %gt3A_450 {strides = array<i32>} : memref<1024xi32, #tpu.memory_space<vmem>>, vector<16xi32>, vector<16xi1>
        %convert_element_type3A_461 = arith.extui %gt3A_450 : vector<16xi1> to vector<16xi32>
        %reduce_sum3A_462 = arith.constant true
        %reduce_sum3A_463 = vector.broadcast %reduce_sum3A_462 : i1 to vector<16xi1>
        %reduce_sum3A_464 = tpu.scan <sum>, %convert_element_type3A_461 masked %reduce_sum3A_463 : vector<16xi32>, vector<16xi1> -> vector<16xi32>
        %reduce_sum3A_465 = vector.extract %reduce_sum3A_464[15] : i32 from vector<16xi32>
        %add3A_466 = arith.addi %add3A_446, %reduce_sum3A_465 : i32
        %swap3A_467 = arith.index_cast %add3A_466 : i32 to index
        %swap3A_468 = tpu.vector_load %arg9[%swap3A_467] {strides = array<i32>} : memref<1024xf32, #tpu.memory_space<vmem>>, vector<16xf32>,
        tpu.vector_store %arg9[%swap3A_467], %broadcast_in_dim3A_1 {strides = array<i32>} : memref<1024xf32, #tpu.memory_space<vmem>>, vector<16xf32>,
        %ge3A = arith.constant 768 : i32
        %ge3A_469 = arith.cmpi sge, %add3A_466, %ge3A : i32
        %convert_element_type3A_470 = arith.extui %ge3A_469 : i1 to i32
        %cond3A = arith.constant 0 : i32
        %cond3A_471 = arith.cmpi ne, %convert_element_type3A_470, %cond3A : i32
        %cond3A_472:2 = scf.if %cond3A_471 -> (f32, i32) {
          %broadcast_in_dim3A_473 = arith.constant 0xFF800000 : f32
          %broadcast_in_dim3A_474 = vector.broadcast %broadcast_in_dim3A_473 : f32 to vector<16xf32>
          %broadcast_in_dim3A_475 = arith.constant 0x7F800000 : f32
          %broadcast_in_dim3A_476 = vector.broadcast %broadcast_in_dim3A_475 : f32 to vector<16xf32>
          %add3A_477 = arith.constant 15 : i32
          %add3A_478 = arith.addi %add3A_466, %add3A_477 : i32
          %jit3A_479 = arith.constant 16 : i32
          %div3A_480 = arith.divsi %add3A_478, %jit3A_479 : i32
          %sign3A_481 = arith.constant 0 : i32
          %sign3A_482 = arith.cmpi sgt, %add3A_478, %sign3A_481 : i32
          %sign3A_483 = arith.extui %sign3A_482 : i1 to i32
          %sign3A_484 = arith.constant 0 : i32
          %sign3A_485 = arith.cmpi slt, %add3A_478, %sign3A_484 : i32
          %sign3A_486 = arith.extui %sign3A_485 : i1 to i32
          %sign3A_487 = arith.subi %sign3A_483, %sign3A_486 : i32
          %sign3A_488 = arith.constant 0 : i32
          %sign3A_489 = arith.cmpi sgt, %jit3A_479, %sign3A_488 : i32
          %sign3A_490 = arith.extui %sign3A_489 : i1 to i32
          %sign3A_491 = arith.constant 0 : i32
          %sign3A_492 = arith.cmpi slt, %jit3A_479, %sign3A_491 : i32
          %sign3A_493 = arith.extui %sign3A_492 : i1 to i32
          %sign3A_494 = arith.subi %sign3A_490, %sign3A_493 : i32
          %ne3A_495 = arith.cmpi ne, %sign3A_487, %sign3A_494 : i32
          %rem3A_496 = arith.remsi %add3A_478, %jit3A_479 : i32
          %ne3A_497 = arith.constant 0 : i32
          %ne3A_498 = arith.cmpi ne, %rem3A_496, %ne3A_497 : i32
          %and3A_499 = arith.andi %ne3A_495, %ne3A_498 : i1
          %sub3A_500 = arith.constant 1 : i32
          %sub3A_501 = arith.subi %div3A_480, %sub3A_500 : i32
          %select_n3A_502 = arith.select %and3A_499, %sub3A_501, %div3A_480 : i32
          %while3A_503 = arith.constant 0 : i32
          %while3A_504 = arith.subi %select_n3A_502, %while3A_503 : i32
          %while3A_505 = arith.addi %while3A_503, %while3A_504 : i32
          %while3A_506 = arith.constant 1 : i32
          %while3A_507 = arith.divsi %while3A_504, %while3A_506 : i32
          %while3A_508 = arith.muli %while3A_507, %while3A_506 : i32
          %while3A_509 = arith.addi %while3A_503, %while3A_508 : i32
          %while3A_510 = arith.constant 1 : i32
          %while3A_511:2 = scf.for %while3A_524 = %while3A_503 to %while3A_509 step %while3A_510 iter_args(%while3A_525 = %broadcast_in_dim3A_474, %while3A_526 = %broadcast_in_dim3A_476) -> (vector<16xf32>, vector<16xf32>)  : i32 {
            %mul3A_527 = arith.constant 16 : i32
            %mul3A_528 = arith.muli %while3A_524, %mul3A_527 : i32
            %get3A_529 = arith.index_cast %mul3A_528 : i32 to index
            %get3A_530 = tpu.vector_load %arg9[%get3A_529] {strides = array<i32>} : memref<1024xf32, #tpu.memory_space<vmem>>, vector<16xf32>,
            %max3A_531 = arith.maximumf %while3A_525, %get3A_530 : vector<16xf32>
            %eq3A_532 = arith.constant 0xFF800000 : f32
            %eq3A_533 = vector.broadcast %eq3A_532 : f32 to vector<16xf32>
            %eq3A_534 = arith.cmpf oeq, %get3A_530, %eq3A_533 : vector<16xf32>
            %select_n3A_535 = arith.select %eq3A_534, %broadcast_in_dim3A_476, %get3A_530 : vector<16xi1>, vector<16xf32>
            %min3A = arith.minimumf %while3A_526, %select_n3A_535 : vector<16xf32>
            scf.yield %max3A_531, %min3A : vector<16xf32>, vector<16xf32>
          }
          %while3A_512 = arith.constant 1 : i32
          %while3A_513:2 = scf.for %while3A_524 = %while3A_509 to %while3A_505 step %while3A_512 iter_args(%while3A_525 = %while3A_511#0, %while3A_526 = %while3A_511#1) -> (vector<16xf32>, vector<16xf32>)  : i32 {
            %mul3A_527 = arith.constant 16 : i32
            %mul3A_528 = arith.muli %while3A_524, %mul3A_527 : i32
            %get3A_529 = arith.index_cast %mul3A_528 : i32 to index
            %get3A_530 = tpu.vector_load %arg9[%get3A_529] {strides = array<i32>} : memref<1024xf32, #tpu.memory_space<vmem>>, vector<16xf32>,
            %max3A_531 = arith.maximumf %while3A_525, %get3A_530 : vector<16xf32>
            %eq3A_532 = arith.constant 0xFF800000 : f32
            %eq3A_533 = vector.broadcast %eq3A_532 : f32 to vector<16xf32>
            %eq3A_534 = arith.cmpf oeq, %get3A_530, %eq3A_533 : vector<16xf32>
            %select_n3A_535 = arith.select %eq3A_534, %broadcast_in_dim3A_476, %get3A_530 : vector<16xi1>, vector<16xf32>
            %min3A = arith.minimumf %while3A_526, %select_n3A_535 : vector<16xf32>
            scf.yield %max3A_531, %min3A : vector<16xf32>, vector<16xf32>
          }
          %reduce_max3A_514 = arith.constant true
          %reduce_max3A_515 = vector.broadcast %reduce_max3A_514 : i1 to vector<16xi1>
          %reduce_max3A_516 = tpu.scan <max>, %while3A_513#0 masked %reduce_max3A_515 : vector<16xf32>, vector<16xi1> -> vector<16xf32>
          %reduce_max3A_517 = vector.extract %reduce_max3A_516[15] : f32 from vector<16xf32>
          %reduce_min3A_518 = arith.constant true
          %reduce_min3A_519 = vector.broadcast %reduce_min3A_518 : i1 to vector<16xi1>
          %reduce_min3A_520 = tpu.scan <min>, %while3A_513#1 masked %reduce_min3A_519 : vector<16xf32>, vector<16xi1> -> vector<16xf32>
          %reduce_min3A_521 = vector.extract %reduce_min3A_520[15] : f32 from vector<16xf32>
          %while3A_522 = arith.constant 0 : i32
          %while3A_523:4 = scf.while (%while3A_524 = %reduce_min3A_521, %while3A_525 = %reduce_max3A_517, %while3A_526 = %add3A_466, %while3A_527 = %while3A_522) : (f32, f32, i32, i32) -> (f32, f32, i32, i32) {
            %gt3A_528 = arith.constant 96 : i32
            %gt3A_529 = arith.cmpi sgt, %while3A_526, %gt3A_528 : i32
            %lt3A = arith.constant 40 : i32
            %lt3A_530 = arith.cmpi slt, %while3A_527, %lt3A : i32
            %and3A_531 = arith.andi %gt3A_529, %lt3A_530 : i1
            scf.condition(%and3A_531) %while3A_524, %while3A_525, %while3A_526, %while3A_527 : f32, f32, i32, i32
          } do {
          ^bb0(%while3A_524: f32, %while3A_525: f32, %while3A_526: i32, %while3A_527: i32):
            %add3A_528 = arith.addf %while3A_524, %while3A_525 : f32
            %mul3A_529 = arith.constant 5.000000e-01 : f32
            %mul3A_530 = arith.mulf %mul3A_529, %add3A_528 : f32
            %broadcast_in_dim3A_531 = arith.constant 0.000000e+00 : f32
            %broadcast_in_dim3A_532 = vector.broadcast %broadcast_in_dim3A_531 : f32 to vector<16xf32>
            %add3A_533 = vector.broadcast %mul3A_530 : f32 to vector<16xf32>
            %add3A_534 = arith.addf %broadcast_in_dim3A_532, %add3A_533 : vector<16xf32>
            %add3A_535 = arith.constant 15 : i32
            %add3A_536 = arith.addi %while3A_526, %add3A_535 : i32
            %jit3A_537 = arith.constant 16 : i32
            %div3A_538 = arith.divsi %add3A_536, %jit3A_537 : i32
            %sign3A_539 = arith.constant 0 : i32
            %sign3A_540 = arith.cmpi sgt, %add3A_536, %sign3A_539 : i32
            %sign3A_541 = arith.extui %sign3A_540 : i1 to i32
            %sign3A_542 = arith.constant 0 : i32
            %sign3A_543 = arith.cmpi slt, %add3A_536, %sign3A_542 : i32
            %sign3A_544 = arith.extui %sign3A_543 : i1 to i32
            %sign3A_545 = arith.subi %sign3A_541, %sign3A_544 : i32
            %sign3A_546 = arith.constant 0 : i32
            %sign3A_547 = arith.cmpi sgt, %jit3A_537, %sign3A_546 : i32
            %sign3A_548 = arith.extui %sign3A_547 : i1 to i32
            %sign3A_549 = arith.constant 0 : i32
            %sign3A_550 = arith.cmpi slt, %jit3A_537, %sign3A_549 : i32
            %sign3A_551 = arith.extui %sign3A_550 : i1 to i32
            %sign3A_552 = arith.subi %sign3A_548, %sign3A_551 : i32
            %ne3A_553 = arith.cmpi ne, %sign3A_545, %sign3A_552 : i32
            %rem3A_554 = arith.remsi %add3A_536, %jit3A_537 : i32
            %ne3A_555 = arith.constant 0 : i32
            %ne3A_556 = arith.cmpi ne, %rem3A_554, %ne3A_555 : i32
            %and3A_557 = arith.andi %ne3A_553, %ne3A_556 : i1
            %sub3A_558 = arith.constant 1 : i32
            %sub3A_559 = arith.subi %div3A_538, %sub3A_558 : i32
            %select_n3A_560 = arith.select %and3A_557, %sub3A_559, %div3A_538 : i32
            %broadcast_in_dim3A_561 = arith.constant 0 : i32
            %broadcast_in_dim3A_562 = vector.broadcast %broadcast_in_dim3A_561 : i32 to vector<16xi32>
            %while3A_563 = arith.constant 0 : i32
            %while3A_564 = arith.subi %select_n3A_560, %while3A_563 : i32
            %while3A_565 = arith.addi %while3A_563, %while3A_564 : i32
            %while3A_566 = arith.constant 1 : i32
            %while3A_567 = arith.divsi %while3A_564, %while3A_566 : i32
            %while3A_568 = arith.muli %while3A_567, %while3A_566 : i32
            %while3A_569 = arith.addi %while3A_563, %while3A_568 : i32
            %while3A_570 = arith.constant 1 : i32
            %while3A_571 = scf.for %while3A_593 = %while3A_563 to %while3A_569 step %while3A_570 iter_args(%while3A_594 = %broadcast_in_dim3A_562) -> (vector<16xi32>)  : i32 {
              %mul3A_595 = arith.constant 16 : i32
              %mul3A_596 = arith.muli %while3A_593, %mul3A_595 : i32
              %get3A_597 = arith.index_cast %mul3A_596 : i32 to index
              %get3A_598 = tpu.vector_load %arg9[%get3A_597] {strides = array<i32>} : memref<1024xf32, #tpu.memory_space<vmem>>, vector<16xf32>,
              %ge3A_599 = arith.cmpf oge, %get3A_598, %add3A_534 : vector<16xf32>
              %convert_element_type3A_600 = arith.extui %ge3A_599 : vector<16xi1> to vector<16xi32>
              %add3A_601 = arith.addi %while3A_594, %convert_element_type3A_600 : vector<16xi32>
              scf.yield %add3A_601 : vector<16xi32>
            }
            %while3A_572 = arith.constant 1 : i32
            %while3A_573 = scf.for %while3A_593 = %while3A_569 to %while3A_565 step %while3A_572 iter_args(%while3A_594 = %while3A_571) -> (vector<16xi32>)  : i32 {
              %mul3A_595 = arith.constant 16 : i32
              %mul3A_596 = arith.muli %while3A_593, %mul3A_595 : i32
              %get3A_597 = arith.index_cast %mul3A_596 : i32 to index
              %get3A_598 = tpu.vector_load %arg9[%get3A_597] {strides = array<i32>} : memref<1024xf32, #tpu.memory_space<vmem>>, vector<16xf32>,
              %ge3A_599 = arith.cmpf oge, %get3A_598, %add3A_534 : vector<16xf32>
              %convert_element_type3A_600 = arith.extui %ge3A_599 : vector<16xi1> to vector<16xi32>
              %add3A_601 = arith.addi %while3A_594, %convert_element_type3A_600 : vector<16xi32>
              scf.yield %add3A_601 : vector<16xi32>
            }
            %reduce_sum3A_574 = arith.constant true
            %reduce_sum3A_575 = vector.broadcast %reduce_sum3A_574 : i1 to vector<16xi1>
            %reduce_sum3A_576 = tpu.scan <sum>, %while3A_573 masked %reduce_sum3A_575 : vector<16xi32>, vector<16xi1> -> vector<16xi32>
            %reduce_sum3A_577 = vector.extract %reduce_sum3A_576[15] : i32 from vector<16xi32>
            %ge3A_578 = arith.constant 64 : i32
            %ge3A_579 = arith.cmpi sge, %reduce_sum3A_577, %ge3A_578 : i32
            %convert_element_type3A_580 = arith.extui %ge3A_579 : i1 to i32
            %cond3A_581 = arith.constant 0 : i32
            %cond3A_582 = arith.constant 0 : i32
            %cond3A_583 = arith.cmpi ne, %convert_element_type3A_580, %cond3A_582 : i32
            %cond3A_584 = scf.if %cond3A_583 -> (i32) {
              %add3A_593 = arith.constant 1 : i32
              %add3A_594 = arith.addi %select_n3A_560, %add3A_593 : i32
              %while3A_595 = arith.constant 0 : i32
              %while3A_596 = arith.constant 0 : i32
              %while3A_597 = arith.subi %add3A_594, %while3A_596 : i32
              %while3A_598 = arith.addi %while3A_596, %while3A_597 : i32
              %while3A_599 = arith.constant 1 : i32
              %while3A_600 = arith.divsi %while3A_597, %while3A_599 : i32
              %while3A_601 = arith.muli %while3A_600, %while3A_599 : i32
              %while3A_602 = arith.addi %while3A_596, %while3A_601 : i32
              %while3A_603 = arith.constant 1 : i32
              scf.for %while3A_655 = %while3A_596 to %while3A_602 step %while3A_603  : i32 {
                %mul3A_656 = arith.constant 16 : i32
                %mul3A_657 = arith.muli %while3A_655, %mul3A_656 : i32
                %swap3A_658 = arith.index_cast %mul3A_657 : i32 to index
                %swap3A_659 = tpu.vector_load %arg11[%swap3A_658] {strides = array<i32>} : memref<1024xf32, #tpu.memory_space<vmem>>, vector<16xf32>,
                tpu.vector_store %arg11[%swap3A_658], %broadcast_in_dim3A_474 {strides = array<i32>} : memref<1024xf32, #tpu.memory_space<vmem>>, vector<16xf32>,
                %broadcast_in_dim3A_660 = arith.constant 0 : i32
                %broadcast_in_dim3A_661 = vector.broadcast %broadcast_in_dim3A_660 : i32 to vector<16xi32>
                %mul3A_662 = arith.constant 16 : i32
                %mul3A_663 = arith.muli %while3A_655, %mul3A_662 : i32
                %swap3A_664 = arith.index_cast %mul3A_663 : i32 to index
                %swap3A_665 = tpu.vector_load %arg12[%swap3A_664] {strides = array<i32>} : memref<1024xi32, #tpu.memory_space<vmem>>, vector<16xi32>,
                tpu.vector_store %arg12[%swap3A_664], %broadcast_in_dim3A_661 {strides = array<i32>} : memref<1024xi32, #tpu.memory_space<vmem>>, vector<16xi32>,
              }
              %while3A_604 = arith.constant 1 : i32
              scf.for %while3A_655 = %while3A_602 to %while3A_598 step %while3A_604  : i32 {
                %mul3A_656 = arith.constant 16 : i32
                %mul3A_657 = arith.muli %while3A_655, %mul3A_656 : i32
                %swap3A_658 = arith.index_cast %mul3A_657 : i32 to index
                %swap3A_659 = tpu.vector_load %arg11[%swap3A_658] {strides = array<i32>} : memref<1024xf32, #tpu.memory_space<vmem>>, vector<16xf32>,
                tpu.vector_store %arg11[%swap3A_658], %broadcast_in_dim3A_474 {strides = array<i32>} : memref<1024xf32, #tpu.memory_space<vmem>>, vector<16xf32>,
                %broadcast_in_dim3A_660 = arith.constant 0 : i32
                %broadcast_in_dim3A_661 = vector.broadcast %broadcast_in_dim3A_660 : i32 to vector<16xi32>
                %mul3A_662 = arith.constant 16 : i32
                %mul3A_663 = arith.muli %while3A_655, %mul3A_662 : i32
                %swap3A_664 = arith.index_cast %mul3A_663 : i32 to index
                %swap3A_665 = tpu.vector_load %arg12[%swap3A_664] {strides = array<i32>} : memref<1024xi32, #tpu.memory_space<vmem>>, vector<16xi32>,
                tpu.vector_store %arg12[%swap3A_664], %broadcast_in_dim3A_661 {strides = array<i32>} : memref<1024xi32, #tpu.memory_space<vmem>>, vector<16xi32>,
              }
              %while3A_605 = arith.constant 0 : i32
              %while3A_606 = arith.constant 0 : i32
              %while3A_607 = arith.subi %select_n3A_560, %while3A_605 : i32
              %while3A_608 = arith.addi %while3A_605, %while3A_607 : i32
              %while3A_609 = arith.constant 1 : i32
              %while3A_610 = arith.divsi %while3A_607, %while3A_609 : i32
              %while3A_611 = arith.muli %while3A_610, %while3A_609 : i32
              %while3A_612 = arith.addi %while3A_605, %while3A_611 : i32
              %while3A_613 = arith.constant 1 : i32
              %while3A_614 = scf.for %while3A_655 = %while3A_605 to %while3A_612 step %while3A_613 iter_args(%while3A_656 = %while3A_606) -> (i32)  : i32 {
                %mul3A_657 = arith.constant 16 : i32
                %mul3A_658 = arith.muli %while3A_655, %mul3A_657 : i32
                %get3A_659 = arith.index_cast %mul3A_658 : i32 to index
                %get3A_660 = tpu.vector_load %arg9[%get3A_659] {strides = array<i32>} : memref<1024xf32, #tpu.memory_space<vmem>>, vector<16xf32>,
                %mul3A_661 = arith.constant 16 : i32
                %mul3A_662 = arith.muli %while3A_655, %mul3A_661 : i32
                %get3A_663 = arith.index_cast %mul3A_662 : i32 to index
                %get3A_664 = tpu.vector_load %arg10[%get3A_663] {strides = array<i32>} : memref<1024xi32, #tpu.memory_space<vmem>>, vector<16xi32>,
                %ge3A_665 = arith.cmpf oge, %get3A_660, %add3A_534 : vector<16xf32>
                %swap3A_666 = arith.index_cast %while3A_656 : i32 to index
                %swap3A_667 = tpu.vector_load %arg11[%swap3A_666] masked %ge3A_665 {strides = array<i32>} : memref<1024xf32, #tpu.memory_space<vmem>>, vector<16xf32>, vector<16xi1>
                tpu.vector_store %arg11[%swap3A_666], %get3A_660 masked %ge3A_665 {strides = array<i32>} : memref<1024xf32, #tpu.memory_space<vmem>>, vector<16xf32>, vector<16xi1>
                %swap3A_668 = arith.index_cast %while3A_656 : i32 to index
                %swap3A_669 = tpu.vector_load %arg12[%swap3A_668] masked %ge3A_665 {strides = array<i32>} : memref<1024xi32, #tpu.memory_space<vmem>>, vector<16xi32>, vector<16xi1>
                tpu.vector_store %arg12[%swap3A_668], %get3A_664 masked %ge3A_665 {strides = array<i32>} : memref<1024xi32, #tpu.memory_space<vmem>>, vector<16xi32>, vector<16xi1>
                %convert_element_type3A_670 = arith.extui %ge3A_665 : vector<16xi1> to vector<16xi32>
                %reduce_sum3A_671 = arith.constant true
                %reduce_sum3A_672 = vector.broadcast %reduce_sum3A_671 : i1 to vector<16xi1>
                %reduce_sum3A_673 = tpu.scan <sum>, %convert_element_type3A_670 masked %reduce_sum3A_672 : vector<16xi32>, vector<16xi1> -> vector<16xi32>
                %reduce_sum3A_674 = vector.extract %reduce_sum3A_673[15] : i32 from vector<16xi32>
                %add3A_675 = arith.addi %while3A_656, %reduce_sum3A_674 : i32
                scf.yield %add3A_675 : i32
              }
              %while3A_615 = arith.constant 1 : i32
              %while3A_616 = scf.for %while3A_655 = %while3A_612 to %while3A_608 step %while3A_615 iter_args(%while3A_656 = %while3A_614) -> (i32)  : i32 {
                %mul3A_657 = arith.constant 16 : i32
                %mul3A_658 = arith.muli %while3A_655, %mul3A_657 : i32
                %get3A_659 = arith.index_cast %mul3A_658 : i32 to index
                %get3A_660 = tpu.vector_load %arg9[%get3A_659] {strides = array<i32>} : memref<1024xf32, #tpu.memory_space<vmem>>, vector<16xf32>,
                %mul3A_661 = arith.constant 16 : i32
                %mul3A_662 = arith.muli %while3A_655, %mul3A_661 : i32
                %get3A_663 = arith.index_cast %mul3A_662 : i32 to index
                %get3A_664 = tpu.vector_load %arg10[%get3A_663] {strides = array<i32>} : memref<1024xi32, #tpu.memory_space<vmem>>, vector<16xi32>,
                %ge3A_665 = arith.cmpf oge, %get3A_660, %add3A_534 : vector<16xf32>
                %swap3A_666 = arith.index_cast %while3A_656 : i32 to index
                %swap3A_667 = tpu.vector_load %arg11[%swap3A_666] masked %ge3A_665 {strides = array<i32>} : memref<1024xf32, #tpu.memory_space<vmem>>, vector<16xf32>, vector<16xi1>
                tpu.vector_store %arg11[%swap3A_666], %get3A_660 masked %ge3A_665 {strides = array<i32>} : memref<1024xf32, #tpu.memory_space<vmem>>, vector<16xf32>, vector<16xi1>
                %swap3A_668 = arith.index_cast %while3A_656 : i32 to index
                %swap3A_669 = tpu.vector_load %arg12[%swap3A_668] masked %ge3A_665 {strides = array<i32>} : memref<1024xi32, #tpu.memory_space<vmem>>, vector<16xi32>, vector<16xi1>
                tpu.vector_store %arg12[%swap3A_668], %get3A_664 masked %ge3A_665 {strides = array<i32>} : memref<1024xi32, #tpu.memory_space<vmem>>, vector<16xi32>, vector<16xi1>
                %convert_element_type3A_670 = arith.extui %ge3A_665 : vector<16xi1> to vector<16xi32>
                %reduce_sum3A_671 = arith.constant true
                %reduce_sum3A_672 = vector.broadcast %reduce_sum3A_671 : i1 to vector<16xi1>
                %reduce_sum3A_673 = tpu.scan <sum>, %convert_element_type3A_670 masked %reduce_sum3A_672 : vector<16xi32>, vector<16xi1> -> vector<16xi32>
                %reduce_sum3A_674 = vector.extract %reduce_sum3A_673[15] : i32 from vector<16xi32>
                %add3A_675 = arith.addi %while3A_656, %reduce_sum3A_674 : i32
                scf.yield %add3A_675 : i32
              }
              %add3A_617 = arith.constant 15 : i32
              %add3A_618 = arith.addi %while3A_616, %add3A_617 : i32
              %jit3A_619 = arith.constant 16 : i32
              %div3A_620 = arith.divsi %add3A_618, %jit3A_619 : i32
              %sign3A_621 = arith.constant 0 : i32
              %sign3A_622 = arith.cmpi sgt, %add3A_618, %sign3A_621 : i32
              %sign3A_623 = arith.extui %sign3A_622 : i1 to i32
              %sign3A_624 = arith.constant 0 : i32
              %sign3A_625 = arith.cmpi slt, %add3A_618, %sign3A_624 : i32
              %sign3A_626 = arith.extui %sign3A_625 : i1 to i32
              %sign3A_627 = arith.subi %sign3A_623, %sign3A_626 : i32
              %sign3A_628 = arith.constant 0 : i32
              %sign3A_629 = arith.cmpi sgt, %jit3A_619, %sign3A_628 : i32
              %sign3A_630 = arith.extui %sign3A_629 : i1 to i32
              %sign3A_631 = arith.constant 0 : i32
              %sign3A_632 = arith.cmpi slt, %jit3A_619, %sign3A_631 : i32
              %sign3A_633 = arith.extui %sign3A_632 : i1 to i32
              %sign3A_634 = arith.subi %sign3A_630, %sign3A_633 : i32
              %ne3A_635 = arith.cmpi ne, %sign3A_627, %sign3A_634 : i32
              %rem3A_636 = arith.remsi %add3A_618, %jit3A_619 : i32
              %ne3A_637 = arith.constant 0 : i32
              %ne3A_638 = arith.cmpi ne, %rem3A_636, %ne3A_637 : i32
              %and3A_639 = arith.andi %ne3A_635, %ne3A_638 : i1
              %sub3A_640 = arith.constant 1 : i32
              %sub3A_641 = arith.subi %div3A_620, %sub3A_640 : i32
              %select_n3A_642 = arith.select %and3A_639, %sub3A_641, %div3A_620 : i32
              %add3A_643 = arith.constant 1 : i32
              %add3A_644 = arith.addi %select_n3A_642, %add3A_643 : i32
              %while3A_645 = arith.constant 0 : i32
              %while3A_646 = arith.constant 0 : i32
              %while3A_647 = arith.subi %add3A_644, %while3A_646 : i32
              %while3A_648 = arith.addi %while3A_646, %while3A_647 : i32
              %while3A_649 = arith.constant 1 : i32
              %while3A_650 = arith.divsi %while3A_647, %while3A_649 : i32
              %while3A_651 = arith.muli %while3A_650, %while3A_649 : i32
              %while3A_652 = arith.addi %while3A_646, %while3A_651 : i32
              %while3A_653 = arith.constant 1 : i32
              scf.for %while3A_655 = %while3A_646 to %while3A_652 step %while3A_653  : i32 {
                %mul3A_656 = arith.constant 16 : i32
                %mul3A_657 = arith.muli %while3A_655, %mul3A_656 : i32
                %get3A_658 = arith.index_cast %mul3A_657 : i32 to index
                %get3A_659 = tpu.vector_load %arg11[%get3A_658] {strides = array<i32>} : memref<1024xf32, #tpu.memory_space<vmem>>, vector<16xf32>,
                %mul3A_660 = arith.constant 16 : i32
                %mul3A_661 = arith.muli %while3A_655, %mul3A_660 : i32
                %swap3A_662 = arith.index_cast %mul3A_661 : i32 to index
                %swap3A_663 = tpu.vector_load %arg9[%swap3A_662] {strides = array<i32>} : memref<1024xf32, #tpu.memory_space<vmem>>, vector<16xf32>,
                tpu.vector_store %arg9[%swap3A_662], %get3A_659 {strides = array<i32>} : memref<1024xf32, #tpu.memory_space<vmem>>, vector<16xf32>,
                %mul3A_664 = arith.constant 16 : i32
                %mul3A_665 = arith.muli %while3A_655, %mul3A_664 : i32
                %get3A_666 = arith.index_cast %mul3A_665 : i32 to index
                %get3A_667 = tpu.vector_load %arg12[%get3A_666] {strides = array<i32>} : memref<1024xi32, #tpu.memory_space<vmem>>, vector<16xi32>,
                %mul3A_668 = arith.constant 16 : i32
                %mul3A_669 = arith.muli %while3A_655, %mul3A_668 : i32
                %swap3A_670 = arith.index_cast %mul3A_669 : i32 to index
                %swap3A_671 = tpu.vector_load %arg10[%swap3A_670] {strides = array<i32>} : memref<1024xi32, #tpu.memory_space<vmem>>, vector<16xi32>,
                tpu.vector_store %arg10[%swap3A_670], %get3A_667 {strides = array<i32>} : memref<1024xi32, #tpu.memory_space<vmem>>, vector<16xi32>,
              }
              %while3A_654 = arith.constant 1 : i32
              scf.for %while3A_655 = %while3A_652 to %while3A_648 step %while3A_654  : i32 {
                %mul3A_656 = arith.constant 16 : i32
                %mul3A_657 = arith.muli %while3A_655, %mul3A_656 : i32
                %get3A_658 = arith.index_cast %mul3A_657 : i32 to index
                %get3A_659 = tpu.vector_load %arg11[%get3A_658] {strides = array<i32>} : memref<1024xf32, #tpu.memory_space<vmem>>, vector<16xf32>,
                %mul3A_660 = arith.constant 16 : i32
                %mul3A_661 = arith.muli %while3A_655, %mul3A_660 : i32
                %swap3A_662 = arith.index_cast %mul3A_661 : i32 to index
                %swap3A_663 = tpu.vector_load %arg9[%swap3A_662] {strides = array<i32>} : memref<1024xf32, #tpu.memory_space<vmem>>, vector<16xf32>,
                tpu.vector_store %arg9[%swap3A_662], %get3A_659 {strides = array<i32>} : memref<1024xf32, #tpu.memory_space<vmem>>, vector<16xf32>,
                %mul3A_664 = arith.constant 16 : i32
                %mul3A_665 = arith.muli %while3A_655, %mul3A_664 : i32
                %get3A_666 = arith.index_cast %mul3A_665 : i32 to index
                %get3A_667 = tpu.vector_load %arg12[%get3A_666] {strides = array<i32>} : memref<1024xi32, #tpu.memory_space<vmem>>, vector<16xi32>,
                %mul3A_668 = arith.constant 16 : i32
                %mul3A_669 = arith.muli %while3A_655, %mul3A_668 : i32
                %swap3A_670 = arith.index_cast %mul3A_669 : i32 to index
                %swap3A_671 = tpu.vector_load %arg10[%swap3A_670] {strides = array<i32>} : memref<1024xi32, #tpu.memory_space<vmem>>, vector<16xi32>,
                tpu.vector_store %arg10[%swap3A_670], %get3A_667 {strides = array<i32>} : memref<1024xi32, #tpu.memory_space<vmem>>, vector<16xi32>,
              }
              scf.yield %while3A_616 : i32
            } else {
              scf.yield %while3A_526 : i32
            }
            %ge3A_585 = arith.constant 64 : i32
            %ge3A_586 = arith.cmpi sge, %reduce_sum3A_577, %ge3A_585 : i32
            %select_n3A_587 = arith.select %ge3A_586, %mul3A_530, %while3A_524 : f32
            %ge3A_588 = arith.constant 64 : i32
            %ge3A_589 = arith.cmpi sge, %reduce_sum3A_577, %ge3A_588 : i32
            %select_n3A_590 = arith.select %ge3A_589, %while3A_525, %mul3A_530 : f32
            %add3A_591 = arith.constant 1 : i32
            %add3A_592 = arith.addi %while3A_527, %add3A_591 : i32
            scf.yield %select_n3A_587, %select_n3A_590, %cond3A_584, %add3A_592 : f32, f32, i32, i32
          }
          %max3A = arith.maximumf %while3A_304, %while3A_523#0 : f32
          scf.yield %max3A, %while3A_523#2 : f32, i32
        } else {
          scf.yield %while3A_304, %add3A_466 : f32, i32
        }
        scf.yield %cond3A_472#0, %cond3A_472#1 : f32, i32
      }
      %while3A_68 = arith.constant 1 : i32
      %while3A_69:2 = scf.for %while3A_303 = %while3A_65 to %while3A_61 step %while3A_68 iter_args(%while3A_304 = %while3A_67#0, %while3A_305 = %while3A_67#1) -> (f32, i32)  : i32 {
        %broadcast_in_dim3A_306 = arith.constant 0.000000e+00 : f32
        %broadcast_in_dim3A_307 = vector.broadcast %broadcast_in_dim3A_306 : f32 to vector<16xf32>
        %add3A_308 = vector.broadcast %while3A_304 : f32 to vector<16xf32>
        %add3A_309 = arith.addf %broadcast_in_dim3A_307, %add3A_308 : vector<16xf32>
        %get3A_310 = arith.index_cast %while3A_303 : i32 to index
        %get3A_311 = arith.constant 0 : index
        %get3A_312 = tpu.vector_load %arg8[%get3A_310, %get3A_311] {strides = array<i32>} : memref<192x128xf32, #tpu.memory_space<vmem>>, vector<16xf32>,
        %gt3A = arith.cmpf ogt, %get3A_312, %add3A_309 : vector<16xf32>
        %mul3A_313 = arith.constant 128 : i32
        %mul3A_314 = arith.muli %while3A_303, %mul3A_313 : i32
        %add3A_315 = arith.constant 0 : i32
        %add3A_316 = arith.addi %mul3A_314, %add3A_315 : i32
        %add3A_317 = vector.broadcast %add3A_316 : i32 to vector<16xi32>
        %add3A_318 = arith.addi %add3A_317, %iota3A : vector<16xi32>
        %swap3A_319 = arith.index_cast %while3A_305 : i32 to index
        %swap3A_320 = tpu.vector_load %arg9[%swap3A_319] masked %gt3A {strides = array<i32>} : memref<1024xf32, #tpu.memory_space<vmem>>, vector<16xf32>, vector<16xi1>
        tpu.vector_store %arg9[%swap3A_319], %get3A_312 masked %gt3A {strides = array<i32>} : memref<1024xf32, #tpu.memory_space<vmem>>, vector<16xf32>, vector<16xi1>
        %swap3A_321 = arith.index_cast %while3A_305 : i32 to index
        %swap3A_322 = tpu.vector_load %arg10[%swap3A_321] masked %gt3A {strides = array<i32>} : memref<1024xi32, #tpu.memory_space<vmem>>, vector<16xi32>, vector<16xi1>
        tpu.vector_store %arg10[%swap3A_321], %add3A_318 masked %gt3A {strides = array<i32>} : memref<1024xi32, #tpu.memory_space<vmem>>, vector<16xi32>, vector<16xi1>
        %convert_element_type3A = arith.extui %gt3A : vector<16xi1> to vector<16xi32>
        %reduce_sum3A = arith.constant true
        %reduce_sum3A_323 = vector.broadcast %reduce_sum3A : i1 to vector<16xi1>
        %reduce_sum3A_324 = tpu.scan <sum>, %convert_element_type3A masked %reduce_sum3A_323 : vector<16xi32>, vector<16xi1> -> vector<16xi32>
        %reduce_sum3A_325 = vector.extract %reduce_sum3A_324[15] : i32 from vector<16xi32>
        %add3A_326 = arith.addi %while3A_305, %reduce_sum3A_325 : i32
        %get3A_327 = arith.index_cast %while3A_303 : i32 to index
        %get3A_328 = arith.constant 16 : index
        %get3A_329 = tpu.vector_load %arg8[%get3A_327, %get3A_328] {strides = array<i32>} : memref<192x128xf32, #tpu.memory_space<vmem>>, vector<16xf32>,
        %gt3A_330 = arith.cmpf ogt, %get3A_329, %add3A_309 : vector<16xf32>
        %mul3A_331 = arith.constant 128 : i32
        %mul3A_332 = arith.muli %while3A_303, %mul3A_331 : i32
        %add3A_333 = arith.constant 16 : i32
        %add3A_334 = arith.addi %mul3A_332, %add3A_333 : i32
        %add3A_335 = vector.broadcast %add3A_334 : i32 to vector<16xi32>
        %add3A_336 = arith.addi %add3A_335, %iota3A : vector<16xi32>
        %swap3A_337 = arith.index_cast %add3A_326 : i32 to index
        %swap3A_338 = tpu.vector_load %arg9[%swap3A_337] masked %gt3A_330 {strides = array<i32>} : memref<1024xf32, #tpu.memory_space<vmem>>, vector<16xf32>, vector<16xi1>
        tpu.vector_store %arg9[%swap3A_337], %get3A_329 masked %gt3A_330 {strides = array<i32>} : memref<1024xf32, #tpu.memory_space<vmem>>, vector<16xf32>, vector<16xi1>
        %swap3A_339 = arith.index_cast %add3A_326 : i32 to index
        %swap3A_340 = tpu.vector_load %arg10[%swap3A_339] masked %gt3A_330 {strides = array<i32>} : memref<1024xi32, #tpu.memory_space<vmem>>, vector<16xi32>, vector<16xi1>
        tpu.vector_store %arg10[%swap3A_339], %add3A_336 masked %gt3A_330 {strides = array<i32>} : memref<1024xi32, #tpu.memory_space<vmem>>, vector<16xi32>, vector<16xi1>
        %convert_element_type3A_341 = arith.extui %gt3A_330 : vector<16xi1> to vector<16xi32>
        %reduce_sum3A_342 = arith.constant true
        %reduce_sum3A_343 = vector.broadcast %reduce_sum3A_342 : i1 to vector<16xi1>
        %reduce_sum3A_344 = tpu.scan <sum>, %convert_element_type3A_341 masked %reduce_sum3A_343 : vector<16xi32>, vector<16xi1> -> vector<16xi32>
        %reduce_sum3A_345 = vector.extract %reduce_sum3A_344[15] : i32 from vector<16xi32>
        %add3A_346 = arith.addi %add3A_326, %reduce_sum3A_345 : i32
        %get3A_347 = arith.index_cast %while3A_303 : i32 to index
        %get3A_348 = arith.constant 32 : index
        %get3A_349 = tpu.vector_load %arg8[%get3A_347, %get3A_348] {strides = array<i32>} : memref<192x128xf32, #tpu.memory_space<vmem>>, vector<16xf32>,
        %gt3A_350 = arith.cmpf ogt, %get3A_349, %add3A_309 : vector<16xf32>
        %mul3A_351 = arith.constant 128 : i32
        %mul3A_352 = arith.muli %while3A_303, %mul3A_351 : i32
        %add3A_353 = arith.constant 32 : i32
        %add3A_354 = arith.addi %mul3A_352, %add3A_353 : i32
        %add3A_355 = vector.broadcast %add3A_354 : i32 to vector<16xi32>
        %add3A_356 = arith.addi %add3A_355, %iota3A : vector<16xi32>
        %swap3A_357 = arith.index_cast %add3A_346 : i32 to index
        %swap3A_358 = tpu.vector_load %arg9[%swap3A_357] masked %gt3A_350 {strides = array<i32>} : memref<1024xf32, #tpu.memory_space<vmem>>, vector<16xf32>, vector<16xi1>
        tpu.vector_store %arg9[%swap3A_357], %get3A_349 masked %gt3A_350 {strides = array<i32>} : memref<1024xf32, #tpu.memory_space<vmem>>, vector<16xf32>, vector<16xi1>
        %swap3A_359 = arith.index_cast %add3A_346 : i32 to index
        %swap3A_360 = tpu.vector_load %arg10[%swap3A_359] masked %gt3A_350 {strides = array<i32>} : memref<1024xi32, #tpu.memory_space<vmem>>, vector<16xi32>, vector<16xi1>
        tpu.vector_store %arg10[%swap3A_359], %add3A_356 masked %gt3A_350 {strides = array<i32>} : memref<1024xi32, #tpu.memory_space<vmem>>, vector<16xi32>, vector<16xi1>
        %convert_element_type3A_361 = arith.extui %gt3A_350 : vector<16xi1> to vector<16xi32>
        %reduce_sum3A_362 = arith.constant true
        %reduce_sum3A_363 = vector.broadcast %reduce_sum3A_362 : i1 to vector<16xi1>
        %reduce_sum3A_364 = tpu.scan <sum>, %convert_element_type3A_361 masked %reduce_sum3A_363 : vector<16xi32>, vector<16xi1> -> vector<16xi32>
        %reduce_sum3A_365 = vector.extract %reduce_sum3A_364[15] : i32 from vector<16xi32>
        %add3A_366 = arith.addi %add3A_346, %reduce_sum3A_365 : i32
        %get3A_367 = arith.index_cast %while3A_303 : i32 to index
        %get3A_368 = arith.constant 48 : index
        %get3A_369 = tpu.vector_load %arg8[%get3A_367, %get3A_368] {strides = array<i32>} : memref<192x128xf32, #tpu.memory_space<vmem>>, vector<16xf32>,
        %gt3A_370 = arith.cmpf ogt, %get3A_369, %add3A_309 : vector<16xf32>
        %mul3A_371 = arith.constant 128 : i32
        %mul3A_372 = arith.muli %while3A_303, %mul3A_371 : i32
        %add3A_373 = arith.constant 48 : i32
        %add3A_374 = arith.addi %mul3A_372, %add3A_373 : i32
        %add3A_375 = vector.broadcast %add3A_374 : i32 to vector<16xi32>
        %add3A_376 = arith.addi %add3A_375, %iota3A : vector<16xi32>
        %swap3A_377 = arith.index_cast %add3A_366 : i32 to index
        %swap3A_378 = tpu.vector_load %arg9[%swap3A_377] masked %gt3A_370 {strides = array<i32>} : memref<1024xf32, #tpu.memory_space<vmem>>, vector<16xf32>, vector<16xi1>
        tpu.vector_store %arg9[%swap3A_377], %get3A_369 masked %gt3A_370 {strides = array<i32>} : memref<1024xf32, #tpu.memory_space<vmem>>, vector<16xf32>, vector<16xi1>
        %swap3A_379 = arith.index_cast %add3A_366 : i32 to index
        %swap3A_380 = tpu.vector_load %arg10[%swap3A_379] masked %gt3A_370 {strides = array<i32>} : memref<1024xi32, #tpu.memory_space<vmem>>, vector<16xi32>, vector<16xi1>
        tpu.vector_store %arg10[%swap3A_379], %add3A_376 masked %gt3A_370 {strides = array<i32>} : memref<1024xi32, #tpu.memory_space<vmem>>, vector<16xi32>, vector<16xi1>
        %convert_element_type3A_381 = arith.extui %gt3A_370 : vector<16xi1> to vector<16xi32>
        %reduce_sum3A_382 = arith.constant true
        %reduce_sum3A_383 = vector.broadcast %reduce_sum3A_382 : i1 to vector<16xi1>
        %reduce_sum3A_384 = tpu.scan <sum>, %convert_element_type3A_381 masked %reduce_sum3A_383 : vector<16xi32>, vector<16xi1> -> vector<16xi32>
        %reduce_sum3A_385 = vector.extract %reduce_sum3A_384[15] : i32 from vector<16xi32>
        %add3A_386 = arith.addi %add3A_366, %reduce_sum3A_385 : i32
        %get3A_387 = arith.index_cast %while3A_303 : i32 to index
        %get3A_388 = arith.constant 64 : index
        %get3A_389 = tpu.vector_load %arg8[%get3A_387, %get3A_388] {strides = array<i32>} : memref<192x128xf32, #tpu.memory_space<vmem>>, vector<16xf32>,
        %gt3A_390 = arith.cmpf ogt, %get3A_389, %add3A_309 : vector<16xf32>
        %mul3A_391 = arith.constant 128 : i32
        %mul3A_392 = arith.muli %while3A_303, %mul3A_391 : i32
        %add3A_393 = arith.constant 64 : i32
        %add3A_394 = arith.addi %mul3A_392, %add3A_393 : i32
        %add3A_395 = vector.broadcast %add3A_394 : i32 to vector<16xi32>
        %add3A_396 = arith.addi %add3A_395, %iota3A : vector<16xi32>
        %swap3A_397 = arith.index_cast %add3A_386 : i32 to index
        %swap3A_398 = tpu.vector_load %arg9[%swap3A_397] masked %gt3A_390 {strides = array<i32>} : memref<1024xf32, #tpu.memory_space<vmem>>, vector<16xf32>, vector<16xi1>
        tpu.vector_store %arg9[%swap3A_397], %get3A_389 masked %gt3A_390 {strides = array<i32>} : memref<1024xf32, #tpu.memory_space<vmem>>, vector<16xf32>, vector<16xi1>
        %swap3A_399 = arith.index_cast %add3A_386 : i32 to index
        %swap3A_400 = tpu.vector_load %arg10[%swap3A_399] masked %gt3A_390 {strides = array<i32>} : memref<1024xi32, #tpu.memory_space<vmem>>, vector<16xi32>, vector<16xi1>
        tpu.vector_store %arg10[%swap3A_399], %add3A_396 masked %gt3A_390 {strides = array<i32>} : memref<1024xi32, #tpu.memory_space<vmem>>, vector<16xi32>, vector<16xi1>
        %convert_element_type3A_401 = arith.extui %gt3A_390 : vector<16xi1> to vector<16xi32>
        %reduce_sum3A_402 = arith.constant true
        %reduce_sum3A_403 = vector.broadcast %reduce_sum3A_402 : i1 to vector<16xi1>
        %reduce_sum3A_404 = tpu.scan <sum>, %convert_element_type3A_401 masked %reduce_sum3A_403 : vector<16xi32>, vector<16xi1> -> vector<16xi32>
        %reduce_sum3A_405 = vector.extract %reduce_sum3A_404[15] : i32 from vector<16xi32>
        %add3A_406 = arith.addi %add3A_386, %reduce_sum3A_405 : i32
        %get3A_407 = arith.index_cast %while3A_303 : i32 to index
        %get3A_408 = arith.constant 80 : index
        %get3A_409 = tpu.vector_load %arg8[%get3A_407, %get3A_408] {strides = array<i32>} : memref<192x128xf32, #tpu.memory_space<vmem>>, vector<16xf32>,
        %gt3A_410 = arith.cmpf ogt, %get3A_409, %add3A_309 : vector<16xf32>
        %mul3A_411 = arith.constant 128 : i32
        %mul3A_412 = arith.muli %while3A_303, %mul3A_411 : i32
        %add3A_413 = arith.constant 80 : i32
        %add3A_414 = arith.addi %mul3A_412, %add3A_413 : i32
        %add3A_415 = vector.broadcast %add3A_414 : i32 to vector<16xi32>
        %add3A_416 = arith.addi %add3A_415, %iota3A : vector<16xi32>
        %swap3A_417 = arith.index_cast %add3A_406 : i32 to index
        %swap3A_418 = tpu.vector_load %arg9[%swap3A_417] masked %gt3A_410 {strides = array<i32>} : memref<1024xf32, #tpu.memory_space<vmem>>, vector<16xf32>, vector<16xi1>
        tpu.vector_store %arg9[%swap3A_417], %get3A_409 masked %gt3A_410 {strides = array<i32>} : memref<1024xf32, #tpu.memory_space<vmem>>, vector<16xf32>, vector<16xi1>
        %swap3A_419 = arith.index_cast %add3A_406 : i32 to index
        %swap3A_420 = tpu.vector_load %arg10[%swap3A_419] masked %gt3A_410 {strides = array<i32>} : memref<1024xi32, #tpu.memory_space<vmem>>, vector<16xi32>, vector<16xi1>
        tpu.vector_store %arg10[%swap3A_419], %add3A_416 masked %gt3A_410 {strides = array<i32>} : memref<1024xi32, #tpu.memory_space<vmem>>, vector<16xi32>, vector<16xi1>
        %convert_element_type3A_421 = arith.extui %gt3A_410 : vector<16xi1> to vector<16xi32>
        %reduce_sum3A_422 = arith.constant true
        %reduce_sum3A_423 = vector.broadcast %reduce_sum3A_422 : i1 to vector<16xi1>
        %reduce_sum3A_424 = tpu.scan <sum>, %convert_element_type3A_421 masked %reduce_sum3A_423 : vector<16xi32>, vector<16xi1> -> vector<16xi32>
        %reduce_sum3A_425 = vector.extract %reduce_sum3A_424[15] : i32 from vector<16xi32>
        %add3A_426 = arith.addi %add3A_406, %reduce_sum3A_425 : i32
        %get3A_427 = arith.index_cast %while3A_303 : i32 to index
        %get3A_428 = arith.constant 96 : index
        %get3A_429 = tpu.vector_load %arg8[%get3A_427, %get3A_428] {strides = array<i32>} : memref<192x128xf32, #tpu.memory_space<vmem>>, vector<16xf32>,
        %gt3A_430 = arith.cmpf ogt, %get3A_429, %add3A_309 : vector<16xf32>
        %mul3A_431 = arith.constant 128 : i32
        %mul3A_432 = arith.muli %while3A_303, %mul3A_431 : i32
        %add3A_433 = arith.constant 96 : i32
        %add3A_434 = arith.addi %mul3A_432, %add3A_433 : i32
        %add3A_435 = vector.broadcast %add3A_434 : i32 to vector<16xi32>
        %add3A_436 = arith.addi %add3A_435, %iota3A : vector<16xi32>
        %swap3A_437 = arith.index_cast %add3A_426 : i32 to index
        %swap3A_438 = tpu.vector_load %arg9[%swap3A_437] masked %gt3A_430 {strides = array<i32>} : memref<1024xf32, #tpu.memory_space<vmem>>, vector<16xf32>, vector<16xi1>
        tpu.vector_store %arg9[%swap3A_437], %get3A_429 masked %gt3A_430 {strides = array<i32>} : memref<1024xf32, #tpu.memory_space<vmem>>, vector<16xf32>, vector<16xi1>
        %swap3A_439 = arith.index_cast %add3A_426 : i32 to index
        %swap3A_440 = tpu.vector_load %arg10[%swap3A_439] masked %gt3A_430 {strides = array<i32>} : memref<1024xi32, #tpu.memory_space<vmem>>, vector<16xi32>, vector<16xi1>
        tpu.vector_store %arg10[%swap3A_439], %add3A_436 masked %gt3A_430 {strides = array<i32>} : memref<1024xi32, #tpu.memory_space<vmem>>, vector<16xi32>, vector<16xi1>
        %convert_element_type3A_441 = arith.extui %gt3A_430 : vector<16xi1> to vector<16xi32>
        %reduce_sum3A_442 = arith.constant true
        %reduce_sum3A_443 = vector.broadcast %reduce_sum3A_442 : i1 to vector<16xi1>
        %reduce_sum3A_444 = tpu.scan <sum>, %convert_element_type3A_441 masked %reduce_sum3A_443 : vector<16xi32>, vector<16xi1> -> vector<16xi32>
        %reduce_sum3A_445 = vector.extract %reduce_sum3A_444[15] : i32 from vector<16xi32>
        %add3A_446 = arith.addi %add3A_426, %reduce_sum3A_445 : i32
        %get3A_447 = arith.index_cast %while3A_303 : i32 to index
        %get3A_448 = arith.constant 112 : index
        %get3A_449 = tpu.vector_load %arg8[%get3A_447, %get3A_448] {strides = array<i32>} : memref<192x128xf32, #tpu.memory_space<vmem>>, vector<16xf32>,
        %gt3A_450 = arith.cmpf ogt, %get3A_449, %add3A_309 : vector<16xf32>
        %mul3A_451 = arith.constant 128 : i32
        %mul3A_452 = arith.muli %while3A_303, %mul3A_451 : i32
        %add3A_453 = arith.constant 112 : i32
        %add3A_454 = arith.addi %mul3A_452, %add3A_453 : i32
        %add3A_455 = vector.broadcast %add3A_454 : i32 to vector<16xi32>
        %add3A_456 = arith.addi %add3A_455, %iota3A : vector<16xi32>
        %swap3A_457 = arith.index_cast %add3A_446 : i32 to index
        %swap3A_458 = tpu.vector_load %arg9[%swap3A_457] masked %gt3A_450 {strides = array<i32>} : memref<1024xf32, #tpu.memory_space<vmem>>, vector<16xf32>, vector<16xi1>
        tpu.vector_store %arg9[%swap3A_457], %get3A_449 masked %gt3A_450 {strides = array<i32>} : memref<1024xf32, #tpu.memory_space<vmem>>, vector<16xf32>, vector<16xi1>
        %swap3A_459 = arith.index_cast %add3A_446 : i32 to index
        %swap3A_460 = tpu.vector_load %arg10[%swap3A_459] masked %gt3A_450 {strides = array<i32>} : memref<1024xi32, #tpu.memory_space<vmem>>, vector<16xi32>, vector<16xi1>
        tpu.vector_store %arg10[%swap3A_459], %add3A_456 masked %gt3A_450 {strides = array<i32>} : memref<1024xi32, #tpu.memory_space<vmem>>, vector<16xi32>, vector<16xi1>
        %convert_element_type3A_461 = arith.extui %gt3A_450 : vector<16xi1> to vector<16xi32>
        %reduce_sum3A_462 = arith.constant true
        %reduce_sum3A_463 = vector.broadcast %reduce_sum3A_462 : i1 to vector<16xi1>
        %reduce_sum3A_464 = tpu.scan <sum>, %convert_element_type3A_461 masked %reduce_sum3A_463 : vector<16xi32>, vector<16xi1> -> vector<16xi32>
        %reduce_sum3A_465 = vector.extract %reduce_sum3A_464[15] : i32 from vector<16xi32>
        %add3A_466 = arith.addi %add3A_446, %reduce_sum3A_465 : i32
        %swap3A_467 = arith.index_cast %add3A_466 : i32 to index
        %swap3A_468 = tpu.vector_load %arg9[%swap3A_467] {strides = array<i32>} : memref<1024xf32, #tpu.memory_space<vmem>>, vector<16xf32>,
        tpu.vector_store %arg9[%swap3A_467], %broadcast_in_dim3A_1 {strides = array<i32>} : memref<1024xf32, #tpu.memory_space<vmem>>, vector<16xf32>,
        %ge3A = arith.constant 768 : i32
        %ge3A_469 = arith.cmpi sge, %add3A_466, %ge3A : i32
        %convert_element_type3A_470 = arith.extui %ge3A_469 : i1 to i32
        %cond3A = arith.constant 0 : i32
        %cond3A_471 = arith.cmpi ne, %convert_element_type3A_470, %cond3A : i32
        %cond3A_472:2 = scf.if %cond3A_471 -> (f32, i32) {
          %broadcast_in_dim3A_473 = arith.constant 0xFF800000 : f32
          %broadcast_in_dim3A_474 = vector.broadcast %broadcast_in_dim3A_473 : f32 to vector<16xf32>
          %broadcast_in_dim3A_475 = arith.constant 0x7F800000 : f32
          %broadcast_in_dim3A_476 = vector.broadcast %broadcast_in_dim3A_475 : f32 to vector<16xf32>
          %add3A_477 = arith.constant 15 : i32
          %add3A_478 = arith.addi %add3A_466, %add3A_477 : i32
          %jit3A_479 = arith.constant 16 : i32
          %div3A_480 = arith.divsi %add3A_478, %jit3A_479 : i32
          %sign3A_481 = arith.constant 0 : i32
          %sign3A_482 = arith.cmpi sgt, %add3A_478, %sign3A_481 : i32
          %sign3A_483 = arith.extui %sign3A_482 : i1 to i32
          %sign3A_484 = arith.constant 0 : i32
          %sign3A_485 = arith.cmpi slt, %add3A_478, %sign3A_484 : i32
          %sign3A_486 = arith.extui %sign3A_485 : i1 to i32
          %sign3A_487 = arith.subi %sign3A_483, %sign3A_486 : i32
          %sign3A_488 = arith.constant 0 : i32
          %sign3A_489 = arith.cmpi sgt, %jit3A_479, %sign3A_488 : i32
          %sign3A_490 = arith.extui %sign3A_489 : i1 to i32
          %sign3A_491 = arith.constant 0 : i32
          %sign3A_492 = arith.cmpi slt, %jit3A_479, %sign3A_491 : i32
          %sign3A_493 = arith.extui %sign3A_492 : i1 to i32
          %sign3A_494 = arith.subi %sign3A_490, %sign3A_493 : i32
          %ne3A_495 = arith.cmpi ne, %sign3A_487, %sign3A_494 : i32
          %rem3A_496 = arith.remsi %add3A_478, %jit3A_479 : i32
          %ne3A_497 = arith.constant 0 : i32
          %ne3A_498 = arith.cmpi ne, %rem3A_496, %ne3A_497 : i32
          %and3A_499 = arith.andi %ne3A_495, %ne3A_498 : i1
          %sub3A_500 = arith.constant 1 : i32
          %sub3A_501 = arith.subi %div3A_480, %sub3A_500 : i32
          %select_n3A_502 = arith.select %and3A_499, %sub3A_501, %div3A_480 : i32
          %while3A_503 = arith.constant 0 : i32
          %while3A_504 = arith.subi %select_n3A_502, %while3A_503 : i32
          %while3A_505 = arith.addi %while3A_503, %while3A_504 : i32
          %while3A_506 = arith.constant 1 : i32
          %while3A_507 = arith.divsi %while3A_504, %while3A_506 : i32
          %while3A_508 = arith.muli %while3A_507, %while3A_506 : i32
          %while3A_509 = arith.addi %while3A_503, %while3A_508 : i32
          %while3A_510 = arith.constant 1 : i32
          %while3A_511:2 = scf.for %while3A_524 = %while3A_503 to %while3A_509 step %while3A_510 iter_args(%while3A_525 = %broadcast_in_dim3A_474, %while3A_526 = %broadcast_in_dim3A_476) -> (vector<16xf32>, vector<16xf32>)  : i32 {
            %mul3A_527 = arith.constant 16 : i32
            %mul3A_528 = arith.muli %while3A_524, %mul3A_527 : i32
            %get3A_529 = arith.index_cast %mul3A_528 : i32 to index
            %get3A_530 = tpu.vector_load %arg9[%get3A_529] {strides = array<i32>} : memref<1024xf32, #tpu.memory_space<vmem>>, vector<16xf32>,
            %max3A_531 = arith.maximumf %while3A_525, %get3A_530 : vector<16xf32>
            %eq3A_532 = arith.constant 0xFF800000 : f32
            %eq3A_533 = vector.broadcast %eq3A_532 : f32 to vector<16xf32>
            %eq3A_534 = arith.cmpf oeq, %get3A_530, %eq3A_533 : vector<16xf32>
            %select_n3A_535 = arith.select %eq3A_534, %broadcast_in_dim3A_476, %get3A_530 : vector<16xi1>, vector<16xf32>
            %min3A = arith.minimumf %while3A_526, %select_n3A_535 : vector<16xf32>
            scf.yield %max3A_531, %min3A : vector<16xf32>, vector<16xf32>
          }
          %while3A_512 = arith.constant 1 : i32
          %while3A_513:2 = scf.for %while3A_524 = %while3A_509 to %while3A_505 step %while3A_512 iter_args(%while3A_525 = %while3A_511#0, %while3A_526 = %while3A_511#1) -> (vector<16xf32>, vector<16xf32>)  : i32 {
            %mul3A_527 = arith.constant 16 : i32
            %mul3A_528 = arith.muli %while3A_524, %mul3A_527 : i32
            %get3A_529 = arith.index_cast %mul3A_528 : i32 to index
            %get3A_530 = tpu.vector_load %arg9[%get3A_529] {strides = array<i32>} : memref<1024xf32, #tpu.memory_space<vmem>>, vector<16xf32>,
            %max3A_531 = arith.maximumf %while3A_525, %get3A_530 : vector<16xf32>
            %eq3A_532 = arith.constant 0xFF800000 : f32
            %eq3A_533 = vector.broadcast %eq3A_532 : f32 to vector<16xf32>
            %eq3A_534 = arith.cmpf oeq, %get3A_530, %eq3A_533 : vector<16xf32>
            %select_n3A_535 = arith.select %eq3A_534, %broadcast_in_dim3A_476, %get3A_530 : vector<16xi1>, vector<16xf32>
            %min3A = arith.minimumf %while3A_526, %select_n3A_535 : vector<16xf32>
            scf.yield %max3A_531, %min3A : vector<16xf32>, vector<16xf32>
          }
          %reduce_max3A_514 = arith.constant true
          %reduce_max3A_515 = vector.broadcast %reduce_max3A_514 : i1 to vector<16xi1>
          %reduce_max3A_516 = tpu.scan <max>, %while3A_513#0 masked %reduce_max3A_515 : vector<16xf32>, vector<16xi1> -> vector<16xf32>
          %reduce_max3A_517 = vector.extract %reduce_max3A_516[15] : f32 from vector<16xf32>
          %reduce_min3A_518 = arith.constant true
          %reduce_min3A_519 = vector.broadcast %reduce_min3A_518 : i1 to vector<16xi1>
          %reduce_min3A_520 = tpu.scan <min>, %while3A_513#1 masked %reduce_min3A_519 : vector<16xf32>, vector<16xi1> -> vector<16xf32>
          %reduce_min3A_521 = vector.extract %reduce_min3A_520[15] : f32 from vector<16xf32>
          %while3A_522 = arith.constant 0 : i32
          %while3A_523:4 = scf.while (%while3A_524 = %reduce_min3A_521, %while3A_525 = %reduce_max3A_517, %while3A_526 = %add3A_466, %while3A_527 = %while3A_522) : (f32, f32, i32, i32) -> (f32, f32, i32, i32) {
            %gt3A_528 = arith.constant 96 : i32
            %gt3A_529 = arith.cmpi sgt, %while3A_526, %gt3A_528 : i32
            %lt3A = arith.constant 40 : i32
            %lt3A_530 = arith.cmpi slt, %while3A_527, %lt3A : i32
            %and3A_531 = arith.andi %gt3A_529, %lt3A_530 : i1
            scf.condition(%and3A_531) %while3A_524, %while3A_525, %while3A_526, %while3A_527 : f32, f32, i32, i32
          } do {
          ^bb0(%while3A_524: f32, %while3A_525: f32, %while3A_526: i32, %while3A_527: i32):
            %add3A_528 = arith.addf %while3A_524, %while3A_525 : f32
            %mul3A_529 = arith.constant 5.000000e-01 : f32
            %mul3A_530 = arith.mulf %mul3A_529, %add3A_528 : f32
            %broadcast_in_dim3A_531 = arith.constant 0.000000e+00 : f32
            %broadcast_in_dim3A_532 = vector.broadcast %broadcast_in_dim3A_531 : f32 to vector<16xf32>
            %add3A_533 = vector.broadcast %mul3A_530 : f32 to vector<16xf32>
            %add3A_534 = arith.addf %broadcast_in_dim3A_532, %add3A_533 : vector<16xf32>
            %add3A_535 = arith.constant 15 : i32
            %add3A_536 = arith.addi %while3A_526, %add3A_535 : i32
            %jit3A_537 = arith.constant 16 : i32
            %div3A_538 = arith.divsi %add3A_536, %jit3A_537 : i32
            %sign3A_539 = arith.constant 0 : i32
            %sign3A_540 = arith.cmpi sgt, %add3A_536, %sign3A_539 : i32
            %sign3A_541 = arith.extui %sign3A_540 : i1 to i32
            %sign3A_542 = arith.constant 0 : i32
            %sign3A_543 = arith.cmpi slt, %add3A_536, %sign3A_542 : i32
            %sign3A_544 = arith.extui %sign3A_543 : i1 to i32
            %sign3A_545 = arith.subi %sign3A_541, %sign3A_544 : i32
            %sign3A_546 = arith.constant 0 : i32
            %sign3A_547 = arith.cmpi sgt, %jit3A_537, %sign3A_546 : i32
            %sign3A_548 = arith.extui %sign3A_547 : i1 to i32
            %sign3A_549 = arith.constant 0 : i32
            %sign3A_550 = arith.cmpi slt, %jit3A_537, %sign3A_549 : i32
            %sign3A_551 = arith.extui %sign3A_550 : i1 to i32
            %sign3A_552 = arith.subi %sign3A_548, %sign3A_551 : i32
            %ne3A_553 = arith.cmpi ne, %sign3A_545, %sign3A_552 : i32
            %rem3A_554 = arith.remsi %add3A_536, %jit3A_537 : i32
            %ne3A_555 = arith.constant 0 : i32
            %ne3A_556 = arith.cmpi ne, %rem3A_554, %ne3A_555 : i32
            %and3A_557 = arith.andi %ne3A_553, %ne3A_556 : i1
            %sub3A_558 = arith.constant 1 : i32
            %sub3A_559 = arith.subi %div3A_538, %sub3A_558 : i32
            %select_n3A_560 = arith.select %and3A_557, %sub3A_559, %div3A_538 : i32
            %broadcast_in_dim3A_561 = arith.constant 0 : i32
            %broadcast_in_dim3A_562 = vector.broadcast %broadcast_in_dim3A_561 : i32 to vector<16xi32>
            %while3A_563 = arith.constant 0 : i32
            %while3A_564 = arith.subi %select_n3A_560, %while3A_563 : i32
            %while3A_565 = arith.addi %while3A_563, %while3A_564 : i32
            %while3A_566 = arith.constant 1 : i32
            %while3A_567 = arith.divsi %while3A_564, %while3A_566 : i32
            %while3A_568 = arith.muli %while3A_567, %while3A_566 : i32
            %while3A_569 = arith.addi %while3A_563, %while3A_568 : i32
            %while3A_570 = arith.constant 1 : i32
            %while3A_571 = scf.for %while3A_593 = %while3A_563 to %while3A_569 step %while3A_570 iter_args(%while3A_594 = %broadcast_in_dim3A_562) -> (vector<16xi32>)  : i32 {
              %mul3A_595 = arith.constant 16 : i32
              %mul3A_596 = arith.muli %while3A_593, %mul3A_595 : i32
              %get3A_597 = arith.index_cast %mul3A_596 : i32 to index
              %get3A_598 = tpu.vector_load %arg9[%get3A_597] {strides = array<i32>} : memref<1024xf32, #tpu.memory_space<vmem>>, vector<16xf32>,
              %ge3A_599 = arith.cmpf oge, %get3A_598, %add3A_534 : vector<16xf32>
              %convert_element_type3A_600 = arith.extui %ge3A_599 : vector<16xi1> to vector<16xi32>
              %add3A_601 = arith.addi %while3A_594, %convert_element_type3A_600 : vector<16xi32>
              scf.yield %add3A_601 : vector<16xi32>
            }
            %while3A_572 = arith.constant 1 : i32
            %while3A_573 = scf.for %while3A_593 = %while3A_569 to %while3A_565 step %while3A_572 iter_args(%while3A_594 = %while3A_571) -> (vector<16xi32>)  : i32 {
              %mul3A_595 = arith.constant 16 : i32
              %mul3A_596 = arith.muli %while3A_593, %mul3A_595 : i32
              %get3A_597 = arith.index_cast %mul3A_596 : i32 to index
              %get3A_598 = tpu.vector_load %arg9[%get3A_597] {strides = array<i32>} : memref<1024xf32, #tpu.memory_space<vmem>>, vector<16xf32>,
              %ge3A_599 = arith.cmpf oge, %get3A_598, %add3A_534 : vector<16xf32>
              %convert_element_type3A_600 = arith.extui %ge3A_599 : vector<16xi1> to vector<16xi32>
              %add3A_601 = arith.addi %while3A_594, %convert_element_type3A_600 : vector<16xi32>
              scf.yield %add3A_601 : vector<16xi32>
            }
            %reduce_sum3A_574 = arith.constant true
            %reduce_sum3A_575 = vector.broadcast %reduce_sum3A_574 : i1 to vector<16xi1>
            %reduce_sum3A_576 = tpu.scan <sum>, %while3A_573 masked %reduce_sum3A_575 : vector<16xi32>, vector<16xi1> -> vector<16xi32>
            %reduce_sum3A_577 = vector.extract %reduce_sum3A_576[15] : i32 from vector<16xi32>
            %ge3A_578 = arith.constant 64 : i32
            %ge3A_579 = arith.cmpi sge, %reduce_sum3A_577, %ge3A_578 : i32
            %convert_element_type3A_580 = arith.extui %ge3A_579 : i1 to i32
            %cond3A_581 = arith.constant 0 : i32
            %cond3A_582 = arith.constant 0 : i32
            %cond3A_583 = arith.cmpi ne, %convert_element_type3A_580, %cond3A_582 : i32
            %cond3A_584 = scf.if %cond3A_583 -> (i32) {
              %add3A_593 = arith.constant 1 : i32
              %add3A_594 = arith.addi %select_n3A_560, %add3A_593 : i32
              %while3A_595 = arith.constant 0 : i32
              %while3A_596 = arith.constant 0 : i32
              %while3A_597 = arith.subi %add3A_594, %while3A_596 : i32
              %while3A_598 = arith.addi %while3A_596, %while3A_597 : i32
              %while3A_599 = arith.constant 1 : i32
              %while3A_600 = arith.divsi %while3A_597, %while3A_599 : i32
              %while3A_601 = arith.muli %while3A_600, %while3A_599 : i32
              %while3A_602 = arith.addi %while3A_596, %while3A_601 : i32
              %while3A_603 = arith.constant 1 : i32
              scf.for %while3A_655 = %while3A_596 to %while3A_602 step %while3A_603  : i32 {
                %mul3A_656 = arith.constant 16 : i32
                %mul3A_657 = arith.muli %while3A_655, %mul3A_656 : i32
                %swap3A_658 = arith.index_cast %mul3A_657 : i32 to index
                %swap3A_659 = tpu.vector_load %arg11[%swap3A_658] {strides = array<i32>} : memref<1024xf32, #tpu.memory_space<vmem>>, vector<16xf32>,
                tpu.vector_store %arg11[%swap3A_658], %broadcast_in_dim3A_474 {strides = array<i32>} : memref<1024xf32, #tpu.memory_space<vmem>>, vector<16xf32>,
                %broadcast_in_dim3A_660 = arith.constant 0 : i32
                %broadcast_in_dim3A_661 = vector.broadcast %broadcast_in_dim3A_660 : i32 to vector<16xi32>
                %mul3A_662 = arith.constant 16 : i32
                %mul3A_663 = arith.muli %while3A_655, %mul3A_662 : i32
                %swap3A_664 = arith.index_cast %mul3A_663 : i32 to index
                %swap3A_665 = tpu.vector_load %arg12[%swap3A_664] {strides = array<i32>} : memref<1024xi32, #tpu.memory_space<vmem>>, vector<16xi32>,
                tpu.vector_store %arg12[%swap3A_664], %broadcast_in_dim3A_661 {strides = array<i32>} : memref<1024xi32, #tpu.memory_space<vmem>>, vector<16xi32>,
              }
              %while3A_604 = arith.constant 1 : i32
              scf.for %while3A_655 = %while3A_602 to %while3A_598 step %while3A_604  : i32 {
                %mul3A_656 = arith.constant 16 : i32
                %mul3A_657 = arith.muli %while3A_655, %mul3A_656 : i32
                %swap3A_658 = arith.index_cast %mul3A_657 : i32 to index
                %swap3A_659 = tpu.vector_load %arg11[%swap3A_658] {strides = array<i32>} : memref<1024xf32, #tpu.memory_space<vmem>>, vector<16xf32>,
                tpu.vector_store %arg11[%swap3A_658], %broadcast_in_dim3A_474 {strides = array<i32>} : memref<1024xf32, #tpu.memory_space<vmem>>, vector<16xf32>,
                %broadcast_in_dim3A_660 = arith.constant 0 : i32
                %broadcast_in_dim3A_661 = vector.broadcast %broadcast_in_dim3A_660 : i32 to vector<16xi32>
                %mul3A_662 = arith.constant 16 : i32
                %mul3A_663 = arith.muli %while3A_655, %mul3A_662 : i32
                %swap3A_664 = arith.index_cast %mul3A_663 : i32 to index
                %swap3A_665 = tpu.vector_load %arg12[%swap3A_664] {strides = array<i32>} : memref<1024xi32, #tpu.memory_space<vmem>>, vector<16xi32>,
                tpu.vector_store %arg12[%swap3A_664], %broadcast_in_dim3A_661 {strides = array<i32>} : memref<1024xi32, #tpu.memory_space<vmem>>, vector<16xi32>,
              }
              %while3A_605 = arith.constant 0 : i32
              %while3A_606 = arith.constant 0 : i32
              %while3A_607 = arith.subi %select_n3A_560, %while3A_605 : i32
              %while3A_608 = arith.addi %while3A_605, %while3A_607 : i32
              %while3A_609 = arith.constant 1 : i32
              %while3A_610 = arith.divsi %while3A_607, %while3A_609 : i32
              %while3A_611 = arith.muli %while3A_610, %while3A_609 : i32
              %while3A_612 = arith.addi %while3A_605, %while3A_611 : i32
              %while3A_613 = arith.constant 1 : i32
              %while3A_614 = scf.for %while3A_655 = %while3A_605 to %while3A_612 step %while3A_613 iter_args(%while3A_656 = %while3A_606) -> (i32)  : i32 {
                %mul3A_657 = arith.constant 16 : i32
                %mul3A_658 = arith.muli %while3A_655, %mul3A_657 : i32
                %get3A_659 = arith.index_cast %mul3A_658 : i32 to index
                %get3A_660 = tpu.vector_load %arg9[%get3A_659] {strides = array<i32>} : memref<1024xf32, #tpu.memory_space<vmem>>, vector<16xf32>,
                %mul3A_661 = arith.constant 16 : i32
                %mul3A_662 = arith.muli %while3A_655, %mul3A_661 : i32
                %get3A_663 = arith.index_cast %mul3A_662 : i32 to index
                %get3A_664 = tpu.vector_load %arg10[%get3A_663] {strides = array<i32>} : memref<1024xi32, #tpu.memory_space<vmem>>, vector<16xi32>,
                %ge3A_665 = arith.cmpf oge, %get3A_660, %add3A_534 : vector<16xf32>
                %swap3A_666 = arith.index_cast %while3A_656 : i32 to index
                %swap3A_667 = tpu.vector_load %arg11[%swap3A_666] masked %ge3A_665 {strides = array<i32>} : memref<1024xf32, #tpu.memory_space<vmem>>, vector<16xf32>, vector<16xi1>
                tpu.vector_store %arg11[%swap3A_666], %get3A_660 masked %ge3A_665 {strides = array<i32>} : memref<1024xf32, #tpu.memory_space<vmem>>, vector<16xf32>, vector<16xi1>
                %swap3A_668 = arith.index_cast %while3A_656 : i32 to index
                %swap3A_669 = tpu.vector_load %arg12[%swap3A_668] masked %ge3A_665 {strides = array<i32>} : memref<1024xi32, #tpu.memory_space<vmem>>, vector<16xi32>, vector<16xi1>
                tpu.vector_store %arg12[%swap3A_668], %get3A_664 masked %ge3A_665 {strides = array<i32>} : memref<1024xi32, #tpu.memory_space<vmem>>, vector<16xi32>, vector<16xi1>
                %convert_element_type3A_670 = arith.extui %ge3A_665 : vector<16xi1> to vector<16xi32>
                %reduce_sum3A_671 = arith.constant true
                %reduce_sum3A_672 = vector.broadcast %reduce_sum3A_671 : i1 to vector<16xi1>
                %reduce_sum3A_673 = tpu.scan <sum>, %convert_element_type3A_670 masked %reduce_sum3A_672 : vector<16xi32>, vector<16xi1> -> vector<16xi32>
                %reduce_sum3A_674 = vector.extract %reduce_sum3A_673[15] : i32 from vector<16xi32>
                %add3A_675 = arith.addi %while3A_656, %reduce_sum3A_674 : i32
                scf.yield %add3A_675 : i32
              }
              %while3A_615 = arith.constant 1 : i32
              %while3A_616 = scf.for %while3A_655 = %while3A_612 to %while3A_608 step %while3A_615 iter_args(%while3A_656 = %while3A_614) -> (i32)  : i32 {
                %mul3A_657 = arith.constant 16 : i32
                %mul3A_658 = arith.muli %while3A_655, %mul3A_657 : i32
                %get3A_659 = arith.index_cast %mul3A_658 : i32 to index
                %get3A_660 = tpu.vector_load %arg9[%get3A_659] {strides = array<i32>} : memref<1024xf32, #tpu.memory_space<vmem>>, vector<16xf32>,
                %mul3A_661 = arith.constant 16 : i32
                %mul3A_662 = arith.muli %while3A_655, %mul3A_661 : i32
                %get3A_663 = arith.index_cast %mul3A_662 : i32 to index
                %get3A_664 = tpu.vector_load %arg10[%get3A_663] {strides = array<i32>} : memref<1024xi32, #tpu.memory_space<vmem>>, vector<16xi32>,
                %ge3A_665 = arith.cmpf oge, %get3A_660, %add3A_534 : vector<16xf32>
                %swap3A_666 = arith.index_cast %while3A_656 : i32 to index
                %swap3A_667 = tpu.vector_load %arg11[%swap3A_666] masked %ge3A_665 {strides = array<i32>} : memref<1024xf32, #tpu.memory_space<vmem>>, vector<16xf32>, vector<16xi1>
                tpu.vector_store %arg11[%swap3A_666], %get3A_660 masked %ge3A_665 {strides = array<i32>} : memref<1024xf32, #tpu.memory_space<vmem>>, vector<16xf32>, vector<16xi1>
                %swap3A_668 = arith.index_cast %while3A_656 : i32 to index
                %swap3A_669 = tpu.vector_load %arg12[%swap3A_668] masked %ge3A_665 {strides = array<i32>} : memref<1024xi32, #tpu.memory_space<vmem>>, vector<16xi32>, vector<16xi1>
                tpu.vector_store %arg12[%swap3A_668], %get3A_664 masked %ge3A_665 {strides = array<i32>} : memref<1024xi32, #tpu.memory_space<vmem>>, vector<16xi32>, vector<16xi1>
                %convert_element_type3A_670 = arith.extui %ge3A_665 : vector<16xi1> to vector<16xi32>
                %reduce_sum3A_671 = arith.constant true
                %reduce_sum3A_672 = vector.broadcast %reduce_sum3A_671 : i1 to vector<16xi1>
                %reduce_sum3A_673 = tpu.scan <sum>, %convert_element_type3A_670 masked %reduce_sum3A_672 : vector<16xi32>, vector<16xi1> -> vector<16xi32>
                %reduce_sum3A_674 = vector.extract %reduce_sum3A_673[15] : i32 from vector<16xi32>
                %add3A_675 = arith.addi %while3A_656, %reduce_sum3A_674 : i32
                scf.yield %add3A_675 : i32
              }
              %add3A_617 = arith.constant 15 : i32
              %add3A_618 = arith.addi %while3A_616, %add3A_617 : i32
              %jit3A_619 = arith.constant 16 : i32
              %div3A_620 = arith.divsi %add3A_618, %jit3A_619 : i32
              %sign3A_621 = arith.constant 0 : i32
              %sign3A_622 = arith.cmpi sgt, %add3A_618, %sign3A_621 : i32
              %sign3A_623 = arith.extui %sign3A_622 : i1 to i32
              %sign3A_624 = arith.constant 0 : i32
              %sign3A_625 = arith.cmpi slt, %add3A_618, %sign3A_624 : i32
              %sign3A_626 = arith.extui %sign3A_625 : i1 to i32
              %sign3A_627 = arith.subi %sign3A_623, %sign3A_626 : i32
              %sign3A_628 = arith.constant 0 : i32
              %sign3A_629 = arith.cmpi sgt, %jit3A_619, %sign3A_628 : i32
              %sign3A_630 = arith.extui %sign3A_629 : i1 to i32
              %sign3A_631 = arith.constant 0 : i32
              %sign3A_632 = arith.cmpi slt, %jit3A_619, %sign3A_631 : i32
              %sign3A_633 = arith.extui %sign3A_632 : i1 to i32
              %sign3A_634 = arith.subi %sign3A_630, %sign3A_633 : i32
              %ne3A_635 = arith.cmpi ne, %sign3A_627, %sign3A_634 : i32
              %rem3A_636 = arith.remsi %add3A_618, %jit3A_619 : i32
              %ne3A_637 = arith.constant 0 : i32
              %ne3A_638 = arith.cmpi ne, %rem3A_636, %ne3A_637 : i32
              %and3A_639 = arith.andi %ne3A_635, %ne3A_638 : i1
              %sub3A_640 = arith.constant 1 : i32
              %sub3A_641 = arith.subi %div3A_620, %sub3A_640 : i32
              %select_n3A_642 = arith.select %and3A_639, %sub3A_641, %div3A_620 : i32
              %add3A_643 = arith.constant 1 : i32
              %add3A_644 = arith.addi %select_n3A_642, %add3A_643 : i32
              %while3A_645 = arith.constant 0 : i32
              %while3A_646 = arith.constant 0 : i32
              %while3A_647 = arith.subi %add3A_644, %while3A_646 : i32
              %while3A_648 = arith.addi %while3A_646, %while3A_647 : i32
              %while3A_649 = arith.constant 1 : i32
              %while3A_650 = arith.divsi %while3A_647, %while3A_649 : i32
              %while3A_651 = arith.muli %while3A_650, %while3A_649 : i32
              %while3A_652 = arith.addi %while3A_646, %while3A_651 : i32
              %while3A_653 = arith.constant 1 : i32
              scf.for %while3A_655 = %while3A_646 to %while3A_652 step %while3A_653  : i32 {
                %mul3A_656 = arith.constant 16 : i32
                %mul3A_657 = arith.muli %while3A_655, %mul3A_656 : i32
                %get3A_658 = arith.index_cast %mul3A_657 : i32 to index
                %get3A_659 = tpu.vector_load %arg11[%get3A_658] {strides = array<i32>} : memref<1024xf32, #tpu.memory_space<vmem>>, vector<16xf32>,
                %mul3A_660 = arith.constant 16 : i32
                %mul3A_661 = arith.muli %while3A_655, %mul3A_660 : i32
                %swap3A_662 = arith.index_cast %mul3A_661 : i32 to index
                %swap3A_663 = tpu.vector_load %arg9[%swap3A_662] {strides = array<i32>} : memref<1024xf32, #tpu.memory_space<vmem>>, vector<16xf32>,
                tpu.vector_store %arg9[%swap3A_662], %get3A_659 {strides = array<i32>} : memref<1024xf32, #tpu.memory_space<vmem>>, vector<16xf32>,
                %mul3A_664 = arith.constant 16 : i32
                %mul3A_665 = arith.muli %while3A_655, %mul3A_664 : i32
                %get3A_666 = arith.index_cast %mul3A_665 : i32 to index
                %get3A_667 = tpu.vector_load %arg12[%get3A_666] {strides = array<i32>} : memref<1024xi32, #tpu.memory_space<vmem>>, vector<16xi32>,
                %mul3A_668 = arith.constant 16 : i32
                %mul3A_669 = arith.muli %while3A_655, %mul3A_668 : i32
                %swap3A_670 = arith.index_cast %mul3A_669 : i32 to index
                %swap3A_671 = tpu.vector_load %arg10[%swap3A_670] {strides = array<i32>} : memref<1024xi32, #tpu.memory_space<vmem>>, vector<16xi32>,
                tpu.vector_store %arg10[%swap3A_670], %get3A_667 {strides = array<i32>} : memref<1024xi32, #tpu.memory_space<vmem>>, vector<16xi32>,
              }
              %while3A_654 = arith.constant 1 : i32
              scf.for %while3A_655 = %while3A_652 to %while3A_648 step %while3A_654  : i32 {
                %mul3A_656 = arith.constant 16 : i32
                %mul3A_657 = arith.muli %while3A_655, %mul3A_656 : i32
                %get3A_658 = arith.index_cast %mul3A_657 : i32 to index
                %get3A_659 = tpu.vector_load %arg11[%get3A_658] {strides = array<i32>} : memref<1024xf32, #tpu.memory_space<vmem>>, vector<16xf32>,
                %mul3A_660 = arith.constant 16 : i32
                %mul3A_661 = arith.muli %while3A_655, %mul3A_660 : i32
                %swap3A_662 = arith.index_cast %mul3A_661 : i32 to index
                %swap3A_663 = tpu.vector_load %arg9[%swap3A_662] {strides = array<i32>} : memref<1024xf32, #tpu.memory_space<vmem>>, vector<16xf32>,
                tpu.vector_store %arg9[%swap3A_662], %get3A_659 {strides = array<i32>} : memref<1024xf32, #tpu.memory_space<vmem>>, vector<16xf32>,
                %mul3A_664 = arith.constant 16 : i32
                %mul3A_665 = arith.muli %while3A_655, %mul3A_664 : i32
                %get3A_666 = arith.index_cast %mul3A_665 : i32 to index
                %get3A_667 = tpu.vector_load %arg12[%get3A_666] {strides = array<i32>} : memref<1024xi32, #tpu.memory_space<vmem>>, vector<16xi32>,
                %mul3A_668 = arith.constant 16 : i32
                %mul3A_669 = arith.muli %while3A_655, %mul3A_668 : i32
                %swap3A_670 = arith.index_cast %mul3A_669 : i32 to index
                %swap3A_671 = tpu.vector_load %arg10[%swap3A_670] {strides = array<i32>} : memref<1024xi32, #tpu.memory_space<vmem>>, vector<16xi32>,
                tpu.vector_store %arg10[%swap3A_670], %get3A_667 {strides = array<i32>} : memref<1024xi32, #tpu.memory_space<vmem>>, vector<16xi32>,
              }
              scf.yield %while3A_616 : i32
            } else {
              scf.yield %while3A_526 : i32
            }
            %ge3A_585 = arith.constant 64 : i32
            %ge3A_586 = arith.cmpi sge, %reduce_sum3A_577, %ge3A_585 : i32
            %select_n3A_587 = arith.select %ge3A_586, %mul3A_530, %while3A_524 : f32
            %ge3A_588 = arith.constant 64 : i32
            %ge3A_589 = arith.cmpi sge, %reduce_sum3A_577, %ge3A_588 : i32
            %select_n3A_590 = arith.select %ge3A_589, %while3A_525, %mul3A_530 : f32
            %add3A_591 = arith.constant 1 : i32
            %add3A_592 = arith.addi %while3A_527, %add3A_591 : i32
            scf.yield %select_n3A_587, %select_n3A_590, %cond3A_584, %add3A_592 : f32, f32, i32, i32
          }
          %max3A = arith.maximumf %while3A_304, %while3A_523#0 : f32
          scf.yield %max3A, %while3A_523#2 : f32, i32
        } else {
          scf.yield %while3A_304, %add3A_466 : f32, i32
        }
        scf.yield %cond3A_472#0, %cond3A_472#1 : f32, i32
      }
      %broadcast_in_dim3A_70 = arith.constant 0xFF800000 : f32
      %broadcast_in_dim3A_71 = vector.broadcast %broadcast_in_dim3A_70 : f32 to vector<16xf32>
      %broadcast_in_dim3A_72 = arith.constant 0x7F800000 : f32
      %broadcast_in_dim3A_73 = vector.broadcast %broadcast_in_dim3A_72 : f32 to vector<16xf32>
      %add3A_74 = arith.constant 15 : i32
      %add3A_75 = arith.addi %while3A_69#1, %add3A_74 : i32
      %jit3A_76 = arith.constant 16 : i32
      %div3A = arith.divsi %add3A_75, %jit3A_76 : i32
      %sign3A = arith.constant 0 : i32
      %sign3A_77 = arith.cmpi sgt, %add3A_75, %sign3A : i32
      %sign3A_78 = arith.extui %sign3A_77 : i1 to i32
      %sign3A_79 = arith.constant 0 : i32
      %sign3A_80 = arith.cmpi slt, %add3A_75, %sign3A_79 : i32
      %sign3A_81 = arith.extui %sign3A_80 : i1 to i32
      %sign3A_82 = arith.subi %sign3A_78, %sign3A_81 : i32
      %sign3A_83 = arith.constant 0 : i32
      %sign3A_84 = arith.cmpi sgt, %jit3A_76, %sign3A_83 : i32
      %sign3A_85 = arith.extui %sign3A_84 : i1 to i32
      %sign3A_86 = arith.constant 0 : i32
      %sign3A_87 = arith.cmpi slt, %jit3A_76, %sign3A_86 : i32
      %sign3A_88 = arith.extui %sign3A_87 : i1 to i32
      %sign3A_89 = arith.subi %sign3A_85, %sign3A_88 : i32
      %ne3A = arith.cmpi ne, %sign3A_82, %sign3A_89 : i32
      %rem3A = arith.remsi %add3A_75, %jit3A_76 : i32
      %ne3A_90 = arith.constant 0 : i32
      %ne3A_91 = arith.cmpi ne, %rem3A, %ne3A_90 : i32
      %and3A = arith.andi %ne3A, %ne3A_91 : i1
      %sub3A = arith.constant 1 : i32
      %sub3A_92 = arith.subi %div3A, %sub3A : i32
      %select_n3A_93 = arith.select %and3A, %sub3A_92, %div3A : i32
      %while3A_94 = arith.constant 0 : i32
      %while3A_95 = arith.subi %select_n3A_93, %while3A_94 : i32
      %while3A_96 = arith.addi %while3A_94, %while3A_95 : i32
      %while3A_97 = arith.constant 1 : i32
      %while3A_98 = arith.divsi %while3A_95, %while3A_97 : i32
      %while3A_99 = arith.muli %while3A_98, %while3A_97 : i32
      %while3A_100 = arith.addi %while3A_94, %while3A_99 : i32
      %while3A_101 = arith.constant 1 : i32
      %while3A_102:2 = scf.for %while3A_303 = %while3A_94 to %while3A_100 step %while3A_101 iter_args(%while3A_304 = %broadcast_in_dim3A_71, %while3A_305 = %broadcast_in_dim3A_73) -> (vector<16xf32>, vector<16xf32>)  : i32 {
        %mul3A_306 = arith.constant 16 : i32
        %mul3A_307 = arith.muli %while3A_303, %mul3A_306 : i32
        %get3A_308 = arith.index_cast %mul3A_307 : i32 to index
        %get3A_309 = tpu.vector_load %arg9[%get3A_308] {strides = array<i32>} : memref<1024xf32, #tpu.memory_space<vmem>>, vector<16xf32>,
        %max3A = arith.maximumf %while3A_304, %get3A_309 : vector<16xf32>
        %eq3A_310 = arith.constant 0xFF800000 : f32
        %eq3A_311 = vector.broadcast %eq3A_310 : f32 to vector<16xf32>
        %eq3A_312 = arith.cmpf oeq, %get3A_309, %eq3A_311 : vector<16xf32>
        %select_n3A_313 = arith.select %eq3A_312, %broadcast_in_dim3A_73, %get3A_309 : vector<16xi1>, vector<16xf32>
        %min3A = arith.minimumf %while3A_305, %select_n3A_313 : vector<16xf32>
        scf.yield %max3A, %min3A : vector<16xf32>, vector<16xf32>
      }
      %while3A_103 = arith.constant 1 : i32
      %while3A_104:2 = scf.for %while3A_303 = %while3A_100 to %while3A_96 step %while3A_103 iter_args(%while3A_304 = %while3A_102#0, %while3A_305 = %while3A_102#1) -> (vector<16xf32>, vector<16xf32>)  : i32 {
        %mul3A_306 = arith.constant 16 : i32
        %mul3A_307 = arith.muli %while3A_303, %mul3A_306 : i32
        %get3A_308 = arith.index_cast %mul3A_307 : i32 to index
        %get3A_309 = tpu.vector_load %arg9[%get3A_308] {strides = array<i32>} : memref<1024xf32, #tpu.memory_space<vmem>>, vector<16xf32>,
        %max3A = arith.maximumf %while3A_304, %get3A_309 : vector<16xf32>
        %eq3A_310 = arith.constant 0xFF800000 : f32
        %eq3A_311 = vector.broadcast %eq3A_310 : f32 to vector<16xf32>
        %eq3A_312 = arith.cmpf oeq, %get3A_309, %eq3A_311 : vector<16xf32>
        %select_n3A_313 = arith.select %eq3A_312, %broadcast_in_dim3A_73, %get3A_309 : vector<16xi1>, vector<16xf32>
        %min3A = arith.minimumf %while3A_305, %select_n3A_313 : vector<16xf32>
        scf.yield %max3A, %min3A : vector<16xf32>, vector<16xf32>
      }
      %reduce_max3A_105 = arith.constant true
      %reduce_max3A_106 = vector.broadcast %reduce_max3A_105 : i1 to vector<16xi1>
      %reduce_max3A_107 = tpu.scan <max>, %while3A_104#0 masked %reduce_max3A_106 : vector<16xf32>, vector<16xi1> -> vector<16xf32>
      %reduce_max3A_108 = vector.extract %reduce_max3A_107[15] : f32 from vector<16xf32>
      %reduce_min3A_109 = arith.constant true
      %reduce_min3A_110 = vector.broadcast %reduce_min3A_109 : i1 to vector<16xi1>
      %reduce_min3A_111 = tpu.scan <min>, %while3A_104#1 masked %reduce_min3A_110 : vector<16xf32>, vector<16xi1> -> vector<16xf32>
      %reduce_min3A_112 = vector.extract %reduce_min3A_111[15] : f32 from vector<16xf32>
      %while3A_113 = arith.constant 0 : i32
      %while3A_114:4 = scf.while (%while3A_303 = %reduce_min3A_112, %while3A_304 = %reduce_max3A_108, %while3A_305 = %while3A_69#1, %while3A_306 = %while3A_113) : (f32, f32, i32, i32) -> (f32, f32, i32, i32) {
        %gt3A = arith.constant 96 : i32
        %gt3A_307 = arith.cmpi sgt, %while3A_305, %gt3A : i32
        %lt3A = arith.constant 40 : i32
        %lt3A_308 = arith.cmpi slt, %while3A_306, %lt3A : i32
        %and3A_309 = arith.andi %gt3A_307, %lt3A_308 : i1
        scf.condition(%and3A_309) %while3A_303, %while3A_304, %while3A_305, %while3A_306 : f32, f32, i32, i32
      } do {
      ^bb0(%while3A_303: f32, %while3A_304: f32, %while3A_305: i32, %while3A_306: i32):
        %add3A_307 = arith.addf %while3A_303, %while3A_304 : f32
        %mul3A_308 = arith.constant 5.000000e-01 : f32
        %mul3A_309 = arith.mulf %mul3A_308, %add3A_307 : f32
        %broadcast_in_dim3A_310 = arith.constant 0.000000e+00 : f32
        %broadcast_in_dim3A_311 = vector.broadcast %broadcast_in_dim3A_310 : f32 to vector<16xf32>
        %add3A_312 = vector.broadcast %mul3A_309 : f32 to vector<16xf32>
        %add3A_313 = arith.addf %broadcast_in_dim3A_311, %add3A_312 : vector<16xf32>
        %add3A_314 = arith.constant 15 : i32
        %add3A_315 = arith.addi %while3A_305, %add3A_314 : i32
        %jit3A_316 = arith.constant 16 : i32
        %div3A_317 = arith.divsi %add3A_315, %jit3A_316 : i32
        %sign3A_318 = arith.constant 0 : i32
        %sign3A_319 = arith.cmpi sgt, %add3A_315, %sign3A_318 : i32
        %sign3A_320 = arith.extui %sign3A_319 : i1 to i32
        %sign3A_321 = arith.constant 0 : i32
        %sign3A_322 = arith.cmpi slt, %add3A_315, %sign3A_321 : i32
        %sign3A_323 = arith.extui %sign3A_322 : i1 to i32
        %sign3A_324 = arith.subi %sign3A_320, %sign3A_323 : i32
        %sign3A_325 = arith.constant 0 : i32
        %sign3A_326 = arith.cmpi sgt, %jit3A_316, %sign3A_325 : i32
        %sign3A_327 = arith.extui %sign3A_326 : i1 to i32
        %sign3A_328 = arith.constant 0 : i32
        %sign3A_329 = arith.cmpi slt, %jit3A_316, %sign3A_328 : i32
        %sign3A_330 = arith.extui %sign3A_329 : i1 to i32
        %sign3A_331 = arith.subi %sign3A_327, %sign3A_330 : i32
        %ne3A_332 = arith.cmpi ne, %sign3A_324, %sign3A_331 : i32
        %rem3A_333 = arith.remsi %add3A_315, %jit3A_316 : i32
        %ne3A_334 = arith.constant 0 : i32
        %ne3A_335 = arith.cmpi ne, %rem3A_333, %ne3A_334 : i32
        %and3A_336 = arith.andi %ne3A_332, %ne3A_335 : i1
        %sub3A_337 = arith.constant 1 : i32
        %sub3A_338 = arith.subi %div3A_317, %sub3A_337 : i32
        %select_n3A_339 = arith.select %and3A_336, %sub3A_338, %div3A_317 : i32
        %broadcast_in_dim3A_340 = arith.constant 0 : i32
        %broadcast_in_dim3A_341 = vector.broadcast %broadcast_in_dim3A_340 : i32 to vector<16xi32>
        %while3A_342 = arith.constant 0 : i32
        %while3A_343 = arith.subi %select_n3A_339, %while3A_342 : i32
        %while3A_344 = arith.addi %while3A_342, %while3A_343 : i32
        %while3A_345 = arith.constant 1 : i32
        %while3A_346 = arith.divsi %while3A_343, %while3A_345 : i32
        %while3A_347 = arith.muli %while3A_346, %while3A_345 : i32
        %while3A_348 = arith.addi %while3A_342, %while3A_347 : i32
        %while3A_349 = arith.constant 1 : i32
        %while3A_350 = scf.for %while3A_368 = %while3A_342 to %while3A_348 step %while3A_349 iter_args(%while3A_369 = %broadcast_in_dim3A_341) -> (vector<16xi32>)  : i32 {
          %mul3A_370 = arith.constant 16 : i32
          %mul3A_371 = arith.muli %while3A_368, %mul3A_370 : i32
          %get3A_372 = arith.index_cast %mul3A_371 : i32 to index
          %get3A_373 = tpu.vector_load %arg9[%get3A_372] {strides = array<i32>} : memref<1024xf32, #tpu.memory_space<vmem>>, vector<16xf32>,
          %ge3A_374 = arith.cmpf oge, %get3A_373, %add3A_313 : vector<16xf32>
          %convert_element_type3A_375 = arith.extui %ge3A_374 : vector<16xi1> to vector<16xi32>
          %add3A_376 = arith.addi %while3A_369, %convert_element_type3A_375 : vector<16xi32>
          scf.yield %add3A_376 : vector<16xi32>
        }
        %while3A_351 = arith.constant 1 : i32
        %while3A_352 = scf.for %while3A_368 = %while3A_348 to %while3A_344 step %while3A_351 iter_args(%while3A_369 = %while3A_350) -> (vector<16xi32>)  : i32 {
          %mul3A_370 = arith.constant 16 : i32
          %mul3A_371 = arith.muli %while3A_368, %mul3A_370 : i32
          %get3A_372 = arith.index_cast %mul3A_371 : i32 to index
          %get3A_373 = tpu.vector_load %arg9[%get3A_372] {strides = array<i32>} : memref<1024xf32, #tpu.memory_space<vmem>>, vector<16xf32>,
          %ge3A_374 = arith.cmpf oge, %get3A_373, %add3A_313 : vector<16xf32>
          %convert_element_type3A_375 = arith.extui %ge3A_374 : vector<16xi1> to vector<16xi32>
          %add3A_376 = arith.addi %while3A_369, %convert_element_type3A_375 : vector<16xi32>
          scf.yield %add3A_376 : vector<16xi32>
        }
        %reduce_sum3A = arith.constant true
        %reduce_sum3A_353 = vector.broadcast %reduce_sum3A : i1 to vector<16xi1>
        %reduce_sum3A_354 = tpu.scan <sum>, %while3A_352 masked %reduce_sum3A_353 : vector<16xi32>, vector<16xi1> -> vector<16xi32>
        %reduce_sum3A_355 = vector.extract %reduce_sum3A_354[15] : i32 from vector<16xi32>
        %ge3A = arith.constant 64 : i32
        %ge3A_356 = arith.cmpi sge, %reduce_sum3A_355, %ge3A : i32
        %convert_element_type3A = arith.extui %ge3A_356 : i1 to i32
        %cond3A = arith.constant 0 : i32
        %cond3A_357 = arith.constant 0 : i32
        %cond3A_358 = arith.cmpi ne, %convert_element_type3A, %cond3A_357 : i32
        %cond3A_359 = scf.if %cond3A_358 -> (i32) {
          %add3A_368 = arith.constant 1 : i32
          %add3A_369 = arith.addi %select_n3A_339, %add3A_368 : i32
          %while3A_370 = arith.constant 0 : i32
          %while3A_371 = arith.constant 0 : i32
          %while3A_372 = arith.subi %add3A_369, %while3A_371 : i32
          %while3A_373 = arith.addi %while3A_371, %while3A_372 : i32
          %while3A_374 = arith.constant 1 : i32
          %while3A_375 = arith.divsi %while3A_372, %while3A_374 : i32
          %while3A_376 = arith.muli %while3A_375, %while3A_374 : i32
          %while3A_377 = arith.addi %while3A_371, %while3A_376 : i32
          %while3A_378 = arith.constant 1 : i32
          scf.for %while3A_430 = %while3A_371 to %while3A_377 step %while3A_378  : i32 {
            %mul3A_431 = arith.constant 16 : i32
            %mul3A_432 = arith.muli %while3A_430, %mul3A_431 : i32
            %swap3A_433 = arith.index_cast %mul3A_432 : i32 to index
            %swap3A_434 = tpu.vector_load %arg11[%swap3A_433] {strides = array<i32>} : memref<1024xf32, #tpu.memory_space<vmem>>, vector<16xf32>,
            tpu.vector_store %arg11[%swap3A_433], %broadcast_in_dim3A_71 {strides = array<i32>} : memref<1024xf32, #tpu.memory_space<vmem>>, vector<16xf32>,
            %broadcast_in_dim3A_435 = arith.constant 0 : i32
            %broadcast_in_dim3A_436 = vector.broadcast %broadcast_in_dim3A_435 : i32 to vector<16xi32>
            %mul3A_437 = arith.constant 16 : i32
            %mul3A_438 = arith.muli %while3A_430, %mul3A_437 : i32
            %swap3A_439 = arith.index_cast %mul3A_438 : i32 to index
            %swap3A_440 = tpu.vector_load %arg12[%swap3A_439] {strides = array<i32>} : memref<1024xi32, #tpu.memory_space<vmem>>, vector<16xi32>,
            tpu.vector_store %arg12[%swap3A_439], %broadcast_in_dim3A_436 {strides = array<i32>} : memref<1024xi32, #tpu.memory_space<vmem>>, vector<16xi32>,
          }
          %while3A_379 = arith.constant 1 : i32
          scf.for %while3A_430 = %while3A_377 to %while3A_373 step %while3A_379  : i32 {
            %mul3A_431 = arith.constant 16 : i32
            %mul3A_432 = arith.muli %while3A_430, %mul3A_431 : i32
            %swap3A_433 = arith.index_cast %mul3A_432 : i32 to index
            %swap3A_434 = tpu.vector_load %arg11[%swap3A_433] {strides = array<i32>} : memref<1024xf32, #tpu.memory_space<vmem>>, vector<16xf32>,
            tpu.vector_store %arg11[%swap3A_433], %broadcast_in_dim3A_71 {strides = array<i32>} : memref<1024xf32, #tpu.memory_space<vmem>>, vector<16xf32>,
            %broadcast_in_dim3A_435 = arith.constant 0 : i32
            %broadcast_in_dim3A_436 = vector.broadcast %broadcast_in_dim3A_435 : i32 to vector<16xi32>
            %mul3A_437 = arith.constant 16 : i32
            %mul3A_438 = arith.muli %while3A_430, %mul3A_437 : i32
            %swap3A_439 = arith.index_cast %mul3A_438 : i32 to index
            %swap3A_440 = tpu.vector_load %arg12[%swap3A_439] {strides = array<i32>} : memref<1024xi32, #tpu.memory_space<vmem>>, vector<16xi32>,
            tpu.vector_store %arg12[%swap3A_439], %broadcast_in_dim3A_436 {strides = array<i32>} : memref<1024xi32, #tpu.memory_space<vmem>>, vector<16xi32>,
          }
          %while3A_380 = arith.constant 0 : i32
          %while3A_381 = arith.constant 0 : i32
          %while3A_382 = arith.subi %select_n3A_339, %while3A_380 : i32
          %while3A_383 = arith.addi %while3A_380, %while3A_382 : i32
          %while3A_384 = arith.constant 1 : i32
          %while3A_385 = arith.divsi %while3A_382, %while3A_384 : i32
          %while3A_386 = arith.muli %while3A_385, %while3A_384 : i32
          %while3A_387 = arith.addi %while3A_380, %while3A_386 : i32
          %while3A_388 = arith.constant 1 : i32
          %while3A_389 = scf.for %while3A_430 = %while3A_380 to %while3A_387 step %while3A_388 iter_args(%while3A_431 = %while3A_381) -> (i32)  : i32 {
            %mul3A_432 = arith.constant 16 : i32
            %mul3A_433 = arith.muli %while3A_430, %mul3A_432 : i32
            %get3A_434 = arith.index_cast %mul3A_433 : i32 to index
            %get3A_435 = tpu.vector_load %arg9[%get3A_434] {strides = array<i32>} : memref<1024xf32, #tpu.memory_space<vmem>>, vector<16xf32>,
            %mul3A_436 = arith.constant 16 : i32
            %mul3A_437 = arith.muli %while3A_430, %mul3A_436 : i32
            %get3A_438 = arith.index_cast %mul3A_437 : i32 to index
            %get3A_439 = tpu.vector_load %arg10[%get3A_438] {strides = array<i32>} : memref<1024xi32, #tpu.memory_space<vmem>>, vector<16xi32>,
            %ge3A_440 = arith.cmpf oge, %get3A_435, %add3A_313 : vector<16xf32>
            %swap3A_441 = arith.index_cast %while3A_431 : i32 to index
            %swap3A_442 = tpu.vector_load %arg11[%swap3A_441] masked %ge3A_440 {strides = array<i32>} : memref<1024xf32, #tpu.memory_space<vmem>>, vector<16xf32>, vector<16xi1>
            tpu.vector_store %arg11[%swap3A_441], %get3A_435 masked %ge3A_440 {strides = array<i32>} : memref<1024xf32, #tpu.memory_space<vmem>>, vector<16xf32>, vector<16xi1>
            %swap3A_443 = arith.index_cast %while3A_431 : i32 to index
            %swap3A_444 = tpu.vector_load %arg12[%swap3A_443] masked %ge3A_440 {strides = array<i32>} : memref<1024xi32, #tpu.memory_space<vmem>>, vector<16xi32>, vector<16xi1>
            tpu.vector_store %arg12[%swap3A_443], %get3A_439 masked %ge3A_440 {strides = array<i32>} : memref<1024xi32, #tpu.memory_space<vmem>>, vector<16xi32>, vector<16xi1>
            %convert_element_type3A_445 = arith.extui %ge3A_440 : vector<16xi1> to vector<16xi32>
            %reduce_sum3A_446 = arith.constant true
            %reduce_sum3A_447 = vector.broadcast %reduce_sum3A_446 : i1 to vector<16xi1>
            %reduce_sum3A_448 = tpu.scan <sum>, %convert_element_type3A_445 masked %reduce_sum3A_447 : vector<16xi32>, vector<16xi1> -> vector<16xi32>
            %reduce_sum3A_449 = vector.extract %reduce_sum3A_448[15] : i32 from vector<16xi32>
            %add3A_450 = arith.addi %while3A_431, %reduce_sum3A_449 : i32
            scf.yield %add3A_450 : i32
          }
          %while3A_390 = arith.constant 1 : i32
          %while3A_391 = scf.for %while3A_430 = %while3A_387 to %while3A_383 step %while3A_390 iter_args(%while3A_431 = %while3A_389) -> (i32)  : i32 {
            %mul3A_432 = arith.constant 16 : i32
            %mul3A_433 = arith.muli %while3A_430, %mul3A_432 : i32
            %get3A_434 = arith.index_cast %mul3A_433 : i32 to index
            %get3A_435 = tpu.vector_load %arg9[%get3A_434] {strides = array<i32>} : memref<1024xf32, #tpu.memory_space<vmem>>, vector<16xf32>,
            %mul3A_436 = arith.constant 16 : i32
            %mul3A_437 = arith.muli %while3A_430, %mul3A_436 : i32
            %get3A_438 = arith.index_cast %mul3A_437 : i32 to index
            %get3A_439 = tpu.vector_load %arg10[%get3A_438] {strides = array<i32>} : memref<1024xi32, #tpu.memory_space<vmem>>, vector<16xi32>,
            %ge3A_440 = arith.cmpf oge, %get3A_435, %add3A_313 : vector<16xf32>
            %swap3A_441 = arith.index_cast %while3A_431 : i32 to index
            %swap3A_442 = tpu.vector_load %arg11[%swap3A_441] masked %ge3A_440 {strides = array<i32>} : memref<1024xf32, #tpu.memory_space<vmem>>, vector<16xf32>, vector<16xi1>
            tpu.vector_store %arg11[%swap3A_441], %get3A_435 masked %ge3A_440 {strides = array<i32>} : memref<1024xf32, #tpu.memory_space<vmem>>, vector<16xf32>, vector<16xi1>
            %swap3A_443 = arith.index_cast %while3A_431 : i32 to index
            %swap3A_444 = tpu.vector_load %arg12[%swap3A_443] masked %ge3A_440 {strides = array<i32>} : memref<1024xi32, #tpu.memory_space<vmem>>, vector<16xi32>, vector<16xi1>
            tpu.vector_store %arg12[%swap3A_443], %get3A_439 masked %ge3A_440 {strides = array<i32>} : memref<1024xi32, #tpu.memory_space<vmem>>, vector<16xi32>, vector<16xi1>
            %convert_element_type3A_445 = arith.extui %ge3A_440 : vector<16xi1> to vector<16xi32>
            %reduce_sum3A_446 = arith.constant true
            %reduce_sum3A_447 = vector.broadcast %reduce_sum3A_446 : i1 to vector<16xi1>
            %reduce_sum3A_448 = tpu.scan <sum>, %convert_element_type3A_445 masked %reduce_sum3A_447 : vector<16xi32>, vector<16xi1> -> vector<16xi32>
            %reduce_sum3A_449 = vector.extract %reduce_sum3A_448[15] : i32 from vector<16xi32>
            %add3A_450 = arith.addi %while3A_431, %reduce_sum3A_449 : i32
            scf.yield %add3A_450 : i32
          }
          %add3A_392 = arith.constant 15 : i32
          %add3A_393 = arith.addi %while3A_391, %add3A_392 : i32
          %jit3A_394 = arith.constant 16 : i32
          %div3A_395 = arith.divsi %add3A_393, %jit3A_394 : i32
          %sign3A_396 = arith.constant 0 : i32
          %sign3A_397 = arith.cmpi sgt, %add3A_393, %sign3A_396 : i32
          %sign3A_398 = arith.extui %sign3A_397 : i1 to i32
          %sign3A_399 = arith.constant 0 : i32
          %sign3A_400 = arith.cmpi slt, %add3A_393, %sign3A_399 : i32
          %sign3A_401 = arith.extui %sign3A_400 : i1 to i32
          %sign3A_402 = arith.subi %sign3A_398, %sign3A_401 : i32
          %sign3A_403 = arith.constant 0 : i32
          %sign3A_404 = arith.cmpi sgt, %jit3A_394, %sign3A_403 : i32
          %sign3A_405 = arith.extui %sign3A_404 : i1 to i32
          %sign3A_406 = arith.constant 0 : i32
          %sign3A_407 = arith.cmpi slt, %jit3A_394, %sign3A_406 : i32
          %sign3A_408 = arith.extui %sign3A_407 : i1 to i32
          %sign3A_409 = arith.subi %sign3A_405, %sign3A_408 : i32
          %ne3A_410 = arith.cmpi ne, %sign3A_402, %sign3A_409 : i32
          %rem3A_411 = arith.remsi %add3A_393, %jit3A_394 : i32
          %ne3A_412 = arith.constant 0 : i32
          %ne3A_413 = arith.cmpi ne, %rem3A_411, %ne3A_412 : i32
          %and3A_414 = arith.andi %ne3A_410, %ne3A_413 : i1
          %sub3A_415 = arith.constant 1 : i32
          %sub3A_416 = arith.subi %div3A_395, %sub3A_415 : i32
          %select_n3A_417 = arith.select %and3A_414, %sub3A_416, %div3A_395 : i32
          %add3A_418 = arith.constant 1 : i32
          %add3A_419 = arith.addi %select_n3A_417, %add3A_418 : i32
          %while3A_420 = arith.constant 0 : i32
          %while3A_421 = arith.constant 0 : i32
          %while3A_422 = arith.subi %add3A_419, %while3A_421 : i32
          %while3A_423 = arith.addi %while3A_421, %while3A_422 : i32
          %while3A_424 = arith.constant 1 : i32
          %while3A_425 = arith.divsi %while3A_422, %while3A_424 : i32
          %while3A_426 = arith.muli %while3A_425, %while3A_424 : i32
          %while3A_427 = arith.addi %while3A_421, %while3A_426 : i32
          %while3A_428 = arith.constant 1 : i32
          scf.for %while3A_430 = %while3A_421 to %while3A_427 step %while3A_428  : i32 {
            %mul3A_431 = arith.constant 16 : i32
            %mul3A_432 = arith.muli %while3A_430, %mul3A_431 : i32
            %get3A_433 = arith.index_cast %mul3A_432 : i32 to index
            %get3A_434 = tpu.vector_load %arg11[%get3A_433] {strides = array<i32>} : memref<1024xf32, #tpu.memory_space<vmem>>, vector<16xf32>,
            %mul3A_435 = arith.constant 16 : i32
            %mul3A_436 = arith.muli %while3A_430, %mul3A_435 : i32
            %swap3A_437 = arith.index_cast %mul3A_436 : i32 to index
            %swap3A_438 = tpu.vector_load %arg9[%swap3A_437] {strides = array<i32>} : memref<1024xf32, #tpu.memory_space<vmem>>, vector<16xf32>,
            tpu.vector_store %arg9[%swap3A_437], %get3A_434 {strides = array<i32>} : memref<1024xf32, #tpu.memory_space<vmem>>, vector<16xf32>,
            %mul3A_439 = arith.constant 16 : i32
            %mul3A_440 = arith.muli %while3A_430, %mul3A_439 : i32
            %get3A_441 = arith.index_cast %mul3A_440 : i32 to index
            %get3A_442 = tpu.vector_load %arg12[%get3A_441] {strides = array<i32>} : memref<1024xi32, #tpu.memory_space<vmem>>, vector<16xi32>,
            %mul3A_443 = arith.constant 16 : i32
            %mul3A_444 = arith.muli %while3A_430, %mul3A_443 : i32
            %swap3A_445 = arith.index_cast %mul3A_444 : i32 to index
            %swap3A_446 = tpu.vector_load %arg10[%swap3A_445] {strides = array<i32>} : memref<1024xi32, #tpu.memory_space<vmem>>, vector<16xi32>,
            tpu.vector_store %arg10[%swap3A_445], %get3A_442 {strides = array<i32>} : memref<1024xi32, #tpu.memory_space<vmem>>, vector<16xi32>,
          }
          %while3A_429 = arith.constant 1 : i32
          scf.for %while3A_430 = %while3A_427 to %while3A_423 step %while3A_429  : i32 {
            %mul3A_431 = arith.constant 16 : i32
            %mul3A_432 = arith.muli %while3A_430, %mul3A_431 : i32
            %get3A_433 = arith.index_cast %mul3A_432 : i32 to index
            %get3A_434 = tpu.vector_load %arg11[%get3A_433] {strides = array<i32>} : memref<1024xf32, #tpu.memory_space<vmem>>, vector<16xf32>,
            %mul3A_435 = arith.constant 16 : i32
            %mul3A_436 = arith.muli %while3A_430, %mul3A_435 : i32
            %swap3A_437 = arith.index_cast %mul3A_436 : i32 to index
            %swap3A_438 = tpu.vector_load %arg9[%swap3A_437] {strides = array<i32>} : memref<1024xf32, #tpu.memory_space<vmem>>, vector<16xf32>,
            tpu.vector_store %arg9[%swap3A_437], %get3A_434 {strides = array<i32>} : memref<1024xf32, #tpu.memory_space<vmem>>, vector<16xf32>,
            %mul3A_439 = arith.constant 16 : i32
            %mul3A_440 = arith.muli %while3A_430, %mul3A_439 : i32
            %get3A_441 = arith.index_cast %mul3A_440 : i32 to index
            %get3A_442 = tpu.vector_load %arg12[%get3A_441] {strides = array<i32>} : memref<1024xi32, #tpu.memory_space<vmem>>, vector<16xi32>,
            %mul3A_443 = arith.constant 16 : i32
            %mul3A_444 = arith.muli %while3A_430, %mul3A_443 : i32
            %swap3A_445 = arith.index_cast %mul3A_444 : i32 to index
            %swap3A_446 = tpu.vector_load %arg10[%swap3A_445] {strides = array<i32>} : memref<1024xi32, #tpu.memory_space<vmem>>, vector<16xi32>,
            tpu.vector_store %arg10[%swap3A_445], %get3A_442 {strides = array<i32>} : memref<1024xi32, #tpu.memory_space<vmem>>, vector<16xi32>,
          }
          scf.yield %while3A_391 : i32
        } else {
          scf.yield %while3A_305 : i32
        }
        %ge3A_360 = arith.constant 64 : i32
        %ge3A_361 = arith.cmpi sge, %reduce_sum3A_355, %ge3A_360 : i32
        %select_n3A_362 = arith.select %ge3A_361, %mul3A_309, %while3A_303 : f32
        %ge3A_363 = arith.constant 64 : i32
        %ge3A_364 = arith.cmpi sge, %reduce_sum3A_355, %ge3A_363 : i32
        %select_n3A_365 = arith.select %ge3A_364, %while3A_304, %mul3A_309 : f32
        %add3A_366 = arith.constant 1 : i32
        %add3A_367 = arith.addi %while3A_306, %add3A_366 : i32
        scf.yield %select_n3A_362, %select_n3A_365, %cond3A_359, %add3A_367 : f32, f32, i32, i32
      }
      %add3A_115 = arith.constant 0 : i32
      %add3A_116 = arith.addi %while3A_114#2, %add3A_115 : i32
      %swap3A = arith.index_cast %add3A_116 : i32 to index
      %swap3A_117 = tpu.vector_load %arg9[%swap3A] {strides = array<i32>} : memref<1024xf32, #tpu.memory_space<vmem>>, vector<16xf32>,
      tpu.vector_store %arg9[%swap3A], %broadcast_in_dim3A_1 {strides = array<i32>} : memref<1024xf32, #tpu.memory_space<vmem>>, vector<16xf32>,
      %add3A_118 = arith.constant 0 : i32
      %add3A_119 = arith.addi %while3A_114#2, %add3A_118 : i32
      %swap3A_120 = arith.index_cast %add3A_119 : i32 to index
      %swap3A_121 = tpu.vector_load %arg10[%swap3A_120] {strides = array<i32>} : memref<1024xi32, #tpu.memory_space<vmem>>, vector<16xi32>,
      tpu.vector_store %arg10[%swap3A_120], %broadcast_in_dim3A_5 {strides = array<i32>} : memref<1024xi32, #tpu.memory_space<vmem>>, vector<16xi32>,
      %add3A_122 = arith.constant 16 : i32
      %add3A_123 = arith.addi %while3A_114#2, %add3A_122 : i32
      %swap3A_124 = arith.index_cast %add3A_123 : i32 to index
      %swap3A_125 = tpu.vector_load %arg9[%swap3A_124] {strides = array<i32>} : memref<1024xf32, #tpu.memory_space<vmem>>, vector<16xf32>,
      tpu.vector_store %arg9[%swap3A_124], %broadcast_in_dim3A_1 {strides = array<i32>} : memref<1024xf32, #tpu.memory_space<vmem>>, vector<16xf32>,
      %add3A_126 = arith.constant 16 : i32
      %add3A_127 = arith.addi %while3A_114#2, %add3A_126 : i32
      %swap3A_128 = arith.index_cast %add3A_127 : i32 to index
      %swap3A_129 = tpu.vector_load %arg10[%swap3A_128] {strides = array<i32>} : memref<1024xi32, #tpu.memory_space<vmem>>, vector<16xi32>,
      tpu.vector_store %arg10[%swap3A_128], %broadcast_in_dim3A_5 {strides = array<i32>} : memref<1024xi32, #tpu.memory_space<vmem>>, vector<16xi32>,
      %add3A_130 = arith.constant 32 : i32
      %add3A_131 = arith.addi %while3A_114#2, %add3A_130 : i32
      %swap3A_132 = arith.index_cast %add3A_131 : i32 to index
      %swap3A_133 = tpu.vector_load %arg9[%swap3A_132] {strides = array<i32>} : memref<1024xf32, #tpu.memory_space<vmem>>, vector<16xf32>,
      tpu.vector_store %arg9[%swap3A_132], %broadcast_in_dim3A_1 {strides = array<i32>} : memref<1024xf32, #tpu.memory_space<vmem>>, vector<16xf32>,
      %add3A_134 = arith.constant 32 : i32
      %add3A_135 = arith.addi %while3A_114#2, %add3A_134 : i32
      %swap3A_136 = arith.index_cast %add3A_135 : i32 to index
      %swap3A_137 = tpu.vector_load %arg10[%swap3A_136] {strides = array<i32>} : memref<1024xi32, #tpu.memory_space<vmem>>, vector<16xi32>,
      tpu.vector_store %arg10[%swap3A_136], %broadcast_in_dim3A_5 {strides = array<i32>} : memref<1024xi32, #tpu.memory_space<vmem>>, vector<16xi32>,
      %add3A_138 = arith.constant 48 : i32
      %add3A_139 = arith.addi %while3A_114#2, %add3A_138 : i32
      %swap3A_140 = arith.index_cast %add3A_139 : i32 to index
      %swap3A_141 = tpu.vector_load %arg9[%swap3A_140] {strides = array<i32>} : memref<1024xf32, #tpu.memory_space<vmem>>, vector<16xf32>,
      tpu.vector_store %arg9[%swap3A_140], %broadcast_in_dim3A_1 {strides = array<i32>} : memref<1024xf32, #tpu.memory_space<vmem>>, vector<16xf32>,
      %add3A_142 = arith.constant 48 : i32
      %add3A_143 = arith.addi %while3A_114#2, %add3A_142 : i32
      %swap3A_144 = arith.index_cast %add3A_143 : i32 to index
      %swap3A_145 = tpu.vector_load %arg10[%swap3A_144] {strides = array<i32>} : memref<1024xi32, #tpu.memory_space<vmem>>, vector<16xi32>,
      tpu.vector_store %arg10[%swap3A_144], %broadcast_in_dim3A_5 {strides = array<i32>} : memref<1024xi32, #tpu.memory_space<vmem>>, vector<16xi32>,
      %get3A = arith.constant 0 : index
      %get3A_146 = tpu.vector_load %arg10[%get3A] {strides = array<i32>} : memref<1024xi32, #tpu.memory_space<vmem>>, vector<16xi32>,
      %shift_right_logical3A = arith.constant 7 : i32
      %shift_right_logical3A_147 = vector.broadcast %shift_right_logical3A : i32 to vector<16xi32>
      %shift_right_logical3A_148 = arith.shrui %get3A_146, %shift_right_logical3A_147 : vector<16xi32>
      %gather3A = tpu.vector_load_idx %arg7[%shift_right_logical3A_148] : memref<192xi32, #tpu.memory_space<vmem>>[vector<16xi32>], vector<16xi32>,
      %sub3A_149 = vector.broadcast %add3A_22 : i32 to vector<16xi32>
      %sub3A_150 = arith.subi %gather3A, %sub3A_149 : vector<16xi32>
      %shift_right_logical3A_151 = arith.constant 10 : i32
      %shift_right_logical3A_152 = vector.broadcast %shift_right_logical3A_151 : i32 to vector<16xi32>
      %shift_right_logical3A_153 = arith.shrui %sub3A_150, %shift_right_logical3A_152 : vector<16xi32>
      %mul3A_154 = arith.constant 128 : i32
      %mul3A_155 = vector.broadcast %mul3A_154 : i32 to vector<16xi32>
      %mul3A_156 = arith.muli %shift_right_logical3A_153, %mul3A_155 : vector<16xi32>
      %and3A_157 = arith.constant 127 : i32
      %and3A_158 = vector.broadcast %and3A_157 : i32 to vector<16xi32>
      %and3A_159 = arith.andi %get3A_146, %and3A_158 : vector<16xi32>
      %add3A_160 = arith.addi %mul3A_156, %and3A_159 : vector<16xi32>
      %swap3A_161 = arith.constant 0 : index
      %swap3A_162 = tpu.vector_load %arg10[%swap3A_161] {strides = array<i32>} : memref<1024xi32, #tpu.memory_space<vmem>>, vector<16xi32>,
      tpu.vector_store %arg10[%swap3A_161], %add3A_160 {strides = array<i32>} : memref<1024xi32, #tpu.memory_space<vmem>>, vector<16xi32>,
      %get3A_163 = arith.constant 16 : index
      %get3A_164 = tpu.vector_load %arg10[%get3A_163] {strides = array<i32>} : memref<1024xi32, #tpu.memory_space<vmem>>, vector<16xi32>,
      %shift_right_logical3A_165 = arith.constant 7 : i32
      %shift_right_logical3A_166 = vector.broadcast %shift_right_logical3A_165 : i32 to vector<16xi32>
      %shift_right_logical3A_167 = arith.shrui %get3A_164, %shift_right_logical3A_166 : vector<16xi32>
      %gather3A_168 = tpu.vector_load_idx %arg7[%shift_right_logical3A_167] : memref<192xi32, #tpu.memory_space<vmem>>[vector<16xi32>], vector<16xi32>,
      %sub3A_169 = vector.broadcast %add3A_22 : i32 to vector<16xi32>
      %sub3A_170 = arith.subi %gather3A_168, %sub3A_169 : vector<16xi32>
      %shift_right_logical3A_171 = arith.constant 10 : i32
      %shift_right_logical3A_172 = vector.broadcast %shift_right_logical3A_171 : i32 to vector<16xi32>
      %shift_right_logical3A_173 = arith.shrui %sub3A_170, %shift_right_logical3A_172 : vector<16xi32>
      %mul3A_174 = arith.constant 128 : i32
      %mul3A_175 = vector.broadcast %mul3A_174 : i32 to vector<16xi32>
      %mul3A_176 = arith.muli %shift_right_logical3A_173, %mul3A_175 : vector<16xi32>
      %and3A_177 = arith.constant 127 : i32
      %and3A_178 = vector.broadcast %and3A_177 : i32 to vector<16xi32>
      %and3A_179 = arith.andi %get3A_164, %and3A_178 : vector<16xi32>
      %add3A_180 = arith.addi %mul3A_176, %and3A_179 : vector<16xi32>
      %swap3A_181 = arith.constant 16 : index
      %swap3A_182 = tpu.vector_load %arg10[%swap3A_181] {strides = array<i32>} : memref<1024xi32, #tpu.memory_space<vmem>>, vector<16xi32>,
      tpu.vector_store %arg10[%swap3A_181], %add3A_180 {strides = array<i32>} : memref<1024xi32, #tpu.memory_space<vmem>>, vector<16xi32>,
      %get3A_183 = arith.constant 32 : index
      %get3A_184 = tpu.vector_load %arg10[%get3A_183] {strides = array<i32>} : memref<1024xi32, #tpu.memory_space<vmem>>, vector<16xi32>,
      %shift_right_logical3A_185 = arith.constant 7 : i32
      %shift_right_logical3A_186 = vector.broadcast %shift_right_logical3A_185 : i32 to vector<16xi32>
      %shift_right_logical3A_187 = arith.shrui %get3A_184, %shift_right_logical3A_186 : vector<16xi32>
      %gather3A_188 = tpu.vector_load_idx %arg7[%shift_right_logical3A_187] : memref<192xi32, #tpu.memory_space<vmem>>[vector<16xi32>], vector<16xi32>,
      %sub3A_189 = vector.broadcast %add3A_22 : i32 to vector<16xi32>
      %sub3A_190 = arith.subi %gather3A_188, %sub3A_189 : vector<16xi32>
      %shift_right_logical3A_191 = arith.constant 10 : i32
      %shift_right_logical3A_192 = vector.broadcast %shift_right_logical3A_191 : i32 to vector<16xi32>
      %shift_right_logical3A_193 = arith.shrui %sub3A_190, %shift_right_logical3A_192 : vector<16xi32>
      %mul3A_194 = arith.constant 128 : i32
      %mul3A_195 = vector.broadcast %mul3A_194 : i32 to vector<16xi32>
      %mul3A_196 = arith.muli %shift_right_logical3A_193, %mul3A_195 : vector<16xi32>
      %and3A_197 = arith.constant 127 : i32
      %and3A_198 = vector.broadcast %and3A_197 : i32 to vector<16xi32>
      %and3A_199 = arith.andi %get3A_184, %and3A_198 : vector<16xi32>
      %add3A_200 = arith.addi %mul3A_196, %and3A_199 : vector<16xi32>
      %swap3A_201 = arith.constant 32 : index
      %swap3A_202 = tpu.vector_load %arg10[%swap3A_201] {strides = array<i32>} : memref<1024xi32, #tpu.memory_space<vmem>>, vector<16xi32>,
      tpu.vector_store %arg10[%swap3A_201], %add3A_200 {strides = array<i32>} : memref<1024xi32, #tpu.memory_space<vmem>>, vector<16xi32>,
      %get3A_203 = arith.constant 48 : index
      %get3A_204 = tpu.vector_load %arg10[%get3A_203] {strides = array<i32>} : memref<1024xi32, #tpu.memory_space<vmem>>, vector<16xi32>,
      %shift_right_logical3A_205 = arith.constant 7 : i32
      %shift_right_logical3A_206 = vector.broadcast %shift_right_logical3A_205 : i32 to vector<16xi32>
      %shift_right_logical3A_207 = arith.shrui %get3A_204, %shift_right_logical3A_206 : vector<16xi32>
      %gather3A_208 = tpu.vector_load_idx %arg7[%shift_right_logical3A_207] : memref<192xi32, #tpu.memory_space<vmem>>[vector<16xi32>], vector<16xi32>,
      %sub3A_209 = vector.broadcast %add3A_22 : i32 to vector<16xi32>
      %sub3A_210 = arith.subi %gather3A_208, %sub3A_209 : vector<16xi32>
      %shift_right_logical3A_211 = arith.constant 10 : i32
      %shift_right_logical3A_212 = vector.broadcast %shift_right_logical3A_211 : i32 to vector<16xi32>
      %shift_right_logical3A_213 = arith.shrui %sub3A_210, %shift_right_logical3A_212 : vector<16xi32>
      %mul3A_214 = arith.constant 128 : i32
      %mul3A_215 = vector.broadcast %mul3A_214 : i32 to vector<16xi32>
      %mul3A_216 = arith.muli %shift_right_logical3A_213, %mul3A_215 : vector<16xi32>
      %and3A_217 = arith.constant 127 : i32
      %and3A_218 = vector.broadcast %and3A_217 : i32 to vector<16xi32>
      %and3A_219 = arith.andi %get3A_204, %and3A_218 : vector<16xi32>
      %add3A_220 = arith.addi %mul3A_216, %and3A_219 : vector<16xi32>
      %swap3A_221 = arith.constant 48 : index
      %swap3A_222 = tpu.vector_load %arg10[%swap3A_221] {strides = array<i32>} : memref<1024xi32, #tpu.memory_space<vmem>>, vector<16xi32>,
      tpu.vector_store %arg10[%swap3A_221], %add3A_220 {strides = array<i32>} : memref<1024xi32, #tpu.memory_space<vmem>>, vector<16xi32>,
      %get3A_223 = arith.constant 64 : index
      %get3A_224 = tpu.vector_load %arg10[%get3A_223] {strides = array<i32>} : memref<1024xi32, #tpu.memory_space<vmem>>, vector<16xi32>,
      %shift_right_logical3A_225 = arith.constant 7 : i32
      %shift_right_logical3A_226 = vector.broadcast %shift_right_logical3A_225 : i32 to vector<16xi32>
      %shift_right_logical3A_227 = arith.shrui %get3A_224, %shift_right_logical3A_226 : vector<16xi32>
      %gather3A_228 = tpu.vector_load_idx %arg7[%shift_right_logical3A_227] : memref<192xi32, #tpu.memory_space<vmem>>[vector<16xi32>], vector<16xi32>,
      %sub3A_229 = vector.broadcast %add3A_22 : i32 to vector<16xi32>
      %sub3A_230 = arith.subi %gather3A_228, %sub3A_229 : vector<16xi32>
      %shift_right_logical3A_231 = arith.constant 10 : i32
      %shift_right_logical3A_232 = vector.broadcast %shift_right_logical3A_231 : i32 to vector<16xi32>
      %shift_right_logical3A_233 = arith.shrui %sub3A_230, %shift_right_logical3A_232 : vector<16xi32>
      %mul3A_234 = arith.constant 128 : i32
      %mul3A_235 = vector.broadcast %mul3A_234 : i32 to vector<16xi32>
      %mul3A_236 = arith.muli %shift_right_logical3A_233, %mul3A_235 : vector<16xi32>
      %and3A_237 = arith.constant 127 : i32
      %and3A_238 = vector.broadcast %and3A_237 : i32 to vector<16xi32>
      %and3A_239 = arith.andi %get3A_224, %and3A_238 : vector<16xi32>
      %add3A_240 = arith.addi %mul3A_236, %and3A_239 : vector<16xi32>
      %swap3A_241 = arith.constant 64 : index
      %swap3A_242 = tpu.vector_load %arg10[%swap3A_241] {strides = array<i32>} : memref<1024xi32, #tpu.memory_space<vmem>>, vector<16xi32>,
      tpu.vector_store %arg10[%swap3A_241], %add3A_240 {strides = array<i32>} : memref<1024xi32, #tpu.memory_space<vmem>>, vector<16xi32>,
      %get3A_243 = arith.constant 80 : index
      %get3A_244 = tpu.vector_load %arg10[%get3A_243] {strides = array<i32>} : memref<1024xi32, #tpu.memory_space<vmem>>, vector<16xi32>,
      %shift_right_logical3A_245 = arith.constant 7 : i32
      %shift_right_logical3A_246 = vector.broadcast %shift_right_logical3A_245 : i32 to vector<16xi32>
      %shift_right_logical3A_247 = arith.shrui %get3A_244, %shift_right_logical3A_246 : vector<16xi32>
      %gather3A_248 = tpu.vector_load_idx %arg7[%shift_right_logical3A_247] : memref<192xi32, #tpu.memory_space<vmem>>[vector<16xi32>], vector<16xi32>,
      %sub3A_249 = vector.broadcast %add3A_22 : i32 to vector<16xi32>
      %sub3A_250 = arith.subi %gather3A_248, %sub3A_249 : vector<16xi32>
      %shift_right_logical3A_251 = arith.constant 10 : i32
      %shift_right_logical3A_252 = vector.broadcast %shift_right_logical3A_251 : i32 to vector<16xi32>
      %shift_right_logical3A_253 = arith.shrui %sub3A_250, %shift_right_logical3A_252 : vector<16xi32>
      %mul3A_254 = arith.constant 128 : i32
      %mul3A_255 = vector.broadcast %mul3A_254 : i32 to vector<16xi32>
      %mul3A_256 = arith.muli %shift_right_logical3A_253, %mul3A_255 : vector<16xi32>
      %and3A_257 = arith.constant 127 : i32
      %and3A_258 = vector.broadcast %and3A_257 : i32 to vector<16xi32>
      %and3A_259 = arith.andi %get3A_244, %and3A_258 : vector<16xi32>
      %add3A_260 = arith.addi %mul3A_256, %and3A_259 : vector<16xi32>
      %swap3A_261 = arith.constant 80 : index
      %swap3A_262 = tpu.vector_load %arg10[%swap3A_261] {strides = array<i32>} : memref<1024xi32, #tpu.memory_space<vmem>>, vector<16xi32>,
      tpu.vector_store %arg10[%swap3A_261], %add3A_260 {strides = array<i32>} : memref<1024xi32, #tpu.memory_space<vmem>>, vector<16xi32>,
      %get3A_263 = arith.constant 96 : index
      %get3A_264 = tpu.vector_load %arg10[%get3A_263] {strides = array<i32>} : memref<1024xi32, #tpu.memory_space<vmem>>, vector<16xi32>,
      %shift_right_logical3A_265 = arith.constant 7 : i32
      %shift_right_logical3A_266 = vector.broadcast %shift_right_logical3A_265 : i32 to vector<16xi32>
      %shift_right_logical3A_267 = arith.shrui %get3A_264, %shift_right_logical3A_266 : vector<16xi32>
      %gather3A_268 = tpu.vector_load_idx %arg7[%shift_right_logical3A_267] : memref<192xi32, #tpu.memory_space<vmem>>[vector<16xi32>], vector<16xi32>,
      %sub3A_269 = vector.broadcast %add3A_22 : i32 to vector<16xi32>
      %sub3A_270 = arith.subi %gather3A_268, %sub3A_269 : vector<16xi32>
      %shift_right_logical3A_271 = arith.constant 10 : i32
      %shift_right_logical3A_272 = vector.broadcast %shift_right_logical3A_271 : i32 to vector<16xi32>
      %shift_right_logical3A_273 = arith.shrui %sub3A_270, %shift_right_logical3A_272 : vector<16xi32>
      %mul3A_274 = arith.constant 128 : i32
      %mul3A_275 = vector.broadcast %mul3A_274 : i32 to vector<16xi32>
      %mul3A_276 = arith.muli %shift_right_logical3A_273, %mul3A_275 : vector<16xi32>
      %and3A_277 = arith.constant 127 : i32
      %and3A_278 = vector.broadcast %and3A_277 : i32 to vector<16xi32>
      %and3A_279 = arith.andi %get3A_264, %and3A_278 : vector<16xi32>
      %add3A_280 = arith.addi %mul3A_276, %and3A_279 : vector<16xi32>
      %swap3A_281 = arith.constant 96 : index
      %swap3A_282 = tpu.vector_load %arg10[%swap3A_281] {strides = array<i32>} : memref<1024xi32, #tpu.memory_space<vmem>>, vector<16xi32>,
      tpu.vector_store %arg10[%swap3A_281], %add3A_280 {strides = array<i32>} : memref<1024xi32, #tpu.memory_space<vmem>>, vector<16xi32>,
      %get3A_283 = arith.constant 112 : index
      %get3A_284 = tpu.vector_load %arg10[%get3A_283] {strides = array<i32>} : memref<1024xi32, #tpu.memory_space<vmem>>, vector<16xi32>,
      %shift_right_logical3A_285 = arith.constant 7 : i32
      %shift_right_logical3A_286 = vector.broadcast %shift_right_logical3A_285 : i32 to vector<16xi32>
      %shift_right_logical3A_287 = arith.shrui %get3A_284, %shift_right_logical3A_286 : vector<16xi32>
      %gather3A_288 = tpu.vector_load_idx %arg7[%shift_right_logical3A_287] : memref<192xi32, #tpu.memory_space<vmem>>[vector<16xi32>], vector<16xi32>,
      %sub3A_289 = vector.broadcast %add3A_22 : i32 to vector<16xi32>
      %sub3A_290 = arith.subi %gather3A_288, %sub3A_289 : vector<16xi32>
      %shift_right_logical3A_291 = arith.constant 10 : i32
      %shift_right_logical3A_292 = vector.broadcast %shift_right_logical3A_291 : i32 to vector<16xi32>
      %shift_right_logical3A_293 = arith.shrui %sub3A_290, %shift_right_logical3A_292 : vector<16xi32>
      %mul3A_294 = arith.constant 128 : i32
      %mul3A_295 = vector.broadcast %mul3A_294 : i32 to vector<16xi32>
      %mul3A_296 = arith.muli %shift_right_logical3A_293, %mul3A_295 : vector<16xi32>
      %and3A_297 = arith.constant 127 : i32
      %and3A_298 = vector.broadcast %and3A_297 : i32 to vector<16xi32>
      %and3A_299 = arith.andi %get3A_284, %and3A_298 : vector<16xi32>
      %add3A_300 = arith.addi %mul3A_296, %and3A_299 : vector<16xi32>
      %swap3A_301 = arith.constant 112 : index
      %swap3A_302 = tpu.vector_load %arg10[%swap3A_301] {strides = array<i32>} : memref<1024xi32, #tpu.memory_space<vmem>>, vector<16xi32>,
      tpu.vector_store %arg10[%swap3A_301], %add3A_300 {strides = array<i32>} : memref<1024xi32, #tpu.memory_space<vmem>>, vector<16xi32>,
      "tpu.region"() ({
        %run_scoped3A = tpu.sem_alloc : memref<!tpu.dma_semaphore, #tpu.memory_space<semaphore_mem>>
        %dma_start3A_303 = arith.constant 0 : i32
        %dma_start3A_304 = tpu.memref_slice %arg9[%dma_start3A_303] : memref<1024xf32, #tpu.memory_space<vmem>> -> memref<128xf32, #tpu.memory_space<vmem>>
        %dma_start3A_305 = arith.constant 0 : i32
        %dma_start3A_306 = tpu.memref_slice %arg4[%add3A_22, %dma_start3A_305] : memref<1024x128xf32, #tpu.memory_space<hbm>> -> memref<1x128xf32, #tpu.memory_space<hbm>>
        %dma_start3A_307 = tpu.memref_squeeze %dma_start3A_306 : memref<1x128xf32, #tpu.memory_space<hbm>> -> memref<128xf32, #tpu.memory_space<hbm>>
        %dma_start3A_308 = arith.constant 0 : i32
        %dma_start3A_309 = tpu.memref_slice %arg4[%add3A_22, %dma_start3A_308] : memref<1024x128xf32, #tpu.memory_space<hbm>> -> memref<1x128xf32, #tpu.memory_space<hbm>>
        %dma_start3A_310 = tpu.memref_squeeze %dma_start3A_309 : memref<1x128xf32, #tpu.memory_space<hbm>> -> memref<128xf32, #tpu.memory_space<hbm>>
        %dma_start3A_311 = arith.constant 0 : i32
        %dma_start3A_312 = tpu.memref_slice %arg9[%dma_start3A_311] : memref<1024xf32, #tpu.memory_space<vmem>> -> memref<128xf32, #tpu.memory_space<vmem>>
        tpu.enqueue_dma source(%dma_start3A_312 : memref<128xf32, #tpu.memory_space<vmem>>) target(%dma_start3A_310 : memref<128xf32, #tpu.memory_space<hbm>>) target_semaphore(%run_scoped3A : memref<!tpu.dma_semaphore, #tpu.memory_space<semaphore_mem>>)
        %dma_wait3A_313 = arith.constant 0 : i32
        %dma_wait3A_314 = tpu.memref_slice %arg9[%dma_wait3A_313] : memref<1024xf32, #tpu.memory_space<vmem>> -> memref<128xf32, #tpu.memory_space<vmem>>
        %dma_wait3A_315 = arith.constant 0 : i32
        %dma_wait3A_316 = tpu.memref_slice %arg4[%add3A_22, %dma_wait3A_315] : memref<1024x128xf32, #tpu.memory_space<hbm>> -> memref<1x128xf32, #tpu.memory_space<hbm>>
        %dma_wait3A_317 = tpu.memref_squeeze %dma_wait3A_316 : memref<1x128xf32, #tpu.memory_space<hbm>> -> memref<128xf32, #tpu.memory_space<hbm>>
        %dma_wait3A_318 = arith.constant 0 : i32
        %dma_wait3A_319 = tpu.memref_slice %arg4[%add3A_22, %dma_wait3A_318] : memref<1024x128xf32, #tpu.memory_space<hbm>> -> memref<1x128xf32, #tpu.memory_space<hbm>>
        %dma_wait3A_320 = tpu.memref_squeeze %dma_wait3A_319 : memref<1x128xf32, #tpu.memory_space<hbm>> -> memref<128xf32, #tpu.memory_space<hbm>>
        %dma_wait3A_321 = arith.constant 0 : i32
        %dma_wait3A_322 = tpu.memref_slice %arg9[%dma_wait3A_321] : memref<1024xf32, #tpu.memory_space<vmem>> -> memref<128xf32, #tpu.memory_space<vmem>>
        tpu.wait_dma2 semaphore(%run_scoped3A : memref<!tpu.dma_semaphore, #tpu.memory_space<semaphore_mem>>) src(%dma_wait3A_322 : memref<128xf32, #tpu.memory_space<vmem>>) dst(%dma_wait3A_320 : memref<128xf32, #tpu.memory_space<hbm>>)
        tpu.yield
      }) : () -> ()
      "tpu.region"() ({
        %run_scoped3A = tpu.sem_alloc : memref<!tpu.dma_semaphore, #tpu.memory_space<semaphore_mem>>
        %dma_start3A_303 = arith.constant 0 : i32
        %dma_start3A_304 = tpu.memref_slice %arg10[%dma_start3A_303] : memref<1024xi32, #tpu.memory_space<vmem>> -> memref<128xi32, #tpu.memory_space<vmem>>
        %dma_start3A_305 = arith.constant 0 : i32
        %dma_start3A_306 = tpu.memref_slice %arg5[%add3A_22, %dma_start3A_305] : memref<1024x128xi32, #tpu.memory_space<hbm>> -> memref<1x128xi32, #tpu.memory_space<hbm>>
        %dma_start3A_307 = tpu.memref_squeeze %dma_start3A_306 : memref<1x128xi32, #tpu.memory_space<hbm>> -> memref<128xi32, #tpu.memory_space<hbm>>
        %dma_start3A_308 = arith.constant 0 : i32
        %dma_start3A_309 = tpu.memref_slice %arg5[%add3A_22, %dma_start3A_308] : memref<1024x128xi32, #tpu.memory_space<hbm>> -> memref<1x128xi32, #tpu.memory_space<hbm>>
        %dma_start3A_310 = tpu.memref_squeeze %dma_start3A_309 : memref<1x128xi32, #tpu.memory_space<hbm>> -> memref<128xi32, #tpu.memory_space<hbm>>
        %dma_start3A_311 = arith.constant 0 : i32
        %dma_start3A_312 = tpu.memref_slice %arg10[%dma_start3A_311] : memref<1024xi32, #tpu.memory_space<vmem>> -> memref<128xi32, #tpu.memory_space<vmem>>
        tpu.enqueue_dma source(%dma_start3A_312 : memref<128xi32, #tpu.memory_space<vmem>>) target(%dma_start3A_310 : memref<128xi32, #tpu.memory_space<hbm>>) target_semaphore(%run_scoped3A : memref<!tpu.dma_semaphore, #tpu.memory_space<semaphore_mem>>)
        %dma_wait3A_313 = arith.constant 0 : i32
        %dma_wait3A_314 = tpu.memref_slice %arg10[%dma_wait3A_313] : memref<1024xi32, #tpu.memory_space<vmem>> -> memref<128xi32, #tpu.memory_space<vmem>>
        %dma_wait3A_315 = arith.constant 0 : i32
        %dma_wait3A_316 = tpu.memref_slice %arg5[%add3A_22, %dma_wait3A_315] : memref<1024x128xi32, #tpu.memory_space<hbm>> -> memref<1x128xi32, #tpu.memory_space<hbm>>
        %dma_wait3A_317 = tpu.memref_squeeze %dma_wait3A_316 : memref<1x128xi32, #tpu.memory_space<hbm>> -> memref<128xi32, #tpu.memory_space<hbm>>
        %dma_wait3A_318 = arith.constant 0 : i32
        %dma_wait3A_319 = tpu.memref_slice %arg5[%add3A_22, %dma_wait3A_318] : memref<1024x128xi32, #tpu.memory_space<hbm>> -> memref<1x128xi32, #tpu.memory_space<hbm>>
        %dma_wait3A_320 = tpu.memref_squeeze %dma_wait3A_319 : memref<1x128xi32, #tpu.memory_space<hbm>> -> memref<128xi32, #tpu.memory_space<hbm>>
        %dma_wait3A_321 = arith.constant 0 : i32
        %dma_wait3A_322 = tpu.memref_slice %arg10[%dma_wait3A_321] : memref<1024xi32, #tpu.memory_space<vmem>> -> memref<128xi32, #tpu.memory_space<vmem>>
        tpu.wait_dma2 semaphore(%run_scoped3A : memref<!tpu.dma_semaphore, #tpu.memory_space<semaphore_mem>>) src(%dma_wait3A_322 : memref<128xi32, #tpu.memory_space<vmem>>) dst(%dma_wait3A_320 : memref<128xi32, #tpu.memory_space<hbm>>)
        tpu.yield
      }) : () -> ()
    }
    %scan3A_18 = arith.constant 32 : i32
    return
  }
}

module attributes {stable_mosaic.version = 14 : i64} {
  func.func @_emb_mm_kernel(%arg0: memref<1024x128xf32, #tpu.memory_space<vmem>>, %arg1: memref<1024x1xf32, #tpu.memory_space<vmem>>, %arg2: memref<128x160xf32, #tpu.memory_space<vmem>>, %arg3: memref<1x128xf32, #tpu.memory_space<vmem>>, %arg4: memref<1024x128xf32, #tpu.memory_space<vmem>>) attributes {dimension_semantics = [], scalar_prefetch = 0 : i64, scratch_operands = 0 : i64, tpu.core_type = #tpu.core_type<tc>} {
    %iota3A = tpu.iota {dimensions = array<i32: 1>} : vector<1x16xi32>
    %convert_element_type3A = arith.sitofp %iota3A : vector<1x16xi32> to vector<1x16xf32>
    %mul3A = arith.constant -9.21034049 : f32
    %mul3A_0 = vector.broadcast %mul3A : f32 to vector<1x16xf32>
    %mul3A_1 = arith.mulf %mul3A_0, %convert_element_type3A : vector<1x16xf32>
    %div3A = arith.constant 1.600000e+01 : f32
    %div3A_2 = vector.broadcast %div3A : f32 to vector<1x16xf32>
    %div3A_3 = arith.divf %mul3A_1, %div3A_2 : vector<1x16xf32>
    %exp3A = math.exp %div3A_3 : vector<1x16xf32>
    %get3A = arith.constant 0 : index
    %get3A_4 = arith.constant 0 : index
    %get3A_5 = vector.load %arg1[%get3A, %get3A_4] : memref<1024x1xf32, #tpu.memory_space<vmem>>, vector<1024x1xf32>
    %mul3A_6 = vector.broadcast %get3A_5 : vector<1024x1xf32> to vector<1024x16xf32>
    %mul3A_7 = vector.broadcast %exp3A : vector<1x16xf32> to vector<1024x16xf32>
    %mul3A_8 = arith.mulf %mul3A_6, %mul3A_7 : vector<1024x16xf32>
    %get3A_9 = arith.constant 0 : index
    %get3A_10 = arith.constant 0 : index
    %get3A_11 = vector.load %arg0[%get3A_9, %get3A_10] : memref<1024x128xf32, #tpu.memory_space<vmem>>, vector<1024x128xf32>
    %sin3A = math.sin %mul3A_8 : vector<1024x16xf32>
    %cos3A = math.cos %mul3A_8 : vector<1024x16xf32>
    %concatenate3A = tpu.concatenate %get3A_11, %sin3A, %cos3A in 1 : vector<1024x128xf32>, vector<1024x16xf32>, vector<1024x16xf32> -> vector<1024x160xf32>
    %get3A_12 = arith.constant 0 : index
    %get3A_13 = arith.constant 0 : index
    %get3A_14 = vector.load %arg2[%get3A_12, %get3A_13] : memref<128x160xf32, #tpu.memory_space<vmem>>, vector<128x160xf32>
    %dot_general3A = arith.constant dense<0.000000e+00> : vector<1024x128xf32>
    %dot_general3A_15 = tpu.matmul %concatenate3A, %get3A_14, %dot_general3A {dimension_numbers = #tpu.dot_dimension_numbers<[1], [1], [0], [0], [0, 0, 1, 0], [], []>, transpose_lhs_hint = false} : vector<1024x160xf32>, vector<128x160xf32>, vector<1024x128xf32> -> vector<1024x128xf32>
    %get3A_16 = arith.constant 0 : index
    %get3A_17 = arith.constant 0 : index
    %get3A_18 = vector.load %arg3[%get3A_16, %get3A_17] : memref<1x128xf32, #tpu.memory_space<vmem>>, vector<1x128xf32>
    %add3A = vector.broadcast %get3A_18 : vector<1x128xf32> to vector<1024x128xf32>
    %add3A_19 = arith.addf %dot_general3A_15, %add3A : vector<1024x128xf32>
    %swap3A = arith.constant 0 : index
    %swap3A_20 = arith.constant 0 : index
    %swap3A_21 = vector.load %arg4[%swap3A, %swap3A_20] : memref<1024x128xf32, #tpu.memory_space<vmem>>, vector<1024x128xf32>
    tpu.vector_store %arg4[%swap3A, %swap3A_20], %add3A_19 {strides = array<i32>} : memref<1024x128xf32, #tpu.memory_space<vmem>>, vector<1024x128xf32>,
    return
  }
}

module attributes {stable_mosaic.version = 14 : i64} {
  func.func @_mm_kernel(%arg0: memref<1024x128xf32, #tpu.memory_space<vmem>>, %arg1: memref<128x128xf32, #tpu.memory_space<vmem>>, %arg2: memref<1x128xf32, #tpu.memory_space<vmem>>, %arg3: memref<1024x128xf32, #tpu.memory_space<vmem>>) attributes {dimension_semantics = [], scalar_prefetch = 0 : i64, scratch_operands = 0 : i64, tpu.core_type = #tpu.core_type<tc>} {
    %get3A = arith.constant 0 : index
    %get3A_0 = arith.constant 0 : index
    %get3A_1 = vector.load %arg0[%get3A, %get3A_0] : memref<1024x128xf32, #tpu.memory_space<vmem>>, vector<1024x128xf32>
    %get3A_2 = arith.constant 0 : index
    %get3A_3 = arith.constant 0 : index
    %get3A_4 = vector.load %arg1[%get3A_2, %get3A_3] : memref<128x128xf32, #tpu.memory_space<vmem>>, vector<128x128xf32>
    %dot_general3A = arith.constant dense<0.000000e+00> : vector<1024x128xf32>
    %dot_general3A_5 = tpu.matmul %get3A_1, %get3A_4, %dot_general3A {dimension_numbers = #tpu.dot_dimension_numbers<[1], [1], [0], [0], [0, 0, 1, 0], [], []>, transpose_lhs_hint = false} : vector<1024x128xf32>, vector<128x128xf32>, vector<1024x128xf32> -> vector<1024x128xf32>
    %get3A_6 = arith.constant 0 : index
    %get3A_7 = arith.constant 0 : index
    %get3A_8 = vector.load %arg2[%get3A_6, %get3A_7] : memref<1x128xf32, #tpu.memory_space<vmem>>, vector<1x128xf32>
    %add3A = vector.broadcast %get3A_8 : vector<1x128xf32> to vector<1024x128xf32>
    %add3A_9 = arith.addf %dot_general3A_5, %add3A : vector<1024x128xf32>
    %swap3A = arith.constant 0 : index
    %swap3A_10 = arith.constant 0 : index
    %swap3A_11 = vector.load %arg3[%swap3A, %swap3A_10] : memref<1024x128xf32, #tpu.memory_space<vmem>>, vector<1024x128xf32>
    tpu.vector_store %arg3[%swap3A, %swap3A_10], %add3A_9 {strides = array<i32>} : memref<1024x128xf32, #tpu.memory_space<vmem>>, vector<1024x128xf32>,
    return
  }
}

module attributes {stable_mosaic.version = 14 : i64} {
  func.func @_mm_kernel(%arg0: memref<1024x128xf32, #tpu.memory_space<vmem>>, %arg1: memref<64x128xf32, #tpu.memory_space<vmem>>, %arg2: memref<1x64xf32, #tpu.memory_space<vmem>>, %arg3: memref<1024x64xf32, #tpu.memory_space<vmem>>) attributes {dimension_semantics = [], scalar_prefetch = 0 : i64, scratch_operands = 0 : i64, tpu.core_type = #tpu.core_type<tc>} {
    %get3A = arith.constant 0 : index
    %get3A_0 = arith.constant 0 : index
    %get3A_1 = vector.load %arg0[%get3A, %get3A_0] : memref<1024x128xf32, #tpu.memory_space<vmem>>, vector<1024x128xf32>
    %get3A_2 = arith.constant 0 : index
    %get3A_3 = arith.constant 0 : index
    %get3A_4 = vector.load %arg1[%get3A_2, %get3A_3] : memref<64x128xf32, #tpu.memory_space<vmem>>, vector<64x128xf32>
    %dot_general3A = arith.constant dense<0.000000e+00> : vector<1024x64xf32>
    %dot_general3A_5 = tpu.matmul %get3A_1, %get3A_4, %dot_general3A {dimension_numbers = #tpu.dot_dimension_numbers<[1], [1], [0], [0], [0, 0, 1, 0], [], []>, transpose_lhs_hint = false} : vector<1024x128xf32>, vector<64x128xf32>, vector<1024x64xf32> -> vector<1024x64xf32>
    %get3A_6 = arith.constant 0 : index
    %get3A_7 = arith.constant 0 : index
    %get3A_8 = vector.load %arg2[%get3A_6, %get3A_7] : memref<1x64xf32, #tpu.memory_space<vmem>>, vector<1x64xf32>
    %add3A = vector.broadcast %get3A_8 : vector<1x64xf32> to vector<1024x64xf32>
    %add3A_9 = arith.addf %dot_general3A_5, %add3A : vector<1024x64xf32>
    %swap3A = arith.constant 0 : index
    %swap3A_10 = arith.constant 0 : index
    %swap3A_11 = vector.load %arg3[%swap3A, %swap3A_10] : memref<1024x64xf32, #tpu.memory_space<vmem>>, vector<1024x64xf32>
    tpu.vector_store %arg3[%swap3A, %swap3A_10], %add3A_9 {strides = array<i32>} : memref<1024x64xf32, #tpu.memory_space<vmem>>, vector<1024x64xf32>,
    return
  }
}

module attributes {stable_mosaic.version = 14 : i64} {
  func.func @_logits3_kernel(%arg0: i32, %arg1: memref<1024x64xf32, #tpu.memory_space<vmem>>, %arg2: memref<2048x64xf32, #tpu.memory_space<vmem>>, %arg3: memref<16x1024x128xf32, #tpu.memory_space<vmem>>, %arg4: memref<16x1024xf32, #tpu.memory_space<vmem>>) attributes {dimension_semantics = [#tpu.dimension_semantics<arbitrary>], iteration_bounds = array<i64: 49>, scalar_prefetch = 0 : i64, scratch_operands = 0 : i64, tpu.core_type = #tpu.core_type<tc>, window_params = [{pipeline_mode = #tpu.pipeline_mode<synchronous>, transform_indices = @transform_0, window_bounds = array<i64: 1024, 64>}, {transform_indices = @transform_1, window_bounds = array<i64: 2048, 64>}, {transform_indices = @transform_2, window_bounds = array<i64: 16, 1024, 128>}, {transform_indices = @transform_3, window_bounds = array<i64: 16, 1024>}]} {
    %get3A = arith.constant 0 : index
    %get3A_0 = arith.constant 0 : index
    %get3A_1 = vector.load %arg1[%get3A, %get3A_0] : memref<1024x64xf32, #tpu.memory_space<vmem>>, vector<1024x64xf32>
    %iota3A = tpu.iota {dimensions = array<i32: 1>} : vector<1024x128xi32>
    %get3A_2 = arith.constant 0 : index
    %get3A_3 = arith.constant 0 : index
    %get3A_4 = vector.load %arg2[%get3A_2, %get3A_3] : memref<2048x64xf32, #tpu.memory_space<vmem>>, vector<128x64xf32>
    %dot_general3A = arith.constant dense<0.000000e+00> : vector<1024x128xf32>
    %dot_general3A_5 = tpu.matmul %get3A_1, %get3A_4, %dot_general3A {dimension_numbers = #tpu.dot_dimension_numbers<[1], [1], [0], [0], [0, 0, 1, 0], [], []>, transpose_lhs_hint = false} : vector<1024x64xf32>, vector<128x64xf32>, vector<1024x128xf32> -> vector<1024x128xf32>
    %mul3A = arith.constant 1.250000e-01 : f32
    %mul3A_6 = vector.broadcast %mul3A : f32 to vector<1024x128xf32>
    %mul3A_7 = arith.mulf %dot_general3A_5, %mul3A_6 : vector<1024x128xf32>
    %mul3A_8 = arith.constant 2048 : i32
    %mul3A_9 = arith.muli %arg0, %mul3A_8 : i32
    %add3A = arith.constant 0 : i32
    %add3A_10 = arith.addi %mul3A_9, %add3A : i32
    %add3A_11 = vector.broadcast %add3A_10 : i32 to vector<1024x128xi32>
    %add3A_12 = arith.addi %iota3A, %add3A_11 : vector<1024x128xi32>
    %lt3A = arith.constant 100000 : i32
    %lt3A_13 = vector.broadcast %lt3A : i32 to vector<1024x128xi32>
    %lt3A_14 = arith.cmpi slt, %add3A_12, %lt3A_13 : vector<1024x128xi32>
    %jit3A = arith.constant 0xFF800000 : f32
    %broadcast_in_dim3A = vector.broadcast %jit3A : f32 to vector<1024x128xf32>
    %select_n3A = arith.select %lt3A_14, %mul3A_7, %broadcast_in_dim3A : vector<1024x128xi1>, vector<1024x128xf32>
    %swap3A = arith.constant 0 : index
    %swap3A_15 = arith.constant 0 : index
    %swap3A_16 = arith.constant 0 : index
    %swap3A_17 = vector.load %arg3[%swap3A, %swap3A_15, %swap3A_16] : memref<16x1024x128xf32, #tpu.memory_space<vmem>>, vector<1x1024x128xf32>
    %swap3A_18 = vector.shape_cast %swap3A_17 : vector<1x1024x128xf32> to vector<1024x128xf32>
    %swap3A_19 = vector.shape_cast %select_n3A : vector<1024x128xf32> to vector<1x1024x128xf32>
    tpu.vector_store %arg3[%swap3A, %swap3A_15, %swap3A_16], %swap3A_19 {strides = array<i32>} : memref<16x1024x128xf32, #tpu.memory_space<vmem>>, vector<1x1024x128xf32>,
    %reduce_max3A = arith.constant dense<0xFF800000> : vector<1024xf32>
    %reduce_max3A_20 = vector.multi_reduction <maximumf>, %select_n3A, %reduce_max3A [1] : vector<1024x128xf32> to vector<1024xf32>
    %reshape3A = vector.shape_cast %reduce_max3A_20 : vector<1024xf32> to vector<1x1024xf32>
    %get3A_21 = arith.constant 128 : index
    %get3A_22 = arith.constant 0 : index
    %get3A_23 = vector.load %arg2[%get3A_21, %get3A_22] : memref<2048x64xf32, #tpu.memory_space<vmem>>, vector<128x64xf32>
    %dot_general3A_24 = arith.constant dense<0.000000e+00> : vector<1024x128xf32>
    %dot_general3A_25 = tpu.matmul %get3A_1, %get3A_23, %dot_general3A_24 {dimension_numbers = #tpu.dot_dimension_numbers<[1], [1], [0], [0], [0, 0, 1, 0], [], []>, transpose_lhs_hint = false} : vector<1024x64xf32>, vector<128x64xf32>, vector<1024x128xf32> -> vector<1024x128xf32>
    %mul3A_26 = arith.constant 1.250000e-01 : f32
    %mul3A_27 = vector.broadcast %mul3A_26 : f32 to vector<1024x128xf32>
    %mul3A_28 = arith.mulf %dot_general3A_25, %mul3A_27 : vector<1024x128xf32>
    %mul3A_29 = arith.constant 2048 : i32
    %mul3A_30 = arith.muli %arg0, %mul3A_29 : i32
    %add3A_31 = arith.constant 128 : i32
    %add3A_32 = arith.addi %mul3A_30, %add3A_31 : i32
    %add3A_33 = vector.broadcast %add3A_32 : i32 to vector<1024x128xi32>
    %add3A_34 = arith.addi %iota3A, %add3A_33 : vector<1024x128xi32>
    %lt3A_35 = arith.constant 100000 : i32
    %lt3A_36 = vector.broadcast %lt3A_35 : i32 to vector<1024x128xi32>
    %lt3A_37 = arith.cmpi slt, %add3A_34, %lt3A_36 : vector<1024x128xi32>
    %jit3A_38 = arith.constant 0xFF800000 : f32
    %broadcast_in_dim3A_39 = vector.broadcast %jit3A_38 : f32 to vector<1024x128xf32>
    %select_n3A_40 = arith.select %lt3A_37, %mul3A_28, %broadcast_in_dim3A_39 : vector<1024x128xi1>, vector<1024x128xf32>
    %swap3A_41 = arith.constant 1 : index
    %swap3A_42 = arith.constant 0 : index
    %swap3A_43 = arith.constant 0 : index
    %swap3A_44 = vector.load %arg3[%swap3A_41, %swap3A_42, %swap3A_43] : memref<16x1024x128xf32, #tpu.memory_space<vmem>>, vector<1x1024x128xf32>
    %swap3A_45 = vector.shape_cast %swap3A_44 : vector<1x1024x128xf32> to vector<1024x128xf32>
    %swap3A_46 = vector.shape_cast %select_n3A_40 : vector<1024x128xf32> to vector<1x1024x128xf32>
    tpu.vector_store %arg3[%swap3A_41, %swap3A_42, %swap3A_43], %swap3A_46 {strides = array<i32>} : memref<16x1024x128xf32, #tpu.memory_space<vmem>>, vector<1x1024x128xf32>,
    %reduce_max3A_47 = arith.constant dense<0xFF800000> : vector<1024xf32>
    %reduce_max3A_48 = vector.multi_reduction <maximumf>, %select_n3A_40, %reduce_max3A_47 [1] : vector<1024x128xf32> to vector<1024xf32>
    %reshape3A_49 = vector.shape_cast %reduce_max3A_48 : vector<1024xf32> to vector<1x1024xf32>
    %get3A_50 = arith.constant 256 : index
    %get3A_51 = arith.constant 0 : index
    %get3A_52 = vector.load %arg2[%get3A_50, %get3A_51] : memref<2048x64xf32, #tpu.memory_space<vmem>>, vector<128x64xf32>
    %dot_general3A_53 = arith.constant dense<0.000000e+00> : vector<1024x128xf32>
    %dot_general3A_54 = tpu.matmul %get3A_1, %get3A_52, %dot_general3A_53 {dimension_numbers = #tpu.dot_dimension_numbers<[1], [1], [0], [0], [0, 0, 1, 0], [], []>, transpose_lhs_hint = false} : vector<1024x64xf32>, vector<128x64xf32>, vector<1024x128xf32> -> vector<1024x128xf32>
    %mul3A_55 = arith.constant 1.250000e-01 : f32
    %mul3A_56 = vector.broadcast %mul3A_55 : f32 to vector<1024x128xf32>
    %mul3A_57 = arith.mulf %dot_general3A_54, %mul3A_56 : vector<1024x128xf32>
    %mul3A_58 = arith.constant 2048 : i32
    %mul3A_59 = arith.muli %arg0, %mul3A_58 : i32
    %add3A_60 = arith.constant 256 : i32
    %add3A_61 = arith.addi %mul3A_59, %add3A_60 : i32
    %add3A_62 = vector.broadcast %add3A_61 : i32 to vector<1024x128xi32>
    %add3A_63 = arith.addi %iota3A, %add3A_62 : vector<1024x128xi32>
    %lt3A_64 = arith.constant 100000 : i32
    %lt3A_65 = vector.broadcast %lt3A_64 : i32 to vector<1024x128xi32>
    %lt3A_66 = arith.cmpi slt, %add3A_63, %lt3A_65 : vector<1024x128xi32>
    %jit3A_67 = arith.constant 0xFF800000 : f32
    %broadcast_in_dim3A_68 = vector.broadcast %jit3A_67 : f32 to vector<1024x128xf32>
    %select_n3A_69 = arith.select %lt3A_66, %mul3A_57, %broadcast_in_dim3A_68 : vector<1024x128xi1>, vector<1024x128xf32>
    %swap3A_70 = arith.constant 2 : index
    %swap3A_71 = arith.constant 0 : index
    %swap3A_72 = arith.constant 0 : index
    %swap3A_73 = vector.load %arg3[%swap3A_70, %swap3A_71, %swap3A_72] : memref<16x1024x128xf32, #tpu.memory_space<vmem>>, vector<1x1024x128xf32>
    %swap3A_74 = vector.shape_cast %swap3A_73 : vector<1x1024x128xf32> to vector<1024x128xf32>
    %swap3A_75 = vector.shape_cast %select_n3A_69 : vector<1024x128xf32> to vector<1x1024x128xf32>
    tpu.vector_store %arg3[%swap3A_70, %swap3A_71, %swap3A_72], %swap3A_75 {strides = array<i32>} : memref<16x1024x128xf32, #tpu.memory_space<vmem>>, vector<1x1024x128xf32>,
    %reduce_max3A_76 = arith.constant dense<0xFF800000> : vector<1024xf32>
    %reduce_max3A_77 = vector.multi_reduction <maximumf>, %select_n3A_69, %reduce_max3A_76 [1] : vector<1024x128xf32> to vector<1024xf32>
    %reshape3A_78 = vector.shape_cast %reduce_max3A_77 : vector<1024xf32> to vector<1x1024xf32>
    %get3A_79 = arith.constant 384 : index
    %get3A_80 = arith.constant 0 : index
    %get3A_81 = vector.load %arg2[%get3A_79, %get3A_80] : memref<2048x64xf32, #tpu.memory_space<vmem>>, vector<128x64xf32>
    %dot_general3A_82 = arith.constant dense<0.000000e+00> : vector<1024x128xf32>
    %dot_general3A_83 = tpu.matmul %get3A_1, %get3A_81, %dot_general3A_82 {dimension_numbers = #tpu.dot_dimension_numbers<[1], [1], [0], [0], [0, 0, 1, 0], [], []>, transpose_lhs_hint = false} : vector<1024x64xf32>, vector<128x64xf32>, vector<1024x128xf32> -> vector<1024x128xf32>
    %mul3A_84 = arith.constant 1.250000e-01 : f32
    %mul3A_85 = vector.broadcast %mul3A_84 : f32 to vector<1024x128xf32>
    %mul3A_86 = arith.mulf %dot_general3A_83, %mul3A_85 : vector<1024x128xf32>
    %mul3A_87 = arith.constant 2048 : i32
    %mul3A_88 = arith.muli %arg0, %mul3A_87 : i32
    %add3A_89 = arith.constant 384 : i32
    %add3A_90 = arith.addi %mul3A_88, %add3A_89 : i32
    %add3A_91 = vector.broadcast %add3A_90 : i32 to vector<1024x128xi32>
    %add3A_92 = arith.addi %iota3A, %add3A_91 : vector<1024x128xi32>
    %lt3A_93 = arith.constant 100000 : i32
    %lt3A_94 = vector.broadcast %lt3A_93 : i32 to vector<1024x128xi32>
    %lt3A_95 = arith.cmpi slt, %add3A_92, %lt3A_94 : vector<1024x128xi32>
    %jit3A_96 = arith.constant 0xFF800000 : f32
    %broadcast_in_dim3A_97 = vector.broadcast %jit3A_96 : f32 to vector<1024x128xf32>
    %select_n3A_98 = arith.select %lt3A_95, %mul3A_86, %broadcast_in_dim3A_97 : vector<1024x128xi1>, vector<1024x128xf32>
    %swap3A_99 = arith.constant 3 : index
    %swap3A_100 = arith.constant 0 : index
    %swap3A_101 = arith.constant 0 : index
    %swap3A_102 = vector.load %arg3[%swap3A_99, %swap3A_100, %swap3A_101] : memref<16x1024x128xf32, #tpu.memory_space<vmem>>, vector<1x1024x128xf32>
    %swap3A_103 = vector.shape_cast %swap3A_102 : vector<1x1024x128xf32> to vector<1024x128xf32>
    %swap3A_104 = vector.shape_cast %select_n3A_98 : vector<1024x128xf32> to vector<1x1024x128xf32>
    tpu.vector_store %arg3[%swap3A_99, %swap3A_100, %swap3A_101], %swap3A_104 {strides = array<i32>} : memref<16x1024x128xf32, #tpu.memory_space<vmem>>, vector<1x1024x128xf32>,
    %reduce_max3A_105 = arith.constant dense<0xFF800000> : vector<1024xf32>
    %reduce_max3A_106 = vector.multi_reduction <maximumf>, %select_n3A_98, %reduce_max3A_105 [1] : vector<1024x128xf32> to vector<1024xf32>
    %reshape3A_107 = vector.shape_cast %reduce_max3A_106 : vector<1024xf32> to vector<1x1024xf32>
    %get3A_108 = arith.constant 512 : index
    %get3A_109 = arith.constant 0 : index
    %get3A_110 = vector.load %arg2[%get3A_108, %get3A_109] : memref<2048x64xf32, #tpu.memory_space<vmem>>, vector<128x64xf32>
    %dot_general3A_111 = arith.constant dense<0.000000e+00> : vector<1024x128xf32>
    %dot_general3A_112 = tpu.matmul %get3A_1, %get3A_110, %dot_general3A_111 {dimension_numbers = #tpu.dot_dimension_numbers<[1], [1], [0], [0], [0, 0, 1, 0], [], []>, transpose_lhs_hint = false} : vector<1024x64xf32>, vector<128x64xf32>, vector<1024x128xf32> -> vector<1024x128xf32>
    %mul3A_113 = arith.constant 1.250000e-01 : f32
    %mul3A_114 = vector.broadcast %mul3A_113 : f32 to vector<1024x128xf32>
    %mul3A_115 = arith.mulf %dot_general3A_112, %mul3A_114 : vector<1024x128xf32>
    %mul3A_116 = arith.constant 2048 : i32
    %mul3A_117 = arith.muli %arg0, %mul3A_116 : i32
    %add3A_118 = arith.constant 512 : i32
    %add3A_119 = arith.addi %mul3A_117, %add3A_118 : i32
    %add3A_120 = vector.broadcast %add3A_119 : i32 to vector<1024x128xi32>
    %add3A_121 = arith.addi %iota3A, %add3A_120 : vector<1024x128xi32>
    %lt3A_122 = arith.constant 100000 : i32
    %lt3A_123 = vector.broadcast %lt3A_122 : i32 to vector<1024x128xi32>
    %lt3A_124 = arith.cmpi slt, %add3A_121, %lt3A_123 : vector<1024x128xi32>
    %jit3A_125 = arith.constant 0xFF800000 : f32
    %broadcast_in_dim3A_126 = vector.broadcast %jit3A_125 : f32 to vector<1024x128xf32>
    %select_n3A_127 = arith.select %lt3A_124, %mul3A_115, %broadcast_in_dim3A_126 : vector<1024x128xi1>, vector<1024x128xf32>
    %swap3A_128 = arith.constant 4 : index
    %swap3A_129 = arith.constant 0 : index
    %swap3A_130 = arith.constant 0 : index
    %swap3A_131 = vector.load %arg3[%swap3A_128, %swap3A_129, %swap3A_130] : memref<16x1024x128xf32, #tpu.memory_space<vmem>>, vector<1x1024x128xf32>
    %swap3A_132 = vector.shape_cast %swap3A_131 : vector<1x1024x128xf32> to vector<1024x128xf32>
    %swap3A_133 = vector.shape_cast %select_n3A_127 : vector<1024x128xf32> to vector<1x1024x128xf32>
    tpu.vector_store %arg3[%swap3A_128, %swap3A_129, %swap3A_130], %swap3A_133 {strides = array<i32>} : memref<16x1024x128xf32, #tpu.memory_space<vmem>>, vector<1x1024x128xf32>,
    %reduce_max3A_134 = arith.constant dense<0xFF800000> : vector<1024xf32>
    %reduce_max3A_135 = vector.multi_reduction <maximumf>, %select_n3A_127, %reduce_max3A_134 [1] : vector<1024x128xf32> to vector<1024xf32>
    %reshape3A_136 = vector.shape_cast %reduce_max3A_135 : vector<1024xf32> to vector<1x1024xf32>
    %get3A_137 = arith.constant 640 : index
    %get3A_138 = arith.constant 0 : index
    %get3A_139 = vector.load %arg2[%get3A_137, %get3A_138] : memref<2048x64xf32, #tpu.memory_space<vmem>>, vector<128x64xf32>
    %dot_general3A_140 = arith.constant dense<0.000000e+00> : vector<1024x128xf32>
    %dot_general3A_141 = tpu.matmul %get3A_1, %get3A_139, %dot_general3A_140 {dimension_numbers = #tpu.dot_dimension_numbers<[1], [1], [0], [0], [0, 0, 1, 0], [], []>, transpose_lhs_hint = false} : vector<1024x64xf32>, vector<128x64xf32>, vector<1024x128xf32> -> vector<1024x128xf32>
    %mul3A_142 = arith.constant 1.250000e-01 : f32
    %mul3A_143 = vector.broadcast %mul3A_142 : f32 to vector<1024x128xf32>
    %mul3A_144 = arith.mulf %dot_general3A_141, %mul3A_143 : vector<1024x128xf32>
    %mul3A_145 = arith.constant 2048 : i32
    %mul3A_146 = arith.muli %arg0, %mul3A_145 : i32
    %add3A_147 = arith.constant 640 : i32
    %add3A_148 = arith.addi %mul3A_146, %add3A_147 : i32
    %add3A_149 = vector.broadcast %add3A_148 : i32 to vector<1024x128xi32>
    %add3A_150 = arith.addi %iota3A, %add3A_149 : vector<1024x128xi32>
    %lt3A_151 = arith.constant 100000 : i32
    %lt3A_152 = vector.broadcast %lt3A_151 : i32 to vector<1024x128xi32>
    %lt3A_153 = arith.cmpi slt, %add3A_150, %lt3A_152 : vector<1024x128xi32>
    %jit3A_154 = arith.constant 0xFF800000 : f32
    %broadcast_in_dim3A_155 = vector.broadcast %jit3A_154 : f32 to vector<1024x128xf32>
    %select_n3A_156 = arith.select %lt3A_153, %mul3A_144, %broadcast_in_dim3A_155 : vector<1024x128xi1>, vector<1024x128xf32>
    %swap3A_157 = arith.constant 5 : index
    %swap3A_158 = arith.constant 0 : index
    %swap3A_159 = arith.constant 0 : index
    %swap3A_160 = vector.load %arg3[%swap3A_157, %swap3A_158, %swap3A_159] : memref<16x1024x128xf32, #tpu.memory_space<vmem>>, vector<1x1024x128xf32>
    %swap3A_161 = vector.shape_cast %swap3A_160 : vector<1x1024x128xf32> to vector<1024x128xf32>
    %swap3A_162 = vector.shape_cast %select_n3A_156 : vector<1024x128xf32> to vector<1x1024x128xf32>
    tpu.vector_store %arg3[%swap3A_157, %swap3A_158, %swap3A_159], %swap3A_162 {strides = array<i32>} : memref<16x1024x128xf32, #tpu.memory_space<vmem>>, vector<1x1024x128xf32>,
    %reduce_max3A_163 = arith.constant dense<0xFF800000> : vector<1024xf32>
    %reduce_max3A_164 = vector.multi_reduction <maximumf>, %select_n3A_156, %reduce_max3A_163 [1] : vector<1024x128xf32> to vector<1024xf32>
    %reshape3A_165 = vector.shape_cast %reduce_max3A_164 : vector<1024xf32> to vector<1x1024xf32>
    %get3A_166 = arith.constant 768 : index
    %get3A_167 = arith.constant 0 : index
    %get3A_168 = vector.load %arg2[%get3A_166, %get3A_167] : memref<2048x64xf32, #tpu.memory_space<vmem>>, vector<128x64xf32>
    %dot_general3A_169 = arith.constant dense<0.000000e+00> : vector<1024x128xf32>
    %dot_general3A_170 = tpu.matmul %get3A_1, %get3A_168, %dot_general3A_169 {dimension_numbers = #tpu.dot_dimension_numbers<[1], [1], [0], [0], [0, 0, 1, 0], [], []>, transpose_lhs_hint = false} : vector<1024x64xf32>, vector<128x64xf32>, vector<1024x128xf32> -> vector<1024x128xf32>
    %mul3A_171 = arith.constant 1.250000e-01 : f32
    %mul3A_172 = vector.broadcast %mul3A_171 : f32 to vector<1024x128xf32>
    %mul3A_173 = arith.mulf %dot_general3A_170, %mul3A_172 : vector<1024x128xf32>
    %mul3A_174 = arith.constant 2048 : i32
    %mul3A_175 = arith.muli %arg0, %mul3A_174 : i32
    %add3A_176 = arith.constant 768 : i32
    %add3A_177 = arith.addi %mul3A_175, %add3A_176 : i32
    %add3A_178 = vector.broadcast %add3A_177 : i32 to vector<1024x128xi32>
    %add3A_179 = arith.addi %iota3A, %add3A_178 : vector<1024x128xi32>
    %lt3A_180 = arith.constant 100000 : i32
    %lt3A_181 = vector.broadcast %lt3A_180 : i32 to vector<1024x128xi32>
    %lt3A_182 = arith.cmpi slt, %add3A_179, %lt3A_181 : vector<1024x128xi32>
    %jit3A_183 = arith.constant 0xFF800000 : f32
    %broadcast_in_dim3A_184 = vector.broadcast %jit3A_183 : f32 to vector<1024x128xf32>
    %select_n3A_185 = arith.select %lt3A_182, %mul3A_173, %broadcast_in_dim3A_184 : vector<1024x128xi1>, vector<1024x128xf32>
    %swap3A_186 = arith.constant 6 : index
    %swap3A_187 = arith.constant 0 : index
    %swap3A_188 = arith.constant 0 : index
    %swap3A_189 = vector.load %arg3[%swap3A_186, %swap3A_187, %swap3A_188] : memref<16x1024x128xf32, #tpu.memory_space<vmem>>, vector<1x1024x128xf32>
    %swap3A_190 = vector.shape_cast %swap3A_189 : vector<1x1024x128xf32> to vector<1024x128xf32>
    %swap3A_191 = vector.shape_cast %select_n3A_185 : vector<1024x128xf32> to vector<1x1024x128xf32>
    tpu.vector_store %arg3[%swap3A_186, %swap3A_187, %swap3A_188], %swap3A_191 {strides = array<i32>} : memref<16x1024x128xf32, #tpu.memory_space<vmem>>, vector<1x1024x128xf32>,
    %reduce_max3A_192 = arith.constant dense<0xFF800000> : vector<1024xf32>
    %reduce_max3A_193 = vector.multi_reduction <maximumf>, %select_n3A_185, %reduce_max3A_192 [1] : vector<1024x128xf32> to vector<1024xf32>
    %reshape3A_194 = vector.shape_cast %reduce_max3A_193 : vector<1024xf32> to vector<1x1024xf32>
    %get3A_195 = arith.constant 896 : index
    %get3A_196 = arith.constant 0 : index
    %get3A_197 = vector.load %arg2[%get3A_195, %get3A_196] : memref<2048x64xf32, #tpu.memory_space<vmem>>, vector<128x64xf32>
    %dot_general3A_198 = arith.constant dense<0.000000e+00> : vector<1024x128xf32>
    %dot_general3A_199 = tpu.matmul %get3A_1, %get3A_197, %dot_general3A_198 {dimension_numbers = #tpu.dot_dimension_numbers<[1], [1], [0], [0], [0, 0, 1, 0], [], []>, transpose_lhs_hint = false} : vector<1024x64xf32>, vector<128x64xf32>, vector<1024x128xf32> -> vector<1024x128xf32>
    %mul3A_200 = arith.constant 1.250000e-01 : f32
    %mul3A_201 = vector.broadcast %mul3A_200 : f32 to vector<1024x128xf32>
    %mul3A_202 = arith.mulf %dot_general3A_199, %mul3A_201 : vector<1024x128xf32>
    %mul3A_203 = arith.constant 2048 : i32
    %mul3A_204 = arith.muli %arg0, %mul3A_203 : i32
    %add3A_205 = arith.constant 896 : i32
    %add3A_206 = arith.addi %mul3A_204, %add3A_205 : i32
    %add3A_207 = vector.broadcast %add3A_206 : i32 to vector<1024x128xi32>
    %add3A_208 = arith.addi %iota3A, %add3A_207 : vector<1024x128xi32>
    %lt3A_209 = arith.constant 100000 : i32
    %lt3A_210 = vector.broadcast %lt3A_209 : i32 to vector<1024x128xi32>
    %lt3A_211 = arith.cmpi slt, %add3A_208, %lt3A_210 : vector<1024x128xi32>
    %jit3A_212 = arith.constant 0xFF800000 : f32
    %broadcast_in_dim3A_213 = vector.broadcast %jit3A_212 : f32 to vector<1024x128xf32>
    %select_n3A_214 = arith.select %lt3A_211, %mul3A_202, %broadcast_in_dim3A_213 : vector<1024x128xi1>, vector<1024x128xf32>
    %swap3A_215 = arith.constant 7 : index
    %swap3A_216 = arith.constant 0 : index
    %swap3A_217 = arith.constant 0 : index
    %swap3A_218 = vector.load %arg3[%swap3A_215, %swap3A_216, %swap3A_217] : memref<16x1024x128xf32, #tpu.memory_space<vmem>>, vector<1x1024x128xf32>
    %swap3A_219 = vector.shape_cast %swap3A_218 : vector<1x1024x128xf32> to vector<1024x128xf32>
    %swap3A_220 = vector.shape_cast %select_n3A_214 : vector<1024x128xf32> to vector<1x1024x128xf32>
    tpu.vector_store %arg3[%swap3A_215, %swap3A_216, %swap3A_217], %swap3A_220 {strides = array<i32>} : memref<16x1024x128xf32, #tpu.memory_space<vmem>>, vector<1x1024x128xf32>,
    %reduce_max3A_221 = arith.constant dense<0xFF800000> : vector<1024xf32>
    %reduce_max3A_222 = vector.multi_reduction <maximumf>, %select_n3A_214, %reduce_max3A_221 [1] : vector<1024x128xf32> to vector<1024xf32>
    %reshape3A_223 = vector.shape_cast %reduce_max3A_222 : vector<1024xf32> to vector<1x1024xf32>
    %get3A_224 = arith.constant 1024 : index
    %get3A_225 = arith.constant 0 : index
    %get3A_226 = vector.load %arg2[%get3A_224, %get3A_225] : memref<2048x64xf32, #tpu.memory_space<vmem>>, vector<128x64xf32>
    %dot_general3A_227 = arith.constant dense<0.000000e+00> : vector<1024x128xf32>
    %dot_general3A_228 = tpu.matmul %get3A_1, %get3A_226, %dot_general3A_227 {dimension_numbers = #tpu.dot_dimension_numbers<[1], [1], [0], [0], [0, 0, 1, 0], [], []>, transpose_lhs_hint = false} : vector<1024x64xf32>, vector<128x64xf32>, vector<1024x128xf32> -> vector<1024x128xf32>
    %mul3A_229 = arith.constant 1.250000e-01 : f32
    %mul3A_230 = vector.broadcast %mul3A_229 : f32 to vector<1024x128xf32>
    %mul3A_231 = arith.mulf %dot_general3A_228, %mul3A_230 : vector<1024x128xf32>
    %mul3A_232 = arith.constant 2048 : i32
    %mul3A_233 = arith.muli %arg0, %mul3A_232 : i32
    %add3A_234 = arith.constant 1024 : i32
    %add3A_235 = arith.addi %mul3A_233, %add3A_234 : i32
    %add3A_236 = vector.broadcast %add3A_235 : i32 to vector<1024x128xi32>
    %add3A_237 = arith.addi %iota3A, %add3A_236 : vector<1024x128xi32>
    %lt3A_238 = arith.constant 100000 : i32
    %lt3A_239 = vector.broadcast %lt3A_238 : i32 to vector<1024x128xi32>
    %lt3A_240 = arith.cmpi slt, %add3A_237, %lt3A_239 : vector<1024x128xi32>
    %jit3A_241 = arith.constant 0xFF800000 : f32
    %broadcast_in_dim3A_242 = vector.broadcast %jit3A_241 : f32 to vector<1024x128xf32>
    %select_n3A_243 = arith.select %lt3A_240, %mul3A_231, %broadcast_in_dim3A_242 : vector<1024x128xi1>, vector<1024x128xf32>
    %swap3A_244 = arith.constant 8 : index
    %swap3A_245 = arith.constant 0 : index
    %swap3A_246 = arith.constant 0 : index
    %swap3A_247 = vector.load %arg3[%swap3A_244, %swap3A_245, %swap3A_246] : memref<16x1024x128xf32, #tpu.memory_space<vmem>>, vector<1x1024x128xf32>
    %swap3A_248 = vector.shape_cast %swap3A_247 : vector<1x1024x128xf32> to vector<1024x128xf32>
    %swap3A_249 = vector.shape_cast %select_n3A_243 : vector<1024x128xf32> to vector<1x1024x128xf32>
    tpu.vector_store %arg3[%swap3A_244, %swap3A_245, %swap3A_246], %swap3A_249 {strides = array<i32>} : memref<16x1024x128xf32, #tpu.memory_space<vmem>>, vector<1x1024x128xf32>,
    %reduce_max3A_250 = arith.constant dense<0xFF800000> : vector<1024xf32>
    %reduce_max3A_251 = vector.multi_reduction <maximumf>, %select_n3A_243, %reduce_max3A_250 [1] : vector<1024x128xf32> to vector<1024xf32>
    %reshape3A_252 = vector.shape_cast %reduce_max3A_251 : vector<1024xf32> to vector<1x1024xf32>
    %get3A_253 = arith.constant 1152 : index
    %get3A_254 = arith.constant 0 : index
    %get3A_255 = vector.load %arg2[%get3A_253, %get3A_254] : memref<2048x64xf32, #tpu.memory_space<vmem>>, vector<128x64xf32>
    %dot_general3A_256 = arith.constant dense<0.000000e+00> : vector<1024x128xf32>
    %dot_general3A_257 = tpu.matmul %get3A_1, %get3A_255, %dot_general3A_256 {dimension_numbers = #tpu.dot_dimension_numbers<[1], [1], [0], [0], [0, 0, 1, 0], [], []>, transpose_lhs_hint = false} : vector<1024x64xf32>, vector<128x64xf32>, vector<1024x128xf32> -> vector<1024x128xf32>
    %mul3A_258 = arith.constant 1.250000e-01 : f32
    %mul3A_259 = vector.broadcast %mul3A_258 : f32 to vector<1024x128xf32>
    %mul3A_260 = arith.mulf %dot_general3A_257, %mul3A_259 : vector<1024x128xf32>
    %mul3A_261 = arith.constant 2048 : i32
    %mul3A_262 = arith.muli %arg0, %mul3A_261 : i32
    %add3A_263 = arith.constant 1152 : i32
    %add3A_264 = arith.addi %mul3A_262, %add3A_263 : i32
    %add3A_265 = vector.broadcast %add3A_264 : i32 to vector<1024x128xi32>
    %add3A_266 = arith.addi %iota3A, %add3A_265 : vector<1024x128xi32>
    %lt3A_267 = arith.constant 100000 : i32
    %lt3A_268 = vector.broadcast %lt3A_267 : i32 to vector<1024x128xi32>
    %lt3A_269 = arith.cmpi slt, %add3A_266, %lt3A_268 : vector<1024x128xi32>
    %jit3A_270 = arith.constant 0xFF800000 : f32
    %broadcast_in_dim3A_271 = vector.broadcast %jit3A_270 : f32 to vector<1024x128xf32>
    %select_n3A_272 = arith.select %lt3A_269, %mul3A_260, %broadcast_in_dim3A_271 : vector<1024x128xi1>, vector<1024x128xf32>
    %swap3A_273 = arith.constant 9 : index
    %swap3A_274 = arith.constant 0 : index
    %swap3A_275 = arith.constant 0 : index
    %swap3A_276 = vector.load %arg3[%swap3A_273, %swap3A_274, %swap3A_275] : memref<16x1024x128xf32, #tpu.memory_space<vmem>>, vector<1x1024x128xf32>
    %swap3A_277 = vector.shape_cast %swap3A_276 : vector<1x1024x128xf32> to vector<1024x128xf32>
    %swap3A_278 = vector.shape_cast %select_n3A_272 : vector<1024x128xf32> to vector<1x1024x128xf32>
    tpu.vector_store %arg3[%swap3A_273, %swap3A_274, %swap3A_275], %swap3A_278 {strides = array<i32>} : memref<16x1024x128xf32, #tpu.memory_space<vmem>>, vector<1x1024x128xf32>,
    %reduce_max3A_279 = arith.constant dense<0xFF800000> : vector<1024xf32>
    %reduce_max3A_280 = vector.multi_reduction <maximumf>, %select_n3A_272, %reduce_max3A_279 [1] : vector<1024x128xf32> to vector<1024xf32>
    %reshape3A_281 = vector.shape_cast %reduce_max3A_280 : vector<1024xf32> to vector<1x1024xf32>
    %get3A_282 = arith.constant 1280 : index
    %get3A_283 = arith.constant 0 : index
    %get3A_284 = vector.load %arg2[%get3A_282, %get3A_283] : memref<2048x64xf32, #tpu.memory_space<vmem>>, vector<128x64xf32>
    %dot_general3A_285 = arith.constant dense<0.000000e+00> : vector<1024x128xf32>
    %dot_general3A_286 = tpu.matmul %get3A_1, %get3A_284, %dot_general3A_285 {dimension_numbers = #tpu.dot_dimension_numbers<[1], [1], [0], [0], [0, 0, 1, 0], [], []>, transpose_lhs_hint = false} : vector<1024x64xf32>, vector<128x64xf32>, vector<1024x128xf32> -> vector<1024x128xf32>
    %mul3A_287 = arith.constant 1.250000e-01 : f32
    %mul3A_288 = vector.broadcast %mul3A_287 : f32 to vector<1024x128xf32>
    %mul3A_289 = arith.mulf %dot_general3A_286, %mul3A_288 : vector<1024x128xf32>
    %mul3A_290 = arith.constant 2048 : i32
    %mul3A_291 = arith.muli %arg0, %mul3A_290 : i32
    %add3A_292 = arith.constant 1280 : i32
    %add3A_293 = arith.addi %mul3A_291, %add3A_292 : i32
    %add3A_294 = vector.broadcast %add3A_293 : i32 to vector<1024x128xi32>
    %add3A_295 = arith.addi %iota3A, %add3A_294 : vector<1024x128xi32>
    %lt3A_296 = arith.constant 100000 : i32
    %lt3A_297 = vector.broadcast %lt3A_296 : i32 to vector<1024x128xi32>
    %lt3A_298 = arith.cmpi slt, %add3A_295, %lt3A_297 : vector<1024x128xi32>
    %jit3A_299 = arith.constant 0xFF800000 : f32
    %broadcast_in_dim3A_300 = vector.broadcast %jit3A_299 : f32 to vector<1024x128xf32>
    %select_n3A_301 = arith.select %lt3A_298, %mul3A_289, %broadcast_in_dim3A_300 : vector<1024x128xi1>, vector<1024x128xf32>
    %swap3A_302 = arith.constant 10 : index
    %swap3A_303 = arith.constant 0 : index
    %swap3A_304 = arith.constant 0 : index
    %swap3A_305 = vector.load %arg3[%swap3A_302, %swap3A_303, %swap3A_304] : memref<16x1024x128xf32, #tpu.memory_space<vmem>>, vector<1x1024x128xf32>
    %swap3A_306 = vector.shape_cast %swap3A_305 : vector<1x1024x128xf32> to vector<1024x128xf32>
    %swap3A_307 = vector.shape_cast %select_n3A_301 : vector<1024x128xf32> to vector<1x1024x128xf32>
    tpu.vector_store %arg3[%swap3A_302, %swap3A_303, %swap3A_304], %swap3A_307 {strides = array<i32>} : memref<16x1024x128xf32, #tpu.memory_space<vmem>>, vector<1x1024x128xf32>,
    %reduce_max3A_308 = arith.constant dense<0xFF800000> : vector<1024xf32>
    %reduce_max3A_309 = vector.multi_reduction <maximumf>, %select_n3A_301, %reduce_max3A_308 [1] : vector<1024x128xf32> to vector<1024xf32>
    %reshape3A_310 = vector.shape_cast %reduce_max3A_309 : vector<1024xf32> to vector<1x1024xf32>
    %get3A_311 = arith.constant 1408 : index
    %get3A_312 = arith.constant 0 : index
    %get3A_313 = vector.load %arg2[%get3A_311, %get3A_312] : memref<2048x64xf32, #tpu.memory_space<vmem>>, vector<128x64xf32>
    %dot_general3A_314 = arith.constant dense<0.000000e+00> : vector<1024x128xf32>
    %dot_general3A_315 = tpu.matmul %get3A_1, %get3A_313, %dot_general3A_314 {dimension_numbers = #tpu.dot_dimension_numbers<[1], [1], [0], [0], [0, 0, 1, 0], [], []>, transpose_lhs_hint = false} : vector<1024x64xf32>, vector<128x64xf32>, vector<1024x128xf32> -> vector<1024x128xf32>
    %mul3A_316 = arith.constant 1.250000e-01 : f32
    %mul3A_317 = vector.broadcast %mul3A_316 : f32 to vector<1024x128xf32>
    %mul3A_318 = arith.mulf %dot_general3A_315, %mul3A_317 : vector<1024x128xf32>
    %mul3A_319 = arith.constant 2048 : i32
    %mul3A_320 = arith.muli %arg0, %mul3A_319 : i32
    %add3A_321 = arith.constant 1408 : i32
    %add3A_322 = arith.addi %mul3A_320, %add3A_321 : i32
    %add3A_323 = vector.broadcast %add3A_322 : i32 to vector<1024x128xi32>
    %add3A_324 = arith.addi %iota3A, %add3A_323 : vector<1024x128xi32>
    %lt3A_325 = arith.constant 100000 : i32
    %lt3A_326 = vector.broadcast %lt3A_325 : i32 to vector<1024x128xi32>
    %lt3A_327 = arith.cmpi slt, %add3A_324, %lt3A_326 : vector<1024x128xi32>
    %jit3A_328 = arith.constant 0xFF800000 : f32
    %broadcast_in_dim3A_329 = vector.broadcast %jit3A_328 : f32 to vector<1024x128xf32>
    %select_n3A_330 = arith.select %lt3A_327, %mul3A_318, %broadcast_in_dim3A_329 : vector<1024x128xi1>, vector<1024x128xf32>
    %swap3A_331 = arith.constant 11 : index
    %swap3A_332 = arith.constant 0 : index
    %swap3A_333 = arith.constant 0 : index
    %swap3A_334 = vector.load %arg3[%swap3A_331, %swap3A_332, %swap3A_333] : memref<16x1024x128xf32, #tpu.memory_space<vmem>>, vector<1x1024x128xf32>
    %swap3A_335 = vector.shape_cast %swap3A_334 : vector<1x1024x128xf32> to vector<1024x128xf32>
    %swap3A_336 = vector.shape_cast %select_n3A_330 : vector<1024x128xf32> to vector<1x1024x128xf32>
    tpu.vector_store %arg3[%swap3A_331, %swap3A_332, %swap3A_333], %swap3A_336 {strides = array<i32>} : memref<16x1024x128xf32, #tpu.memory_space<vmem>>, vector<1x1024x128xf32>,
    %reduce_max3A_337 = arith.constant dense<0xFF800000> : vector<1024xf32>
    %reduce_max3A_338 = vector.multi_reduction <maximumf>, %select_n3A_330, %reduce_max3A_337 [1] : vector<1024x128xf32> to vector<1024xf32>
    %reshape3A_339 = vector.shape_cast %reduce_max3A_338 : vector<1024xf32> to vector<1x1024xf32>
    %get3A_340 = arith.constant 1536 : index
    %get3A_341 = arith.constant 0 : index
    %get3A_342 = vector.load %arg2[%get3A_340, %get3A_341] : memref<2048x64xf32, #tpu.memory_space<vmem>>, vector<128x64xf32>
    %dot_general3A_343 = arith.constant dense<0.000000e+00> : vector<1024x128xf32>
    %dot_general3A_344 = tpu.matmul %get3A_1, %get3A_342, %dot_general3A_343 {dimension_numbers = #tpu.dot_dimension_numbers<[1], [1], [0], [0], [0, 0, 1, 0], [], []>, transpose_lhs_hint = false} : vector<1024x64xf32>, vector<128x64xf32>, vector<1024x128xf32> -> vector<1024x128xf32>
    %mul3A_345 = arith.constant 1.250000e-01 : f32
    %mul3A_346 = vector.broadcast %mul3A_345 : f32 to vector<1024x128xf32>
    %mul3A_347 = arith.mulf %dot_general3A_344, %mul3A_346 : vector<1024x128xf32>
    %mul3A_348 = arith.constant 2048 : i32
    %mul3A_349 = arith.muli %arg0, %mul3A_348 : i32
    %add3A_350 = arith.constant 1536 : i32
    %add3A_351 = arith.addi %mul3A_349, %add3A_350 : i32
    %add3A_352 = vector.broadcast %add3A_351 : i32 to vector<1024x128xi32>
    %add3A_353 = arith.addi %iota3A, %add3A_352 : vector<1024x128xi32>
    %lt3A_354 = arith.constant 100000 : i32
    %lt3A_355 = vector.broadcast %lt3A_354 : i32 to vector<1024x128xi32>
    %lt3A_356 = arith.cmpi slt, %add3A_353, %lt3A_355 : vector<1024x128xi32>
    %jit3A_357 = arith.constant 0xFF800000 : f32
    %broadcast_in_dim3A_358 = vector.broadcast %jit3A_357 : f32 to vector<1024x128xf32>
    %select_n3A_359 = arith.select %lt3A_356, %mul3A_347, %broadcast_in_dim3A_358 : vector<1024x128xi1>, vector<1024x128xf32>
    %swap3A_360 = arith.constant 12 : index
    %swap3A_361 = arith.constant 0 : index
    %swap3A_362 = arith.constant 0 : index
    %swap3A_363 = vector.load %arg3[%swap3A_360, %swap3A_361, %swap3A_362] : memref<16x1024x128xf32, #tpu.memory_space<vmem>>, vector<1x1024x128xf32>
    %swap3A_364 = vector.shape_cast %swap3A_363 : vector<1x1024x128xf32> to vector<1024x128xf32>
    %swap3A_365 = vector.shape_cast %select_n3A_359 : vector<1024x128xf32> to vector<1x1024x128xf32>
    tpu.vector_store %arg3[%swap3A_360, %swap3A_361, %swap3A_362], %swap3A_365 {strides = array<i32>} : memref<16x1024x128xf32, #tpu.memory_space<vmem>>, vector<1x1024x128xf32>,
    %reduce_max3A_366 = arith.constant dense<0xFF800000> : vector<1024xf32>
    %reduce_max3A_367 = vector.multi_reduction <maximumf>, %select_n3A_359, %reduce_max3A_366 [1] : vector<1024x128xf32> to vector<1024xf32>
    %reshape3A_368 = vector.shape_cast %reduce_max3A_367 : vector<1024xf32> to vector<1x1024xf32>
    %get3A_369 = arith.constant 1664 : index
    %get3A_370 = arith.constant 0 : index
    %get3A_371 = vector.load %arg2[%get3A_369, %get3A_370] : memref<2048x64xf32, #tpu.memory_space<vmem>>, vector<128x64xf32>
    %dot_general3A_372 = arith.constant dense<0.000000e+00> : vector<1024x128xf32>
    %dot_general3A_373 = tpu.matmul %get3A_1, %get3A_371, %dot_general3A_372 {dimension_numbers = #tpu.dot_dimension_numbers<[1], [1], [0], [0], [0, 0, 1, 0], [], []>, transpose_lhs_hint = false} : vector<1024x64xf32>, vector<128x64xf32>, vector<1024x128xf32> -> vector<1024x128xf32>
    %mul3A_374 = arith.constant 1.250000e-01 : f32
    %mul3A_375 = vector.broadcast %mul3A_374 : f32 to vector<1024x128xf32>
    %mul3A_376 = arith.mulf %dot_general3A_373, %mul3A_375 : vector<1024x128xf32>
    %mul3A_377 = arith.constant 2048 : i32
    %mul3A_378 = arith.muli %arg0, %mul3A_377 : i32
    %add3A_379 = arith.constant 1664 : i32
    %add3A_380 = arith.addi %mul3A_378, %add3A_379 : i32
    %add3A_381 = vector.broadcast %add3A_380 : i32 to vector<1024x128xi32>
    %add3A_382 = arith.addi %iota3A, %add3A_381 : vector<1024x128xi32>
    %lt3A_383 = arith.constant 100000 : i32
    %lt3A_384 = vector.broadcast %lt3A_383 : i32 to vector<1024x128xi32>
    %lt3A_385 = arith.cmpi slt, %add3A_382, %lt3A_384 : vector<1024x128xi32>
    %jit3A_386 = arith.constant 0xFF800000 : f32
    %broadcast_in_dim3A_387 = vector.broadcast %jit3A_386 : f32 to vector<1024x128xf32>
    %select_n3A_388 = arith.select %lt3A_385, %mul3A_376, %broadcast_in_dim3A_387 : vector<1024x128xi1>, vector<1024x128xf32>
    %swap3A_389 = arith.constant 13 : index
    %swap3A_390 = arith.constant 0 : index
    %swap3A_391 = arith.constant 0 : index
    %swap3A_392 = vector.load %arg3[%swap3A_389, %swap3A_390, %swap3A_391] : memref<16x1024x128xf32, #tpu.memory_space<vmem>>, vector<1x1024x128xf32>
    %swap3A_393 = vector.shape_cast %swap3A_392 : vector<1x1024x128xf32> to vector<1024x128xf32>
    %swap3A_394 = vector.shape_cast %select_n3A_388 : vector<1024x128xf32> to vector<1x1024x128xf32>
    tpu.vector_store %arg3[%swap3A_389, %swap3A_390, %swap3A_391], %swap3A_394 {strides = array<i32>} : memref<16x1024x128xf32, #tpu.memory_space<vmem>>, vector<1x1024x128xf32>,
    %reduce_max3A_395 = arith.constant dense<0xFF800000> : vector<1024xf32>
    %reduce_max3A_396 = vector.multi_reduction <maximumf>, %select_n3A_388, %reduce_max3A_395 [1] : vector<1024x128xf32> to vector<1024xf32>
    %reshape3A_397 = vector.shape_cast %reduce_max3A_396 : vector<1024xf32> to vector<1x1024xf32>
    %get3A_398 = arith.constant 1792 : index
    %get3A_399 = arith.constant 0 : index
    %get3A_400 = vector.load %arg2[%get3A_398, %get3A_399] : memref<2048x64xf32, #tpu.memory_space<vmem>>, vector<128x64xf32>
    %dot_general3A_401 = arith.constant dense<0.000000e+00> : vector<1024x128xf32>
    %dot_general3A_402 = tpu.matmul %get3A_1, %get3A_400, %dot_general3A_401 {dimension_numbers = #tpu.dot_dimension_numbers<[1], [1], [0], [0], [0, 0, 1, 0], [], []>, transpose_lhs_hint = false} : vector<1024x64xf32>, vector<128x64xf32>, vector<1024x128xf32> -> vector<1024x128xf32>
    %mul3A_403 = arith.constant 1.250000e-01 : f32
    %mul3A_404 = vector.broadcast %mul3A_403 : f32 to vector<1024x128xf32>
    %mul3A_405 = arith.mulf %dot_general3A_402, %mul3A_404 : vector<1024x128xf32>
    %mul3A_406 = arith.constant 2048 : i32
    %mul3A_407 = arith.muli %arg0, %mul3A_406 : i32
    %add3A_408 = arith.constant 1792 : i32
    %add3A_409 = arith.addi %mul3A_407, %add3A_408 : i32
    %add3A_410 = vector.broadcast %add3A_409 : i32 to vector<1024x128xi32>
    %add3A_411 = arith.addi %iota3A, %add3A_410 : vector<1024x128xi32>
    %lt3A_412 = arith.constant 100000 : i32
    %lt3A_413 = vector.broadcast %lt3A_412 : i32 to vector<1024x128xi32>
    %lt3A_414 = arith.cmpi slt, %add3A_411, %lt3A_413 : vector<1024x128xi32>
    %jit3A_415 = arith.constant 0xFF800000 : f32
    %broadcast_in_dim3A_416 = vector.broadcast %jit3A_415 : f32 to vector<1024x128xf32>
    %select_n3A_417 = arith.select %lt3A_414, %mul3A_405, %broadcast_in_dim3A_416 : vector<1024x128xi1>, vector<1024x128xf32>
    %swap3A_418 = arith.constant 14 : index
    %swap3A_419 = arith.constant 0 : index
    %swap3A_420 = arith.constant 0 : index
    %swap3A_421 = vector.load %arg3[%swap3A_418, %swap3A_419, %swap3A_420] : memref<16x1024x128xf32, #tpu.memory_space<vmem>>, vector<1x1024x128xf32>
    %swap3A_422 = vector.shape_cast %swap3A_421 : vector<1x1024x128xf32> to vector<1024x128xf32>
    %swap3A_423 = vector.shape_cast %select_n3A_417 : vector<1024x128xf32> to vector<1x1024x128xf32>
    tpu.vector_store %arg3[%swap3A_418, %swap3A_419, %swap3A_420], %swap3A_423 {strides = array<i32>} : memref<16x1024x128xf32, #tpu.memory_space<vmem>>, vector<1x1024x128xf32>,
    %reduce_max3A_424 = arith.constant dense<0xFF800000> : vector<1024xf32>
    %reduce_max3A_425 = vector.multi_reduction <maximumf>, %select_n3A_417, %reduce_max3A_424 [1] : vector<1024x128xf32> to vector<1024xf32>
    %reshape3A_426 = vector.shape_cast %reduce_max3A_425 : vector<1024xf32> to vector<1x1024xf32>
    %get3A_427 = arith.constant 1920 : index
    %get3A_428 = arith.constant 0 : index
    %get3A_429 = vector.load %arg2[%get3A_427, %get3A_428] : memref<2048x64xf32, #tpu.memory_space<vmem>>, vector<128x64xf32>
    %dot_general3A_430 = arith.constant dense<0.000000e+00> : vector<1024x128xf32>
    %dot_general3A_431 = tpu.matmul %get3A_1, %get3A_429, %dot_general3A_430 {dimension_numbers = #tpu.dot_dimension_numbers<[1], [1], [0], [0], [0, 0, 1, 0], [], []>, transpose_lhs_hint = false} : vector<1024x64xf32>, vector<128x64xf32>, vector<1024x128xf32> -> vector<1024x128xf32>
    %mul3A_432 = arith.constant 1.250000e-01 : f32
    %mul3A_433 = vector.broadcast %mul3A_432 : f32 to vector<1024x128xf32>
    %mul3A_434 = arith.mulf %dot_general3A_431, %mul3A_433 : vector<1024x128xf32>
    %mul3A_435 = arith.constant 2048 : i32
    %mul3A_436 = arith.muli %arg0, %mul3A_435 : i32
    %add3A_437 = arith.constant 1920 : i32
    %add3A_438 = arith.addi %mul3A_436, %add3A_437 : i32
    %add3A_439 = vector.broadcast %add3A_438 : i32 to vector<1024x128xi32>
    %add3A_440 = arith.addi %iota3A, %add3A_439 : vector<1024x128xi32>
    %lt3A_441 = arith.constant 100000 : i32
    %lt3A_442 = vector.broadcast %lt3A_441 : i32 to vector<1024x128xi32>
    %lt3A_443 = arith.cmpi slt, %add3A_440, %lt3A_442 : vector<1024x128xi32>
    %jit3A_444 = arith.constant 0xFF800000 : f32
    %broadcast_in_dim3A_445 = vector.broadcast %jit3A_444 : f32 to vector<1024x128xf32>
    %select_n3A_446 = arith.select %lt3A_443, %mul3A_434, %broadcast_in_dim3A_445 : vector<1024x128xi1>, vector<1024x128xf32>
    %swap3A_447 = arith.constant 15 : index
    %swap3A_448 = arith.constant 0 : index
    %swap3A_449 = arith.constant 0 : index
    %swap3A_450 = vector.load %arg3[%swap3A_447, %swap3A_448, %swap3A_449] : memref<16x1024x128xf32, #tpu.memory_space<vmem>>, vector<1x1024x128xf32>
    %swap3A_451 = vector.shape_cast %swap3A_450 : vector<1x1024x128xf32> to vector<1024x128xf32>
    %swap3A_452 = vector.shape_cast %select_n3A_446 : vector<1024x128xf32> to vector<1x1024x128xf32>
    tpu.vector_store %arg3[%swap3A_447, %swap3A_448, %swap3A_449], %swap3A_452 {strides = array<i32>} : memref<16x1024x128xf32, #tpu.memory_space<vmem>>, vector<1x1024x128xf32>,
    %reduce_max3A_453 = arith.constant dense<0xFF800000> : vector<1024xf32>
    %reduce_max3A_454 = vector.multi_reduction <maximumf>, %select_n3A_446, %reduce_max3A_453 [1] : vector<1024x128xf32> to vector<1024xf32>
    %reshape3A_455 = vector.shape_cast %reduce_max3A_454 : vector<1024xf32> to vector<1x1024xf32>
    %concatenate3A = tpu.concatenate %reshape3A, %reshape3A_49, %reshape3A_78, %reshape3A_107, %reshape3A_136, %reshape3A_165, %reshape3A_194, %reshape3A_223, %reshape3A_252, %reshape3A_281, %reshape3A_310, %reshape3A_339, %reshape3A_368, %reshape3A_397, %reshape3A_426, %reshape3A_455 in 0 : vector<1x1024xf32>, vector<1x1024xf32>, vector<1x1024xf32>, vector<1x1024xf32>, vector<1x1024xf32>, vector<1x1024xf32>, vector<1x1024xf32>, vector<1x1024xf32>, vector<1x1024xf32>, vector<1x1024xf32>, vector<1x1024xf32>, vector<1x1024xf32>, vector<1x1024xf32>, vector<1x1024xf32>, vector<1x1024xf32>, vector<1x1024xf32> -> vector<16x1024xf32>
    %swap3A_456 = arith.constant 0 : index
    %swap3A_457 = arith.constant 0 : index
    %swap3A_458 = vector.load %arg4[%swap3A_456, %swap3A_457] : memref<16x1024xf32, #tpu.memory_space<vmem>>, vector<16x1024xf32>
    tpu.vector_store %arg4[%swap3A_456, %swap3A_457], %concatenate3A {strides = array<i32>} : memref<16x1024xf32, #tpu.memory_space<vmem>>, vector<16x1024xf32>,
    return
  }
  func.func @transform_0(%arg0: i32) -> (i32, i32) {
    %c0_i32 = arith.constant 0 : i32
    %c0_i32_0 = arith.constant 0 : i32
    %c0_i32_1 = arith.constant 0 : i32
    return %c0_i32, %c0_i32_0 : i32, i32
  }
  func.func @transform_1(%arg0: i32) -> (i32, i32) {
    %c0_i32 = arith.constant 0 : i32
    %c0_i32_0 = arith.constant 0 : i32
    return %arg0, %c0_i32 : i32, i32
  }
  func.func @transform_2(%arg0: i32) -> (i32, i32, i32) {
    %c0_i32 = arith.constant 0 : i32
    %c0_i32_0 = arith.constant 0 : i32
    %c0_i32_1 = arith.constant 0 : i32
    return %arg0, %c0_i32, %c0_i32_0 : i32, i32, i32
  }
  func.func @transform_3(%arg0: i32) -> (i32, i32) {
    %c0_i32 = arith.constant 0 : i32
    %c0_i32_0 = arith.constant 0 : i32
    return %arg0, %c0_i32 : i32, i32
  }
}

module attributes {stable_mosaic.version = 14 : i64} {
  func.func @_rank_kernel(%arg0: i32, %arg1: memref<64x128xf32, #tpu.memory_space<vmem>>, %arg2: memref<64x128xi32, #tpu.memory_space<vmem>>, %arg3: memref<64x64xf32, #tpu.memory_space<vmem>>, %arg4: memref<64x64xi32, #tpu.memory_space<vmem>>) attributes {dimension_semantics = [#tpu.dimension_semantics<arbitrary>], iteration_bounds = array<i64: 16>, scalar_prefetch = 0 : i64, scratch_operands = 0 : i64, tpu.core_type = #tpu.core_type<tc>, window_params = [{transform_indices = @transform_0, window_bounds = array<i64: 64, 128>}, {transform_indices = @transform_1, window_bounds = array<i64: 64, 128>}, {transform_indices = @transform_2, window_bounds = array<i64: 64, 64>}, {transform_indices = @transform_3, window_bounds = array<i64: 64, 64>}]} {
    %get3A = arith.constant 0 : index
    %get3A_0 = arith.constant 0 : index
    %get3A_1 = vector.load %arg1[%get3A, %get3A_0] : memref<64x128xf32, #tpu.memory_space<vmem>>, vector<64x128xf32>
    %get3A_2 = arith.constant 0 : index
    %get3A_3 = arith.constant 0 : index
    %get3A_4 = vector.load %arg2[%get3A_2, %get3A_3] : memref<64x128xi32, #tpu.memory_space<vmem>>, vector<64x128xi32>
    %broadcast_in_dim3A = vector.shape_cast %get3A_1 : vector<64x128xf32> to vector<64x128x1xf32>
    %broadcast_in_dim3A_5 = vector.shape_cast %get3A_1 : vector<64x128xf32> to vector<64x1x128xf32>
    %broadcast_in_dim3A_6 = vector.shape_cast %get3A_4 : vector<64x128xi32> to vector<64x128x1xi32>
    %broadcast_in_dim3A_7 = vector.shape_cast %get3A_4 : vector<64x128xi32> to vector<64x1x128xi32>
    %gt3A = vector.broadcast %broadcast_in_dim3A_5 : vector<64x1x128xf32> to vector<64x128x128xf32>
    %gt3A_8 = vector.broadcast %broadcast_in_dim3A : vector<64x128x1xf32> to vector<64x128x128xf32>
    %gt3A_9 = arith.cmpf ogt, %gt3A, %gt3A_8 : vector<64x128x128xf32>
    %eq3A = vector.broadcast %broadcast_in_dim3A_5 : vector<64x1x128xf32> to vector<64x128x128xf32>
    %eq3A_10 = vector.broadcast %broadcast_in_dim3A : vector<64x128x1xf32> to vector<64x128x128xf32>
    %eq3A_11 = arith.cmpf oeq, %eq3A, %eq3A_10 : vector<64x128x128xf32>
    %lt3A = vector.broadcast %broadcast_in_dim3A_7 : vector<64x1x128xi32> to vector<64x128x128xi32>
    %lt3A_12 = vector.broadcast %broadcast_in_dim3A_6 : vector<64x128x1xi32> to vector<64x128x128xi32>
    %lt3A_13 = arith.cmpi slt, %lt3A, %lt3A_12 : vector<64x128x128xi32>
    %and3A = arith.andi %eq3A_11, %lt3A_13 : vector<64x128x128xi1>
    %or3A = arith.ori %gt3A_9, %and3A : vector<64x128x128xi1>
    %convert_element_type3A = arith.extui %or3A : vector<64x128x128xi1> to vector<64x128x128xi32>
    %reduce_sum3A = arith.constant dense<0> : vector<64x128xi32>
    %reduce_sum3A_14 = vector.multi_reduction <add>, %convert_element_type3A, %reduce_sum3A [2] : vector<64x128x128xi32> to vector<64x128xi32>
    %iota3A = tpu.iota {dimensions = array<i32: 2>} : vector<64x128x64xi32>
    %broadcast_in_dim3A_15 = vector.shape_cast %reduce_sum3A_14 : vector<64x128xi32> to vector<64x128x1xi32>
    %eq3A_16 = vector.broadcast %broadcast_in_dim3A_15 : vector<64x128x1xi32> to vector<64x128x64xi32>
    %eq3A_17 = arith.cmpi eq, %eq3A_16, %iota3A : vector<64x128x64xi32>
    %broadcast_in_dim3A_18 = vector.shape_cast %get3A_1 : vector<64x128xf32> to vector<64x128x1xf32>
    %jit3A = arith.constant 0.000000e+00 : f32
    %broadcast_in_dim3A_19 = vector.shape_cast %broadcast_in_dim3A_18 : vector<64x128x1xf32> to vector<64x128x1xf32>
    %broadcast_in_dim3A_20 = vector.broadcast %broadcast_in_dim3A_19 : vector<64x128x1xf32> to vector<64x128x64xf32>
    %broadcast_in_dim3A_21 = vector.broadcast %jit3A : f32 to vector<64x128x64xf32>
    %select_n3A = arith.select %eq3A_17, %broadcast_in_dim3A_20, %broadcast_in_dim3A_21 : vector<64x128x64xi1>, vector<64x128x64xf32>
    %reduce_sum3A_22 = arith.constant dense<0.000000e+00> : vector<64x64xf32>
    %reduce_sum3A_23 = vector.multi_reduction <add>, %select_n3A, %reduce_sum3A_22 [1] : vector<64x128x64xf32> to vector<64x64xf32>
    %broadcast_in_dim3A_24 = vector.shape_cast %get3A_4 : vector<64x128xi32> to vector<64x128x1xi32>
    %jit3A_25 = arith.constant 0 : i32
    %broadcast_in_dim3A_26 = vector.shape_cast %broadcast_in_dim3A_24 : vector<64x128x1xi32> to vector<64x128x1xi32>
    %broadcast_in_dim3A_27 = vector.broadcast %broadcast_in_dim3A_26 : vector<64x128x1xi32> to vector<64x128x64xi32>
    %broadcast_in_dim3A_28 = vector.broadcast %jit3A_25 : i32 to vector<64x128x64xi32>
    %select_n3A_29 = arith.select %eq3A_17, %broadcast_in_dim3A_27, %broadcast_in_dim3A_28 : vector<64x128x64xi1>, vector<64x128x64xi32>
    %reduce_sum3A_30 = arith.constant dense<0> : vector<64x64xi32>
    %reduce_sum3A_31 = vector.multi_reduction <add>, %select_n3A_29, %reduce_sum3A_30 [1] : vector<64x128x64xi32> to vector<64x64xi32>
    %reduce_max3A = arith.constant dense<0xFF800000> : vector<64xf32>
    %reduce_max3A_32 = vector.multi_reduction <maximumf>, %reduce_sum3A_23, %reduce_max3A [1] : vector<64x64xf32> to vector<64xf32>
    %broadcast_in_dim3A_33 = vector.shape_cast %reduce_max3A_32 : vector<64xf32> to vector<64x1xf32>
    %sub3A = vector.broadcast %broadcast_in_dim3A_33 : vector<64x1xf32> to vector<64x64xf32>
    %sub3A_34 = arith.subf %reduce_sum3A_23, %sub3A : vector<64x64xf32>
    %exp3A = math.exp %sub3A_34 : vector<64x64xf32>
    %reduce_sum3A_35 = arith.constant dense<0.000000e+00> : vector<64xf32>
    %reduce_sum3A_36 = vector.multi_reduction <add>, %exp3A, %reduce_sum3A_35 [1] : vector<64x64xf32> to vector<64xf32>
    %broadcast_in_dim3A_37 = vector.shape_cast %reduce_sum3A_36 : vector<64xf32> to vector<64x1xf32>
    %div3A = vector.broadcast %broadcast_in_dim3A_37 : vector<64x1xf32> to vector<64x64xf32>
    %div3A_38 = arith.divf %exp3A, %div3A : vector<64x64xf32>
    %swap3A = arith.constant 0 : index
    %swap3A_39 = arith.constant 0 : index
    %swap3A_40 = vector.load %arg3[%swap3A, %swap3A_39] : memref<64x64xf32, #tpu.memory_space<vmem>>, vector<64x64xf32>
    tpu.vector_store %arg3[%swap3A, %swap3A_39], %div3A_38 {strides = array<i32>} : memref<64x64xf32, #tpu.memory_space<vmem>>, vector<64x64xf32>,
    %swap3A_41 = arith.constant 0 : index
    %swap3A_42 = arith.constant 0 : index
    %swap3A_43 = vector.load %arg4[%swap3A_41, %swap3A_42] : memref<64x64xi32, #tpu.memory_space<vmem>>, vector<64x64xi32>
    tpu.vector_store %arg4[%swap3A_41, %swap3A_42], %reduce_sum3A_31 {strides = array<i32>} : memref<64x64xi32, #tpu.memory_space<vmem>>, vector<64x64xi32>,
    return
  }
  func.func @transform_0(%arg0: i32) -> (i32, i32) {
    %c0_i32 = arith.constant 0 : i32
    %c0_i32_0 = arith.constant 0 : i32
    return %arg0, %c0_i32 : i32, i32
  }
  func.func @transform_1(%arg0: i32) -> (i32, i32) {
    %c0_i32 = arith.constant 0 : i32
    %c0_i32_0 = arith.constant 0 : i32
    return %arg0, %c0_i32 : i32, i32
  }
  func.func @transform_2(%arg0: i32) -> (i32, i32) {
    %c0_i32 = arith.constant 0 : i32
    %c0_i32_0 = arith.constant 0 : i32
    return %arg0, %c0_i32 : i32, i32
  }
  func.func @transform_3(%arg0: i32) -> (i32, i32) {
    %c0_i32 = arith.constant 0 : i32
    %c0_i32_0 = arith.constant 0 : i32
    return %arg0, %c0_i32 : i32, i32
  }
}

</mosaic_0001>

<sc_bundles>
// kernel: kernel.9.cloned.1.call-start
scs
__scs_entry_jumppad:
0x0: {  	(pc) =	sbr.rel $0x88, $3  }
0x1: {  	(tag) =	ssettag $0x0;
	lr =	simm.s32 $0x1  }
0x2: {  	[smem:$0x3F96] =	sst lr;
	_ =	strace $0xD0000000  }
0x3: {  	_ = 	snop  }
0x4: {  	_ = 	snop  }
0x5: {  	_ = 	snop  }
0x6: {  	_ = 	snop  }
0x7: {  	_ = 	snop  }
__scs_overlays_trampoline_lowered:
0x8: {  	[smem:$0x3FA5] =	sst s0  }
0x9: {  	[smem:$0x3FA6] =	sst s1  }
0xa: {  	[smem:$0x3FA7] =	sst s2  }
0xb: {  	[smem:$0x3FA8] =	sst s3  }
0xc: {  	[smem:$0x3FA9] =	sst s4  }
0xd: {  	[smem:$0x3FAA] =	sst s5  }
0xe: {  	[smem:$0x3FAB] =	sst s6  }
0xf: {  	[smem:$0x3FAC] =	sst s7  }
0x10: {  	[smem:$0x3FAD] =	sst s8  }
0x11: {  	[smem:$0x3FAE] =	sst s9;
	s0 =	simm.s32 @!p0 $0x0  }
0x12: {  	s1 =	sld [smem:$0x3F94];
	s0 =	simm.s32 @p0 $0x1  }
0x13: {  	[smem:$0x3FAF] =	sst s0;
	s0 =	simm.s32 @!p1 $0x0  }
0x14: {  	s2 =	sld [smem:$0x3F93];
	s0 =	simm.s32 @p1 $0x1  }
0x15: {  	[smem:$0x3FB0] =	sst s0;
	s0 =	simm.s32 @!p2 $0x0  }
0x16: {  	s3 =	sld [smem:$0x3FDB];
	s0 =	simm.s32 @p2 $0x1  }
0x17: {  	s4 =	simm.s32 $0x1BF5;
	[smem:$0x3FB2] =	sst s0  }
0x18: {  	s0 =	sld [smem:$0x3F95];
	_ =	swait.ge [sflag:s4], $0x0  }
0x19: {  	s7 =	sld [smem:$0x3F96]  }
0x1a: {  	s8 =	sadd.s32 $0xFFFFE003, lr  }
0x1b: {  	s9 =	sadd.s32 $0xFFFFFEF7, lr;
	s5 =	simm.s32 $0xFFFFFFFF;
	p2 =	slt.u32 s8, $0xFFFFF086  }
0x1c: {  	p1 =	slt.u32 s9, $0xF7A;
	s5 =	simm.s32 @!p2 $0x0  }
0x1d: {  	s5 =	simm.s32 @p1 $0x1;
	p0 =	seq.s32 s7, s2  }
0x1e: {  	s7 =	smul.u32 @!p0 $0xF7A, s2;
	p2 =	seq.s32 @!p0 s5, $0x0  }
0x1f: {  	s9 =	smul.u32 $0xF7A, s1;
	s8 =	simm.s32 @!p0 $0x1BF5;
	p2 =	por !p2, p0  }
0x20: {  	[sflag:s8] =	ssyncset.s32 @!p0 $0xFFFFF086;
	s6 =	sadd.s32 @!p0 s3, s7;
	s7 =	simm.s32 @!p0 $0x108  }
0x21: {  	s3 =	sadd.s32 s3, s9;
	s6 =	sadd.s32 @!p0 $0x88, s6;
	s7 =	simm.s32 @p2 $0x1082  }
0x22: {  	[simem:s7], [sflag:s8] =	dma.local @!p0 [hbm:s6], $0xF7A  }
0x23: {  	s9 =	sor.u32 $0xD0000000, s2;
	s6 =	simm.s32 $0x108;
	_ =	swait.ge @!p0 [sflag:s8], $0x0  }
0x24: {  	s3 =	sadd.s32 $0x88, s3;
	s6 =	simm.s32 @!p1 $0x1082;
	[sflag:s4] =	ssyncset.s32 $0xFFFFF086  }
0x25: {  	[simem:s6], [sflag:s4] =	dma.local [hbm:s3], $0xF7A  }
0x26: {  	[smem:$0x3F96] =	sst s1;
	(tag) =	ssettag s2;
	_ =	strace s9  }
0x27: {  	s1 =	sld [smem:$0x3FA6]  }
0x28: {  	s2 =	sld [smem:$0x3FA7]  }
0x29: {  	s4 =	sld [smem:$0x3FA9]  }
0x2a: {  	p0 =	seq.s32 s5, $0x0;
	s5 =	sld [smem:$0x3FAA]  }
0x2b: {  	s6 =	sld [smem:$0x3FAB]  }
0x2c: {  	s7 =	sld [smem:$0x3FAC]  }
0x2d: {  	s3 =	simm.s32 $0x108;
	s8 =	sld [smem:$0x3FAD]  }
0x2e: {  	s3 =	simm.s32 @!p0 $0x1082;
	s9 =	sld [smem:$0x3FAE]  }
0x2f: {  	lr =	sadd.s32 s0, s3;
	s0 =	sld [smem:$0x3FA5]  }
0x30: {  	s3 =	sld [smem:$0x3FA8]  }
0x31: {  	[smem:$0x3FB1] =	sst s10  }
0x32: {  	s10 =	sld [smem:$0x3FAF];
	_ =	sdelay $0x3  }
0x33: {  	p0 =	seq.s32 s10, $0x1;
	s10 =	sld [smem:$0x3FB1];
	_ =	sdelay $0x3  }
0x34: {  	[smem:$0x3FB1] =	sst s10  }
0x35: {  	s10 =	sld [smem:$0x3FB0];
	_ =	sdelay $0x3  }
0x36: {  	p1 =	seq.s32 s10, $0x1;
	s10 =	sld [smem:$0x3FB1];
	_ =	sdelay $0x3  }
0x37: {  	[smem:$0x3FB1] =	sst s10  }
0x38: {  	s10 =	sld [smem:$0x3FB2]  }
0x39: {  	_ = 	snop;
	(pc) =	sbr.ind lr, $3  }
0x3a: {  	_ = 	snop  }
0x3b: {  	_ = 	snop  }
0x3c: {  	p2 =	seq.s32 s10, $0x1;
	s10 =	sld [smem:$0x3FB1]  }
0x3d: {  	_ =	shalt  }
0x3e: {  	_ =	shalt  }
0x3f: {  	_ =	shalt  }
0x40: {  	_ =	shalt  }
0x41: {  	_ =	shalt  }
0x42: {  	_ =	shalt  }
0x43: {  	_ =	shalt  }
0x44: {  	_ =	shalt  }
0x45: {  	_ =	shalt  }
0x46: {  	_ =	shalt  }
0x47: {  	_ =	shalt  }
0x48: {  	_ =	shalt  }
0x49: {  	_ =	shalt  }
0x4a: {  	_ =	shalt  }
0x4b: {  	_ =	shalt  }
0x4c: {  	_ =	shalt  }
0x4d: {  	_ =	shalt  }
0x4e: {  	_ =	shalt  }
0x4f: {  	_ =	shalt  }
0x50: {  	_ =	shalt  }
0x51: {  	_ =	shalt  }
0x52: {  	_ =	shalt  }
0x53: {  	_ =	shalt  }
0x54: {  	_ =	shalt  }
0x55: {  	_ =	shalt  }
0x56: {  	_ =	shalt  }
0x57: {  	_ =	shalt  }
0x58: {  	_ =	shalt  }
0x59: {  	_ =	shalt  }
0x5a: {  	_ =	shalt  }
0x5b: {  	_ =	shalt  }
0x5c: {  	_ =	shalt  }
0x5d: {  	_ =	shalt  }
0x5e: {  	_ =	shalt  }
0x5f: {  	_ =	shalt  }
0x60: {  	_ =	shalt  }
0x61: {  	_ =	shalt  }
0x62: {  	_ =	shalt  }
0x63: {  	_ =	shalt  }
0x64: {  	_ =	shalt  }
0x65: {  	_ =	shalt  }
0x66: {  	_ =	shalt  }
0x67: {  	_ =	shalt  }
0x68: {  	_ =	shalt  }
0x69: {  	_ =	shalt  }
0x6a: {  	_ =	shalt  }
0x6b: {  	_ =	shalt  }
0x6c: {  	_ =	shalt  }
0x6d: {  	_ =	shalt  }
0x6e: {  	_ =	shalt  }
0x6f: {  	_ =	shalt  }
0x70: {  	_ =	shalt  }
0x71: {  	_ =	shalt  }
0x72: {  	_ =	shalt  }
0x73: {  	_ =	shalt  }
0x74: {  	_ =	shalt  }
0x75: {  	_ =	shalt  }
0x76: {  	_ =	shalt  }
0x77: {  	_ =	shalt  }
0x78: {  	_ =	shalt  }
0x79: {  	_ =	shalt  }
0x7a: {  	_ =	shalt  }
0x7b: {  	_ =	shalt  }
0x7c: {  	_ =	shalt  }
0x7d: {  	_ =	shalt  }
0x7e: {  	_ =	shalt  }
0x7f: {  	_ =	shalt  }
0x80: {  	_ =	shalt  }
0x81: {  	_ =	shalt  }
0x82: {  	_ =	shalt  }
0x83: {  	_ =	shalt  }
0x84: {  	_ =	shalt  }
0x85: {  	_ =	shalt  }
0x86: {  	_ =	shalt  }
0x87: {  	_ =	shalt  }
.Lfunc_end0:
.L_simem_size_0:
called_computation_lowered:
.L_overlay_start_0:
0x88: {  	s2 =	sld [smem:$0x3FD9]  }
0x89: {  	s3 =	sld [smem:$0x3FFE];
	_ =	sdelay $0x1  }
0x8a: {  	s1 =	srdreg.scid  }
0x8b: {  	s0 =	sand.u32 $0x1, s1  }
0x8c: {  	s16 =	sshll.u32 s0, $0xA;
	s2 =	sadd.s32 s3, s2  }
0x8d: {  	s2 =	sadd.s32 s2, s16  }
0x8e: {  	[smem:$0x3FBD] =	sst s2  }
0x8f: {  	_ = 	snop  }
0x90: {  	(tm) =	ssettm $0x1  }
0x91: {  	s17 =	sld [smem:$0x3FFB];
	_ =	sdelay $0x3  }
0x92: {  	_ =	strace s17  }
0x93: {  	s2 =	sld [smem:$0x3FFC];
	_ =	sdelay $0x3  }
0x94: {  	_ =	strace s2  }
0x95: {  	s2 =	sld [smem:$0x3FFD];
	_ =	sdelay $0x3  }
0x96: {  	_ =	strace s2  }
0x97: {  	_ =	strace $0x8FFFFFFF  }
0x98: {  	s18 =	sld [smem:$0x3FDB];
	_ =	sdelay $0x1  }
0x99: {  	s19 =	simm.s32 $_scs_section_size  }
0x9a: {  	s4 =	simm.s32 $_size__tile_overlayer_lowered;
	s5 =	simm.s32 $_tile_overlayer_lowered  }
0x9b: {  	s22 =	simm.s32 $0x1BFF;
	s21 =	sshll.u32 s5, $0x1;
	s2 =	sadd.s32 s19, s18  }
0x9c: {  	s6 =	simm.s32 $0x0;
	s20 =	sshll.u32 s4, $0x1;
	s4 =	sadd.s32 s21, s2  }
0x9d: {  	[timem:s6], [sflag:s22] =	dma.local [hbm:s4], s20  }
0x9e: {  	_ =	swait.ge [sflag:s22], s20  }
0x9f: {  	s3 =	ssub.s32 $0x0, s20;
	[sflag:s22] =	ssyncset.done $0x0  }
0xa0: {  	[sflag:s22] =	ssyncadd.s32 s3;
	_ =	sdelay $0x1  }
0xa1: {  	s23 =	simm.s32 $0x1B8B  }
0xa2: {  	_ =	swait.ge [sflag:s23], $0x1  }
0xa3: {  	[sflag:s23] =	ssyncset.done $0x0  }
0xa4: {  	s25 =	simm.s32 $0x1B8E;
	s24 =	sld [smem:$0x3FFE];
	[sflag:s23] =	ssyncadd.s32 $0xFFFFFFFF  }
0xa5: {  	s26 =	simm.s32 $execute0_lowered;
	[smem:$0x3FD2] =	sst s25  }
0xa6: {  	s4 =	sshll.u32 s26, $0x1;
	_ =	strace $0x80000046;
	[dreg:$0x1] =	wrdreg $0xFFFFFFFF  }
0xa7: {  	s28 =	simm.s32 $_size_execute0_lowered;
	s2 =	sadd.s32 s2, s4;
	[dreg:$0x0] =	wrdreg $0x0  }
0xa8: {  	s4 =	sshll.u32 s28, $0x1;
	[dreg:$0x2] =	wrdreg s2  }
0xa9: {  	[dreg:$0x3] =	wrdreg s4  }
0xaa: {  	[dreg:$0x4] =	wrdreg $0xC0  }
0xab: {  	_ =	task [dreg:s6], $0x5FFFF  }
0xac: {  	[dreg:$0x1] =	wrdreg $0xFFFFFFFF  }
0xad: {  	[dreg:$0x0] =	wrdreg $0x60  }
0xae: {  	[dreg:$0x2] =	wrdreg s24  }
0xaf: {  	[dreg:$0x3] =	wrdreg $0x9  }
0xb0: {  	_ =	task.clear_ibuf [dreg:s6], $0x4FFFF;
	_ =	strace $0x90000046  }
0xb1: {  	s29 =	simm.s32 $0x9;
	_ =	strace $0x80000048  }
0xb2: {  	_ =	swait.ge [sflag:s29], $0x1  }
0xb3: {  	[sflag:s29] =	ssyncadd.s32 $0xFFFFFFFF  }
0xb4: {  	_ =	strace $0x90000048  }
0xb5: {  	_ =	sfence  }
0xb6: {  	s30 =	sld [smem:$0x0];
	_ =	sdelay $0x2  }
0xb7: {  	s31 =	sshll.u32 s1, $0xD;
	s1 =	sshrl.u32 s1, $0x2  }
0xb8: {  	s3 =	sand.u32 $0x4000, s31;
	s1 =	sadd.s32 s1, s30  }
0xb9: {  	s0 =	sor.u32 s3, s0;
	s1 =	sshll.u32 s1, $0x11  }
0xba: {  	s0 =	sor.u32 s1, s0  }
0xbb: {  	s0 =	sadd.s32 $0x8F2B, s0  }
0xbc: {  	[sflag:s0] =	ssyncadd.remote.s32 $0x1  }
0xbd: {  	_ =	sfence.sel $0xFFFF  }
0xbe: {  	[dreg:$0x0] =	wrdreg $0xFFFFFFFF;
	(pc) =	sbr.abs _section_cstart, $3  }
0xbf: {  	[dreg:$0x1] =	wrdreg $0xFFFFFFFF  }
0xc0: {  	_ =	task.clear_ibuf [dreg:s6], $0x2FFFF;
	_ =	strace $0x9FFFFFFF  }
0xc1: {  	(tm) =	ssettm $0x7FFFFFFF  }
tec
execute0_lowered:
.L_overlay_start_1:
0x0: {  	(tag) =	ssettag $0x1  }
0x1: {  	s0 =	srdreg.scid  }
0x2: {  	s1 =	stileid.u32;
	s6 =	rddreg [dreg:$0x0];
	s0 =	sand.u32 $0x1, s0  }
0x3: {  	s3 =	simm.s32 $0x0;
	s1 =	sshll.u32 s1, $0x6;
	s2 =	sshll.u32 s0, $0x5  }
0x4: {  	s9 =	simm.s32 $0x2;
	s10 =	simm.s32 $0xC0;
	s2 =	sor.u32 s2, s1  }
0x5: {  	s11 =	simm.s32 $0x7000;
	s12 =	simm.s32 $0x7100;
	s1 =	sshrl.u32 s2, $0x3  }
0x6: {  	s13 =	simm.s32 $0x1;
	s14 =	simm.s32 $0xD100;
	s1 =	smul.u32 $0x380, s1  }
.Ltmp0:
0x7: {  	s15 =	simm.s32 $0xD500;
	s16 =	simm.s32 $0x0;
	(pc) =	sbr.rel .LBB2_1-.Ltmp0, $4  }
0x8: {  	[smem:$0x7FF] =	sst s3;
	s4 =	sadd.s32 $0x310A00, s6;
	s0 =	ssub.s32 $0x2, s0  }
0x9: {  	s5 =	sadd.s32 $0x1E000, s6;
	s7 =	sshrl.u32 s0, $0x1;
	s1 =	sadd.s32 s1, s6  }
0xa: {  	v0 =	vimm.s32 $0x0;
	v1 =	vlaneseq.u32;
	_ =	strace $0x80000047;
	s0 =	ssub.s32 s0, s7;
	s1 =	sadd.s32 $0x2000, s1  }
0xb: {  	v2 =	vimm.f32 $-Inf;
	vm0 =	vmxor vm0, vm0;
	v3 =	vmul.u32 $0x400, v1;
	s8 =	smax.u32 s0, $0x1;
	s6 =	sadd.s32 $0x22000, s6;
	[dreg:$0x2] =	wrdreg s1  }
.LBB2_82:
0xc: {  	s16 =	sadd.s32 $0x1, s16  }
0xd: {  	p0 =	sne.s32 s16, s8  }
.Ltmp1:
0xe: {  	_ = 	snop;
	(pc) =	sbr.rel @!p0 .LBB2_83-.Ltmp1, $1  }
0xf: {  	_ =	sdelay $0x3  }
.LBB2_1:
0x10: {  	[tilespmem:$0x7000] =	vst v0  }
0x11: {  	[tilespmem:$0x7010] =	vst v0  }
0x12: {  	[tilespmem:$0x7020] =	vst v0  }
0x13: {  	[tilespmem:$0x7030] =	vst v0  }
0x14: {  	[tilespmem:$0x7040] =	vst v0  }
0x15: {  	[tilespmem:$0x7050] =	vst v0  }
0x16: {  	[tilespmem:$0x7060] =	vst v0  }
0x17: {  	[tilespmem:$0x7070] =	vst v0  }
0x18: {  	[tilespmem:$0x7080] =	vst v0  }
0x19: {  	[tilespmem:$0x7090] =	vst v0  }
0x1a: {  	[tilespmem:$0x70A0] =	vst v0  }
.Ltmp2:
0x1b: {  	[tilespmem:$0x70B0] =	vst v0;
	s0 =	rddreg [dreg:$0x2];
	(pc) =	sbr.rel .LBB2_2-.Ltmp2, $4  }
0x1c: {  	[tilespmem:s3], [sflag:$0x2] =	stream.linear.gather [hbm4b:s0+s3], $0x7000, $0x38;
	[tilespmem:$0xE100] =	vst v63  }
0x1d: {  	_ =	swait.ge [sflag:s9], $0x7000  }
0x1e: {  	[sflag:s9] =	ssyncset.done $0x0  }
0x1f: {  	s17 =	simm.s32 $0x0;
	[sflag:s9] =	ssyncadd.s32 $0xFFFF9000  }
.LBB2_80:
0x20: {  	s19 =	smov.u32 @p0 s19  }
.LBB2_81:
0x21: {  	[tilespmem:s19+$0xD100] =	vst v2  }
0x22: {  	[tilespmem:s19+$0xD500] =	vst v0  }
0x23: {  	[tilespmem:s19+$0xD110] =	vst v2  }
0x24: {  	[tilespmem:s19+$0xD510] =	vst v0  }
0x25: {  	[tilespmem:s19+$0xD120] =	vst v2  }
0x26: {  	[tilespmem:s19+$0xD520] =	vst v0  }
0x27: {  	[tilespmem:s19+$0xD130] =	vst v2  }
0x28: {  	[tilespmem:s19+$0xD530] =	vst v0  }
0x29: {  	v5 =	vld [tilespmem:$0xD500];
	_ =	sdelay $0x4  }
0x2a: {  	v6 =	vshrl.u32 v5, $0x7;
	_ =	sdelay $0x3  }
0x2b: {  	v7 =	vld [tilespmem:$0xD510]  }
0x2c: {  	v6 =	vld.idx.msk [tilespmem:v6+s11+$0x0], $0xffff;
	_ =	sdelay $0x4  }
0x2d: {  	v8 =	vshrl.u32 v7, $0x7;
	v6 =	vsub.s32 v6, v4  }
0x2e: {  	v6 =	vshrl.u32 v6, $0x3  }
0x2f: {  	v5 =	vand.u32 $0x7F, v5;
	v6 =	vand.u32 $0x1FFFFF80, v6  }
0x30: {  	v5 =	vor.u32 v5, v6  }
0x31: {  	v52 =	vld [tilespmem:$0xD520];
	[tilespmem:$0xD500] =	vst v5  }
0x32: {  	v5 =	vld.idx.msk [tilespmem:v8+s11+$0x0], $0xffff;
	_ =	sdelay $0x4  }
0x33: {  	v53 =	vshrl.u32 v52, $0x7;
	v5 =	vsub.s32 v5, v4  }
0x34: {  	v5 =	vshrl.u32 v5, $0x3  }
0x35: {  	v7 =	vand.u32 $0x7F, v7;
	v5 =	vand.u32 $0x1FFFFF80, v5  }
0x36: {  	v5 =	vor.u32 v7, v5  }
0x37: {  	v54 =	vld [tilespmem:$0xD530];
	[tilespmem:$0xD510] =	vst v5  }
0x38: {  	v5 =	vld.idx.msk [tilespmem:v53+s11+$0x0], $0xffff;
	_ =	sdelay $0x4  }
0x39: {  	v55 =	vshrl.u32 v54, $0x7;
	v5 =	vsub.s32 v5, v4  }
0x3a: {  	v5 =	vshrl.u32 v5, $0x3  }
0x3b: {  	v6 =	vand.u32 $0x7F, v52;
	v5 =	vand.u32 $0x1FFFFF80, v5  }
0x3c: {  	v5 =	vor.u32 v6, v5  }
0x3d: {  	v56 =	vld [tilespmem:$0xD540];
	[tilespmem:$0xD520] =	vst v5  }
0x3e: {  	v5 =	vld.idx.msk [tilespmem:v55+s11+$0x0], $0xffff;
	_ =	sdelay $0x4  }
0x3f: {  	v57 =	vshrl.u32 v56, $0x7;
	v5 =	vsub.s32 v5, v4  }
0x40: {  	v5 =	vshrl.u32 v5, $0x3  }
0x41: {  	v7 =	vand.u32 $0x7F, v54;
	v5 =	vand.u32 $0x1FFFFF80, v5  }
0x42: {  	v5 =	vor.u32 v7, v5  }
0x43: {  	v58 =	vld [tilespmem:$0xD550];
	[tilespmem:$0xD530] =	vst v5  }
0x44: {  	v5 =	vld.idx.msk [tilespmem:v57+s11+$0x0], $0xffff;
	_ =	sdelay $0x4  }
0x45: {  	v59 =	vshrl.u32 v58, $0x7;
	v5 =	vsub.s32 v5, v4  }
0x46: {  	v5 =	vshrl.u32 v5, $0x3  }
0x47: {  	v6 =	vand.u32 $0x7F, v56;
	v5 =	vand.u32 $0x1FFFFF80, v5  }
0x48: {  	v5 =	vor.u32 v6, v5  }
0x49: {  	v60 =	vld [tilespmem:$0xD560];
	[tilespmem:$0xD540] =	vst v5  }
0x4a: {  	v5 =	vld.idx.msk [tilespmem:v59+s11+$0x0], $0xffff;
	_ =	sdelay $0x4  }
0x4b: {  	v61 =	vshrl.u32 v60, $0x7;
	v5 =	vsub.s32 v5, v4  }
0x4c: {  	v5 =	vshrl.u32 v5, $0x3  }
0x4d: {  	v7 =	vand.u32 $0x7F, v58;
	v5 =	vand.u32 $0x1FFFFF80, v5  }
0x4e: {  	v5 =	vor.u32 v7, v5  }
0x4f: {  	v62 =	vld [tilespmem:$0xD570];
	[tilespmem:$0xD550] =	vst v5  }
0x50: {  	v5 =	vld.idx.msk [tilespmem:v61+s11+$0x0], $0xffff;
	_ =	sdelay $0x4  }
0x51: {  	v63 =	vshrl.u32 v62, $0x7;
	v5 =	vsub.s32 v5, v4  }
0x52: {  	v5 =	vshrl.u32 v5, $0x3  }
0x53: {  	v6 =	vand.u32 $0x7F, v60;
	v5 =	vand.u32 $0x1FFFFF80, v5  }
0x54: {  	v5 =	vor.u32 v6, v5  }
0x55: {  	[tilespmem:$0xD560] =	vst v5  }
0x56: {  	v5 =	vld.idx.msk [tilespmem:v63+s11+$0x0], $0xffff;
	_ =	sdelay $0x4  }
0x57: {  	v4 =	vsub.s32 v5, v4  }
0x58: {  	s0 =	sshll.u32 s18, $0x4;
	s1 =	sshll.u32 s17, $0x4;
	v4 =	vshrl.u32 v4, $0x3  }
0x59: {  	s0 =	sand.u32 $0x3F80, s0;
	s1 =	sand.u32 $0x70, s1;
	v5 =	vand.u32 $0x7F, v62;
	v4 =	vand.u32 $0x1FFFFF80, v4  }
0x5a: {  	s0 =	sor.u32 s1, s0;
	v4 =	vor.u32 v5, v4  }
0x5b: {  	s1 =	sadd.s32 s5, s0;
	[tilespmem:$0xD570] =	vst v4  }
0x5c: {  	[hbm4b:s1+s3] =	stream.linear.scatter [tilespmem:s14], [sflag:$0x2], $0x80, $0x38;
	[tilespmem:$0xE100] =	vst v63  }
0x5d: {  	s17 =	sadd.s32 $0x1, s17;
	_ =	swait.ge [sflag:s9], $0x80  }
0x5e: {  	p0 =	sne.s32 s17, $0x20;
	[sflag:s9] =	ssyncset.done $0x0  }
.Ltmp3:
0x5f: {  	s0 =	sadd.s32 s6, s0;
	[sflag:s9] =	ssyncadd.s32 $0xFFFFFF80;
	(pc) =	sbr.rel @!p0 .LBB2_82-.Ltmp3, $4  }
0x60: {  	[hbm4b:s0+s3] =	stream.linear.scatter [tilespmem:s15], [sflag:$0x2], $0x80, $0x38;
	[tilespmem:$0xE100] =	vst v63  }
0x61: {  	_ =	swait.ge [sflag:s9], $0x80  }
0x62: {  	[sflag:s9] =	ssyncset.done $0x0  }
0x63: {  	[sflag:s9] =	ssyncadd.s32 $0xFFFFFF80  }
.LBB2_2:
0x64: {  	s0 =	simm.s32 $0x40;
	s1 =	simm.s32 $0x0  }
.LBB2_3:
0x65: {  	p0 =	seq.s32 s0, $0xFC0;
	[tilespmem:s1+$0xD100] =	vst v2;
	s7 =	smov.u32 s0;
	s0 =	sadd.s32 $0x40, s0  }
.Ltmp4:
0x66: {  	[tilespmem:s1+$0xD500] =	vst v0;
	(pc) =	sbr.rel @!p0 .LBB2_3-.Ltmp4, $2  }
0x67: {  	_ =	sdelay $0x2  }
0x68: {  	s1 =	sshra.s32 s7, $0x2  }
0x69: {  	s0 =	sshrl.u32 s17, $0x3  }
0x6a: {  	s0 =	smul.u32 $0x7000, s0  }
0x6b: {  	[tilespmem:s1+$0xD100] =	vst v2;
	s29 =	sshll.u32 s17, $0x7  }
0x6c: {  	[tilespmem:s1+$0xD500] =	vst v0;
	s30 =	simm.s32 $0x0;
	s1 =	sand.u32 $0x380, s29;
	s0 =	sshra.s32 s0, $0x2  }
0x6d: {  	s31 =	sand.u32 $0x1C00, s30;
	s19 =	sor.u32 s1, s0  }
0x6e: {  	s0 =	sand.u32 $0x70, s30;
	s1 =	sadd.s32 s31, s19  }
0x6f: {  	s1 =	sadd.s32 s0, s1  }
0x70: {  	v6 =	vld [tilespmem:s1+$0x0]  }
0x71: {  	v5 =	vimm.f32 $-Inf;
	v4 =	vimm.f32 $+Inf;
	s0 =	simm.s32 $0x10;
	s1 =	simm.s32 $0x80  }
.LBB2_5:
0x72: {  	s7 =	sand.u32 $0x1C00, s1  }
0x73: {  	p0 =	sne.s32 s0, $0x300;
	s18 =	smov.u32 s0;
	s0 =	sadd.s32 $0x10, s0  }
.Ltmp5:
0x74: {  	s18 =	sand.u32 $0x70, s18;
	s7 =	sadd.s32 s7, s19;
	(pc) =	sbr.rel @p0 .LBB2_5-.Ltmp5, $3  }
0x75: {  	s7 =	sadd.s32 s18, s7;
	v5 =	vmax.f32 v5, v6;
	vm1 =	veq.f32 v6, $-Inf;
	v7 =	vmin.f32 v4, v6  }
0x76: {  	v6 =	vld [tilespmem:s7+$0x0];
	v4 =	vsel vm1, v4, v7;
	_ =	sdelay $0x1  }
0x77: {  	s1 =	sadd.s32 $0x80, s1  }
0x78: {  	_ =	sdelay $0x1  }
0x79: {  	v5 =	vmax.f32 v5, v6;
	vm1 =	veq.f32 v6, $-Inf;
	v63 =	vmin.f32 v4, v6  }
0x7a: {  	v4 =	vsel vm1, v4, v63;
	(xrf0) =	vmax.scan.msk.f32 $0xffff, v5  }
0x7b: {  	(xrf0) =	vmin.scan.msk.f32 $0xffff, v4;
	_ =	sdelay $0x4  }
0x7c: {  	v4, _, _ =	vpop (xrf0)  }
0x7d: {  	(v2sf) =	vpush v4, $0xF;
	v4, _, _ =	vpop (xrf0)  }
0x7e: {  	(v2sf) =	vpush v4, $0xF;
	_ =	sdelay $0xd  }
0x7f: {  	s23 =	spop (v2sf)  }
0x80: {  	s18 =	simm.s32 $0x310;
	s22 =	spop (v2sf)  }
0x81: {  	s21 =	simm.s32 $0x0;
	s24 =	simm.s32 $0x0;
	s20 =	smov.u32 s22  }
.LBB2_7:
0x82: {  	s0 =	sadd.f32 s23, s20;
	_ =	sdelay $0x1  }
0x83: {  	s25 =	smul.f32 $5.000000000e-01, s0  }
0x84: {  	s31 =	sand.u32 $0x1C00, s21  }
0x85: {  	s1 =	sand.u32 $0x70, s21;
	s0 =	sadd.s32 s31, s19;
	v4 =	vmov s25  }
0x86: {  	s1 =	sadd.s32 s1, s0;
	v4 =	vadd.f32 $0.0e+00, v4  }
0x87: {  	v6 =	vld [tilespmem:s1+$0x0]  }
0x88: {  	s0 =	simm.s32 $0x10;
	s1 =	simm.s32 $0x80;
	v5 =	vbroadcast v4, $0x0;
	v4 =	vimm.s32 $0x0  }
.LBB2_8:
0x89: {  	s7 =	sand.u32 $0x1C00, s1  }
0x8a: {  	p0 =	sne.s32 s0, $0x300;
	s26 =	smov.u32 s0;
	s0 =	sadd.s32 $0x10, s0  }
.Ltmp6:
0x8b: {  	s26 =	sand.u32 $0x70, s26;
	s7 =	sadd.s32 s7, s19;
	(pc) =	sbr.rel @p0 .LBB2_8-.Ltmp6, $4  }
0x8c: {  	s7 =	sadd.s32 s26, s7;
	vm1 =	vge.f32 v6, v5  }
0x8d: {  	v6 =	vld [tilespmem:s7+$0x0];
	v7 =	vsel vm1, $0x1, v0  }
0x8e: {  	v4 =	vadd.s32 v7, v4  }
0x8f: {  	s1 =	sadd.s32 $0x80, s1  }
0x90: {  	_ =	sdelay $0x1  }
0x91: {  	vm1 =	vge.f32 v6, v5  }
0x92: {  	v5 =	vsel vm1, $0x1, v0  }
0x93: {  	v4 =	vadd.s32 v5, v4  }
0x94: {  	(xrf0) =	vadd.scan.msk.s32 $0xffff, v4;
	_ =	sdelay $0x5  }
0x95: {  	v4, _, _ =	vpop (xrf0)  }
0x96: {  	(v2sf) =	vpush v4, $0xF;
	_ =	sdelay $0xe  }
0x97: {  	s0 =	spop (v2sf)  }
0x98: {  	p0 =	sgt.s32 s0, $0x3F  }
0x99: {  	s18 =	smov.u32 @p0 s0  }
0x9a: {  	p1 =	slt.s32 s18, $0x61  }
0x9b: {  	p2 =	slt.u32 @!p1 s24, $0x19  }
0x9c: {  	s20 =	smov.u32 @p0 s25;
	s25 =	smov.u32 @p0 s23;
	p0 =	por p1, !p2  }
.Ltmp7:
0x9d: {  	_ = 	snop;
	(pc) =	sbr.rel @!p0 .LBB2_7-.Ltmp7, $2  }
0x9e: {  	_ =	sdelay $0x2  }
0x9f: {  	s23 =	smov.u32 s25;
	s24 =	sadd.s32 $0x1, s24  }
0xa0: {  	s21 =	simm.s32 $0x0  }
0xa1: {  	s0 =	sand.u32 $0x1C00, s21  }
0xa2: {  	s1 =	sand.u32 $0x70, s21;
	s0 =	sadd.s32 s0, s19  }
0xa3: {  	s0 =	sadd.s32 s1, s0  }
0xa4: {  	v4 =	vmov s20;
	v6 =	vld [tilespmem:s0+$0x0]  }
0xa5: {  	v4 =	vadd.f32 $0.0e+00, v4;
	_ =	sdelay $0x1  }
0xa6: {  	v5 =	vbroadcast v4, $0x0  }
0xa7: {  	p0 =	por $0x1, $0x1;
	vm1 =	vmmov vm0  }
0xa8: {  	vm1 =	vmneg @p0 vm1;
	vm2 =	vge.f32 v6, v5  }
0xa9: {  	vm1 =	vmand vm1, vm2  }
0xaa: {  	v4 =	vsel vm1, $0x1, v0  }
0xab: {  	(xrf0) =	vadd.scan.msk.s32 $0xffff, v4;
	_ =	sdelay $0x5  }
0xac: {  	v7, _, _ =	vpop (xrf0)  }
0xad: {  	(v2sf) =	vpush v7, $0xF;
	_ =	sdelay $0x5  }
0xae: {  	v4 =	vmov s21  }
0xaf: {  	s18 =	sor.u32 s2, s17;
	v6 =	vshll.u32 v4, $0xA  }
0xb0: {  	v4 =	vmov s18;
	v6 =	vor.u32 v3, v6  }
0xb1: {  	s24 =	simm.s32 $0x80;
	v6 =	vadd.s32 v4, v6  }
0xb2: {  	s23 =	simm.s32 $0x10;
	s25 =	simm.s32 $0x20;
	s0 =	sand.u32 $0x1C00, s24;
	[tilespmem:s21+$0x7000] =	vst.msk vm1, v6  }
.LBB2_11:
0xb3: {  	p0 =	sne.s32 s25, $0x300;
	s1 =	sand.u32 $0x70, s23;
	s0 =	sadd.s32 s0, s19  }
0xb4: {  	s0 =	sadd.s32 s1, s0  }
0xb5: {  	v6 =	vld [tilespmem:s0+$0x0];
	_ =	sdelay $0x1  }
0xb6: {  	s0 =	spop (v2sf)  }
0xb7: {  	v7 =	vmov s23;
	s23 =	smov.u32 s25;
	s21 =	sadd.s32 s21, s0  }
0xb8: {  	vm2 =	vmmov vm0;
	v7 =	vshll.u32 v7, $0xA;
	p1 =	slt.s32 s21, $0xB0  }
0xb9: {  	vm1 =	vge.f32 v6, v5;
	vm2 =	vmneg @p1 vm2;
	v6 =	vor.u32 v3, v7  }
0xba: {  	vm1 =	vmand vm2, vm1;
	v6 =	vadd.s32 v4, v6  }
0xbb: {  	[tilespmem:s21+$0x7000] =	vst.msk vm1, v6;
	v6 =	vsel vm1, $0x1, v0  }
0xbc: {  	(xrf0) =	vadd.scan.msk.s32 $0xffff, v6;
	_ =	sdelay $0x5  }
0xbd: {  	v6, _, _ =	vpop (xrf0)  }
0xbe: {  	(v2sf) =	vpush v6, $0xF;
	_ =	sdelay $0x5  }
.Ltmp8:
0xbf: {  	(pc) =	sbr.rel @p0 .LBB2_11-.Ltmp8, $3  }
0xc0: {  	_ =	sdelay $0x1  }
0xc1: {  	s24 =	sadd.s32 $0x80, s24  }
0xc2: {  	s25 =	sadd.s32 $0x10, s25;
	s0 =	sand.u32 $0x1C00, s24  }
0xc3: {  	s1 =	sand.u32 $0x70, s23;
	s0 =	sadd.s32 s0, s19  }
0xc4: {  	s0 =	sadd.s32 s1, s0  }
0xc5: {  	v6 =	vld [tilespmem:s0+$0x0];
	_ =	sdelay $0x1  }
0xc6: {  	s30 =	spop (v2sf)  }
0xc7: {  	s0 =	sadd.s32 s21, s30  }
0xc8: {  	vm1 =	vmmov vm0;
	p0 =	slt.s32 s0, $0xB0  }
0xc9: {  	vm2 =	vge.f32 v6, v5;
	vm1 =	vmneg @p0 vm1  }
0xca: {  	vm1 =	vmand vm1, vm2  }
0xcb: {  	v5 =	vsel vm1, $0x1, v0  }
0xcc: {  	(xrf0) =	vadd.scan.msk.s32 $0xffff, v5;
	_ =	sdelay $0x5  }
0xcd: {  	v5, _, _ =	vpop (xrf0)  }
0xce: {  	(v2sf) =	vpush v5, $0xF;
	_ =	sdelay $0xd  }
0xcf: {  	v5 =	vmov s23  }
0xd0: {  	v5 =	vshll.u32 v5, $0xA;
	s31 =	spop (v2sf)  }
0xd1: {  	v5 =	vor.u32 v3, v5;
	s21 =	sadd.s32 s0, s31  }
0xd2: {  	v5 =	vadd.s32 v4, v5;
	p0 =	slt.s32 s21, $0x1  }
.Ltmp9:
0xd3: {  	[tilespmem:s0+$0x7000] =	vst.msk vm1, v5;
	(pc) =	sbr.rel @p0 .LBB2_13-.Ltmp9, $4  }
0xd4: {  	[tilespmem:s12], [sflag:$0x1] =	stream.indirect.gather [hbm4b:s4+s10], $0x80, s11, s10, $0xb8;
	[tilespmem:$0xE100] =	vst v63  }
0xd5: {  	_ =	swait.ge [sflag:s13], $0x6000  }
0xd6: {  	[sflag:s13] =	ssyncset.done $0x0  }
0xd7: {  	[sflag:s13] =	ssyncadd.s32 $0xFFFFA000  }
.Ltmp10:
0xd8: {  	(pc) =	sbr.rel .LBB2_15-.Ltmp10, $3  }
0xd9: {  	_ = 	snop  }
0xda: {  	p0 =	seq.f32 s20, s22;
	_ =	sdelay $0x1  }
0xdb: {  	s19 =	simm.s32 $0x0;
	s22 =	simm.s32 $0x0;
	s20 =	simm.s32 @p0 $0xFF800000  }
.LBB2_47:
0xdc: {  	s20 =	smax.f32 s20, s28  }
.LBB2_48:
0xdd: {  	s22 =	sadd.s32 $0x1, s22  }
0xde: {  	p0 =	sne.s32 s22, s21  }
.Ltmp11:
0xdf: {  	_ = 	snop;
	(pc) =	sbr.rel @!p0 .LBB2_49-.Ltmp11, $1  }
0xe0: {  	_ =	sdelay $0x3  }
.LBB2_15:
0xe1: {  	s23 =	sshll.u32 s22, $0x7  }
0xe2: {  	v5 =	vmov s20;
	v6 =	vld [tilespmem:s23+$0x7100]  }
0xe3: {  	v5 =	vadd.f32 $0.0e+00, v5;
	_ =	sdelay $0x1  }
0xe4: {  	v5 =	vbroadcast v5, $0x0;
	_ =	sdelay $0x1  }
0xe5: {  	vm1 =	vgt.f32 v6, v5  }
0xe6: {  	v7 =	vor.u32 s23, v1;
	[tilespmem:s19+$0xD100] =	vst.msk vm1, v6;
	v6 =	vsel vm1, $0x1, v0  }
0xe7: {  	[tilespmem:s19+$0xD500] =	vst.msk vm1, v7;
	(xrf0) =	vadd.scan.msk.s32 $0xffff, v6  }
0xe8: {  	v6 =	vld [tilespmem:s23+$0x7110];
	_ =	sdelay $0x4  }
0xe9: {  	v7, _, _ =	vpop (xrf0);
	vm1 =	vgt.f32 v6, v5  }
0xea: {  	(v2sf) =	vpush v7, $0xF;
	v7 =	vsel vm1, $0x1, v0  }
0xeb: {  	(xrf0) =	vadd.scan.msk.s32 $0xffff, v7;
	_ =	sdelay $0x5  }
0xec: {  	v7, _, _ =	vpop (xrf0)  }
0xed: {  	(v2sf) =	vpush v7, $0xF;
	_ =	sdelay $0x6  }
0xee: {  	s0 =	spop (v2sf)  }
0xef: {  	s1 =	sor.u32 $0x10, s23;
	s0 =	sadd.s32 s19, s0  }
0xf0: {  	v7 =	vor.u32 s1, v1;
	[tilespmem:s0+$0xD100] =	vst.msk vm1, v6  }
0xf1: {  	[tilespmem:s0+$0xD500] =	vst.msk vm1, v7  }
0xf2: {  	v6 =	vld [tilespmem:s23+$0x7120];
	_ =	sdelay $0x3  }
0xf3: {  	s29 =	spop (v2sf)  }
0xf4: {  	s30 =	sor.u32 $0x20, s23;
	s0 =	sadd.s32 s0, s29;
	vm1 =	vgt.f32 v6, v5  }
0xf5: {  	v7 =	vor.u32 s30, v1;
	[tilespmem:s0+$0xD100] =	vst.msk vm1, v6;
	v6 =	vsel vm1, $0x1, v0  }
0xf6: {  	[tilespmem:s0+$0xD500] =	vst.msk vm1, v7;
	(xrf0) =	vadd.scan.msk.s32 $0xffff, v6  }
0xf7: {  	v6 =	vld [tilespmem:s23+$0x7130];
	_ =	sdelay $0x4  }
0xf8: {  	v7, _, _ =	vpop (xrf0);
	vm1 =	vgt.f32 v6, v5  }
0xf9: {  	(v2sf) =	vpush v7, $0xF;
	v7 =	vsel vm1, $0x1, v0  }
0xfa: {  	(xrf0) =	vadd.scan.msk.s32 $0xffff, v7;
	_ =	sdelay $0x5  }
0xfb: {  	v7, _, _ =	vpop (xrf0)  }
0xfc: {  	(v2sf) =	vpush v7, $0xF;
	_ =	sdelay $0x6  }
0xfd: {  	s31 =	spop (v2sf)  }
0xfe: {  	s7 =	sor.u32 $0x30, s23;
	s0 =	sadd.s32 s0, s31  }
0xff: {  	v7 =	vor.u32 s7, v1;
	[tilespmem:s0+$0xD100] =	vst.msk vm1, v6  }
0x100: {  	[tilespmem:s0+$0xD500] =	vst.msk vm1, v7  }
0x101: {  	v6 =	vld [tilespmem:s23+$0x7140];
	_ =	sdelay $0x3  }
0x102: {  	s19 =	spop (v2sf)  }
0x103: {  	s24 =	sor.u32 $0x40, s23;
	s0 =	sadd.s32 s0, s19;
	vm1 =	vgt.f32 v6, v5  }
0x104: {  	v7 =	vor.u32 s24, v1;
	[tilespmem:s0+$0xD100] =	vst.msk vm1, v6;
	v6 =	vsel vm1, $0x1, v0  }
0x105: {  	[tilespmem:s0+$0xD500] =	vst.msk vm1, v7;
	(xrf0) =	vadd.scan.msk.s32 $0xffff, v6  }
0x106: {  	v6 =	vld [tilespmem:s23+$0x7150];
	_ =	sdelay $0x4  }
0x107: {  	v7, _, _ =	vpop (xrf0);
	vm1 =	vgt.f32 v6, v5  }
0x108: {  	(v2sf) =	vpush v7, $0xF;
	v7 =	vsel vm1, $0x1, v0  }
0x109: {  	(xrf0) =	vadd.scan.msk.s32 $0xffff, v7;
	_ =	sdelay $0x5  }
0x10a: {  	v7, _, _ =	vpop (xrf0)  }
0x10b: {  	(v2sf) =	vpush v7, $0xF;
	_ =	sdelay $0x6  }
0x10c: {  	s25 =	spop (v2sf)  }
0x10d: {  	s26 =	sor.u32 $0x50, s23;
	s0 =	sadd.s32 s0, s25  }
0x10e: {  	v7 =	vor.u32 s26, v1;
	[tilespmem:s0+$0xD100] =	vst.msk vm1, v6  }
0x10f: {  	[tilespmem:s0+$0xD500] =	vst.msk vm1, v7  }
0x110: {  	v6 =	vld [tilespmem:s23+$0x7160];
	_ =	sdelay $0x3  }
0x111: {  	s28 =	spop (v2sf)  }
0x112: {  	s29 =	sor.u32 $0x60, s23;
	s0 =	sadd.s32 s0, s28;
	vm1 =	vgt.f32 v6, v5  }
0x113: {  	v7 =	vor.u32 s29, v1;
	[tilespmem:s0+$0xD100] =	vst.msk vm1, v6  }
0x114: {  	[tilespmem:s0+$0xD500] =	vst.msk vm1, v7  }
0x115: {  	v6 =	vld [tilespmem:s23+$0x7170];
	_ =	sdelay $0x4  }
0x116: {  	v7 =	vsel vm1, $0x1, v0;
	vm1 =	vgt.f32 v6, v5  }
0x117: {  	(xrf0) =	vadd.scan.msk.s32 $0xffff, v7;
	v5 =	vsel vm1, $0x1, v0  }
0x118: {  	(xrf0) =	vadd.scan.msk.s32 $0xffff, v5;
	_ =	sdelay $0x4  }
0x119: {  	v5, _, _ =	vpop (xrf0)  }
0x11a: {  	(v2sf) =	vpush v5, $0xF;
	v5, _, _ =	vpop (xrf0)  }
0x11b: {  	(v2sf) =	vpush v5, $0xF;
	_ =	sdelay $0xd  }
0x11c: {  	s30 =	spop (v2sf)  }
0x11d: {  	s0 =	sadd.s32 s0, s30;
	s7 =	spop (v2sf)  }
0x11e: {  	s19 =	sadd.s32 s0, s7  }
0x11f: {  	p0 =	slt.s32 s19, $0x300  }
.Ltmp12:
0x120: {  	_ = 	snop;
	(pc) =	sbr.rel @p0 .LBB2_48-.Ltmp12, $4  }
0x121: {  	s31 =	sor.u32 $0x70, s23  }
0x122: {  	v5 =	vor.u32 s31, v1;
	[tilespmem:s0+$0xD100] =	vst.msk vm1, v6  }
0x123: {  	[tilespmem:s0+$0xD500] =	vst.msk vm1, v5  }
0x124: {  	[tilespmem:s19+$0xD100] =	vst v2  }
0x125: {  	s0 =	sadd.s32 $0xF, s19  }
0x126: {  	s1 =	sand.u32 $0xF, s0  }
0x127: {  	s31 =	sshra.s32 s0, $0x1F;
	p1 =	slt.s32 s0, $0x0;
	p0 =	sne.s32 s1, $0x0  }
0x128: {  	s1 =	sshrl.u32 s31, $0x1C;
	p0 =	por !p1, !p0  }
0x129: {  	s0 =	sadd.s32 s1, s0;
	s1 =	simm.s32 $0x1;
	p0 =	por !p0, !p0  }
0x12a: {  	s0 =	sshra.s32 s0, $0x4;
	s1 =	simm.s32 @!p0 $0x0  }
0x12b: {  	s0 =	ssub.s32 s0, s1  }
0x12c: {  	p0 =	slt.s32 s0, $0x1  }
.Ltmp13:
0x12d: {  	_ = 	snop;
	(pc) =	sbr.rel @p0 .LBB2_20-.Ltmp13, $2  }
0x12e: {  	_ =	sdelay $0x2  }
0x12f: {  	v5 =	vimm.f32 $-Inf;
	v6 =	vimm.f32 $+Inf;
	s1 =	simm.s32 $0xD100  }
0x130: {  	v7 =	vld [tilespmem:s1+$0x0];
	p0 =	sne.s32 s0, $0x1  }
.Ltmp14:
0x131: {  	_ = 	snop;
	(pc) =	sbr.rel @!p0 .LBB2_19-.Ltmp14, $2  }
0x132: {  	_ =	sdelay $0x2  }
0x133: {  	s0 =	sadd.s32 $0xFFFFFFFF, s0;
	s1 =	sadd.s32 $0x10, s1;
	v5 =	vmax.f32 v5, v7;
	vm1 =	veq.f32 v7, $-Inf;
	v7 =	vmin.f32 v6, v7  }
.LBB2_18:
0x134: {  	v8 =	vld [tilespmem:s1+$0x0];
	p0 =	sne.s32 s0, $0x1;
	s0 =	sadd.s32 $0xFFFFFFFF, s0;
	v6 =	vsel vm1, v6, v7  }
.Ltmp15:
0x135: {  	(pc) =	sbr.rel @p0 .LBB2_18-.Ltmp15, $2  }
0x136: {  	_ =	sdelay $0x2  }
0x137: {  	s1 =	sadd.s32 $0x10, s1;
	v5 =	vmax.f32 v5, v8;
	vm1 =	veq.f32 v8, $-Inf;
	v7 =	vmin.f32 v6, v8  }
.LBB2_19:
0x138: {  	v6 =	vsel vm1, v6, v7  }
.LBB2_20:
0x139: {  	(xrf0) =	vmin.scan.msk.f32 $0xffff, v6  }
0x13a: {  	(xrf0) =	vmax.scan.msk.f32 $0xffff, v5;
	_ =	sdelay $0x4  }
0x13b: {  	v5, _, _ =	vpop (xrf0)  }
0x13c: {  	(v2sf) =	vpush v5, $0xF;
	v5, _, _ =	vpop (xrf0)  }
0x13d: {  	(v2sf) =	vpush v5, $0xF;
	_ =	sdelay $0xa  }
.Ltmp16:
0x13e: {  	_ = 	snop;
	(pc) =	sbr.rel .LBB2_21-.Ltmp16, $3  }
0x13f: {  	_ =	sdelay $0x1  }
0x140: {  	s28 =	spop (v2sf)  }
0x141: {  	s24 =	simm.s32 $0x0;
	s23 =	spop (v2sf)  }
.LBB2_26:
0x142: {  	s23 =	smov.u32 s25  }
.LBB2_46:
0x143: {  	p0 =	slt.s32 s19, $0x61  }
0x144: {  	p1 =	slt.u32 @!p0 s24, $0x27  }
0x145: {  	p0 =	por p0, !p1  }
.Ltmp17:
0x146: {  	_ = 	snop;
	(pc) =	sbr.rel @p0 .LBB2_47-.Ltmp17, $2  }
0x147: {  	_ =	sdelay $0x2  }
0x148: {  	s24 =	sadd.s32 $0x1, s24  }
.LBB2_21:
0x149: {  	s0 =	sadd.s32 $0xF, s19  }
0x14a: {  	s1 =	sadd.f32 s23, s28;
	s7 =	sand.u32 $0xF, s0  }
0x14b: {  	s26 =	sshra.s32 s0, $0x1F;
	p0 =	slt.s32 s0, $0x0;
	p1 =	sne.s32 s7, $0x0  }
0x14c: {  	s25 =	smul.f32 $5.000000000e-01, s1;
	s31 =	sshrl.u32 s26, $0x1C;
	p0 =	por !p0, !p1  }
0x14d: {  	s1 =	simm.s32 $0x1;
	s0 =	sadd.s32 s31, s0;
	p0 =	por !p0, !p0  }
0x14e: {  	s29 =	sshra.s32 s0, $0x4;
	s1 =	simm.s32 @!p0 $0x0  }
0x14f: {  	s26 =	ssub.s32 s29, s1  }
0x150: {  	p1 =	slt.s32 s26, $0x1  }
.Ltmp18:
0x151: {  	_ = 	snop;
	(pc) =	sbr.rel @p1 .LBB2_25-.Ltmp18, $3  }
0x152: {  	v5 =	vmov s25  }
0x153: {  	v5 =	vadd.f32 $0.0e+00, v5;
	_ =	sdelay $0x1  }
0x154: {  	v6 =	vimm.s32 $0x0;
	s1 =	simm.s32 $0xD100;
	v5 =	vbroadcast v5, $0x0  }
0x155: {  	v7 =	vld [tilespmem:s1+$0x0];
	p1 =	sne.s32 s26, $0x1  }
.Ltmp19:
0x156: {  	_ = 	snop;
	(pc) =	sbr.rel @!p1 .LBB2_24-.Ltmp19, $2  }
0x157: {  	_ =	sdelay $0x2  }
0x158: {  	s0 =	sadd.s32 $0xFFFFFFFF, s26;
	s1 =	sadd.s32 $0x10, s1;
	vm1 =	vge.f32 v7, v5  }
.LBB2_23:
0x159: {  	v7 =	vld [tilespmem:s1+$0x0];
	p1 =	sne.s32 s0, $0x1;
	s0 =	sadd.s32 $0xFFFFFFFF, s0;
	v8 =	vsel vm1, $0x1, v0  }
.Ltmp20:
0x15a: {  	v6 =	vadd.s32 v8, v6;
	(pc) =	sbr.rel @p1 .LBB2_23-.Ltmp20, $2  }
0x15b: {  	_ =	sdelay $0x2  }
0x15c: {  	s1 =	sadd.s32 $0x10, s1;
	vm1 =	vge.f32 v7, v5  }
.LBB2_24:
0x15d: {  	v7 =	vsel vm1, $0x1, v0  }
0x15e: {  	v6 =	vadd.s32 v7, v6  }
.LBB2_25:
0x15f: {  	(xrf0) =	vadd.scan.msk.s32 $0xffff, v6;
	_ =	sdelay $0x5  }
0x160: {  	v6, _, _ =	vpop (xrf0)  }
0x161: {  	(v2sf) =	vpush v6, $0xF;
	_ =	sdelay $0xe  }
0x162: {  	s0 =	spop (v2sf)  }
0x163: {  	p1 =	slt.s32 s0, $0x40  }
.Ltmp21:
0x164: {  	_ = 	snop;
	(pc) =	sbr.rel @p1 .LBB2_26-.Ltmp21, $1  }
0x165: {  	_ =	sdelay $0x3  }
0x166: {  	p1 =	slt.s32 s26, $0x0  }
.Ltmp22:
0x167: {  	_ = 	snop;
	(pc) =	sbr.rel @p1 .LBB2_28-.Ltmp22, $1  }
0x168: {  	_ =	sdelay $0x3  }
0x169: {  	s0 =	simm.s32 $0xFFFFFFFF  }
0x16a: {  	s0 =	simm.s32 @!p0 $0x0  }
0x16b: {  	s0 =	sadd.s32 s0, s29  }
0x16c: {  	s1 =	sadd.s32 $0x1, s0  }
0x16d: {  	p0 =	seq.s32 s1, $0x1  }
.Ltmp23:
0x16e: {  	_ = 	snop;
	(pc) =	sbr.rel @p0 .LBB2_29-.Ltmp23, $4  }
0x16f: {  	_ = 	snop  }
0x170: {  	s7 =	simm.s32 $0xD900  }
0x171: {  	[tilespmem:s7+$0x0] =	vst v2;
	s0 =	simm.s32 $0xDD00  }
0x172: {  	s7 =	simm.s32 $0xD910;
	[tilespmem:s0+$0x0] =	vst v0;
	s1 =	sadd.s32 $0xFFFFFFFF, s1  }
.LBB2_33:
0x173: {  	[tilespmem:s7+$0x0] =	vst v2;
	s0 =	sadd.s32 $0x10, s0;
	p0 =	seq.s32 s1, $0x1  }
.Ltmp24:
0x174: {  	s1 =	sadd.s32 $0xFFFFFFFF, s1;
	[tilespmem:s0+$0x0] =	vst v0;
	(pc) =	sbr.rel @!p0 .LBB2_33-.Ltmp24, $2  }
0x175: {  	_ =	sdelay $0x2  }
0x176: {  	s7 =	sadd.s32 $0x10, s7  }
.LBB2_29:
0x177: {  	p0 =	sgt.s32 s26, $0x0  }
.Ltmp25:
0x178: {  	_ = 	snop;
	(pc) =	sbr.rel @!p0 .LBB2_38-.Ltmp25, $2  }
0x179: {  	_ =	sdelay $0x2  }
0x17a: {  	s19 =	simm.s32 $0x0  }
0x17b: {  	p1 =	sne.s32 s26, $0x1  }
.Ltmp26:
0x17c: {  	_ = 	snop;
	(pc) =	sbr.rel @!p1 .LBB2_31-.Ltmp26, $3  }
0x17d: {  	_ =	sdelay $0x1  }
0x17e: {  	s0 =	simm.s32 $0xD100  }
0x17f: {  	s28 =	simm.s32 $0xD500;
	p0 =	por $0x0, $0x0;
	v6 =	vld [tilespmem:s0+$0x0];
	s0 =	sadd.s32 $0xFFFFFFFF, s26  }
0x180: {  	_ =	sdelay $0x3  }
0x181: {  	vm1 =	vge.f32 v6, v5  }
0x182: {  	v7 =	vsel vm1, $0x1, v0  }
0x183: {  	(xrf0) =	vadd.scan.msk.s32 $0xffff, v7;
	_ =	sdelay $0x3  }
0x184: {  	v7 =	vld [tilespmem:s28+$0x0]  }
0x185: {  	p1 =	sne.s32 s0, $0x1  }
.Ltmp27:
0x186: {  	[tilespmem:s19+$0xD900] =	vst.msk vm1, v6;
	v6, _, _ =	vpop (xrf0);
	(pc) =	sbr.rel @!p1 .LBB2_35-.Ltmp27, $3  }
0x187: {  	(v2sf) =	vpush v6, $0xF;
	_ =	sdelay $0x1  }
0x188: {  	s30 =	simm.s32 $0xD110;
	s31 =	sadd.s32 $0xFFFFFFFF, s0;
	[tilespmem:s19+$0xDD00] =	vst.msk vm1, v7  }
0x189: {  	p0 =	por $0x1, $0x1;
	s26 =	simm.s32 $0xD500;
	s29 =	simm.s32 $0x0;
	v6 =	vld [tilespmem:s30+$0x0]  }
.LBB2_36:
0x18a: {  	p1 =	sne.s32 s31, $0x1;
	_ =	sdelay $0x3  }
0x18b: {  	vm1 =	vge.f32 v6, v5  }
0x18c: {  	v7 =	vsel vm1, $0x1, v0  }
0x18d: {  	(xrf0) =	vadd.scan.msk.s32 $0xffff, v7;
	_ =	sdelay $0x1  }
0x18e: {  	s26 =	sadd.s32 $0x10, s26  }
0x18f: {  	v7 =	vld [tilespmem:s26+$0x0];
	_ =	sdelay $0x1  }
0x190: {  	s0 =	spop (v2sf)  }
.Ltmp28:
0x191: {  	v8, _, _ =	vpop (xrf0);
	s29 =	sadd.s32 s29, s0;
	(pc) =	sbr.rel @p1 .LBB2_36-.Ltmp28, $4  }
0x192: {  	[tilespmem:s29+$0xD900] =	vst.msk vm1, v6;
	(v2sf) =	vpush v8, $0xF  }
0x193: {  	[tilespmem:s29+$0xDD00] =	vst.msk vm1, v7  }
0x194: {  	s30 =	sadd.s32 $0x10, s30  }
0x195: {  	s31 =	sadd.s32 $0xFFFFFFFF, s31;
	v6 =	vld [tilespmem:s30+$0x0]  }
.LBB2_37:
0x196: {  	_ =	sdelay $0x3  }
0x197: {  	vm1 =	vge.f32 v6, v5  }
0x198: {  	v5 =	vsel vm1, $0x1, v0  }
0x199: {  	(xrf0) =	vadd.scan.msk.s32 $0xffff, v5;
	_ =	sdelay $0x5  }
0x19a: {  	v5, _, _ =	vpop (xrf0)  }
0x19b: {  	(v2sf) =	vpush v5, $0xF;
	_ =	sdelay $0x8  }
0x19c: {  	s0 =	sadd.s32 @p0 $0x10, s26  }
0x19d: {  	s28 =	smov.u32 @p0 s0  }
0x19e: {  	v5 =	vld [tilespmem:s28+$0x0]  }
.Ltmp29:
0x19f: {  	s0 =	spop @p0 (v2sf);
	(pc) =	sbr.rel .LBB2_38-.Ltmp29, $4  }
0x1a0: {  	s0 =	sadd.s32 @p0 s29, s0  }
0x1a1: {  	s19 =	smov.u32 @p0 s0  }
0x1a2: {  	[tilespmem:s19+$0xD900] =	vst.msk vm1, v6;
	s31 =	spop (v2sf)  }
0x1a3: {  	[tilespmem:s19+$0xDD00] =	vst.msk vm1, v5;
	s19 =	sadd.s32 s19, s31  }
.LBB2_28:
0x1a4: {  	s19 =	simm.s32 $0x0  }
.LBB2_38:
0x1a5: {  	s0 =	sadd.s32 $0xF, s19  }
0x1a6: {  	s1 =	sand.u32 $0xF, s0  }
0x1a7: {  	s7 =	sshra.s32 s0, $0x1F;
	p0 =	slt.s32 s0, $0x1;
	p1 =	sne.s32 s1, $0x0  }
0x1a8: {  	s31 =	sshrl.u32 s7, $0x1C;
	p0 =	por !p0, !p1  }
0x1a9: {  	s1 =	simm.s32 $0x1;
	s0 =	sadd.s32 s31, s0;
	p0 =	por !p0, !p0  }
0x1aa: {  	s0 =	sshra.s32 s0, $0x4;
	s1 =	simm.s32 @!p0 $0x0  }
0x1ab: {  	s1 =	ssub.s32 s0, s1  }
0x1ac: {  	p1 =	slt.s32 s1, $0x0  }
.Ltmp30:
0x1ad: {  	_ = 	snop;
	(pc) =	sbr.rel @p1 .LBB2_39-.Ltmp30, $1  }
0x1ae: {  	_ =	sdelay $0x3  }
0x1af: {  	s1 =	simm.s32 $0xFFFFFFFF  }
0x1b0: {  	s1 =	simm.s32 @!p0 $0x0  }
0x1b1: {  	s0 =	sadd.s32 s1, s0  }
0x1b2: {  	s0 =	sadd.s32 $0x1, s0  }
0x1b3: {  	p1 =	sne.s32 s0, $0x1  }
.Ltmp31:
0x1b4: {  	_ = 	snop;
	(pc) =	sbr.rel @!p1 .LBB2_41-.Ltmp31, $3  }
0x1b5: {  	_ =	sdelay $0x1  }
0x1b6: {  	s31 =	simm.s32 $0xD900;
	s29 =	simm.s32 $0xD100;
	s28 =	simm.s32 $0xDD00  }
0x1b7: {  	s26 =	simm.s32 $0xD500;
	v5 =	vld [tilespmem:s31+$0x0];
	p0 =	por $0x0, $0x0;
	s1 =	sadd.s32 $0xFFFFFFFF, s0  }
0x1b8: {  	_ =	sdelay $0x3  }
0x1b9: {  	[tilespmem:s29+$0x0] =	vst v5  }
0x1ba: {  	v5 =	vld [tilespmem:s28+$0x0]  }
0x1bb: {  	p1 =	sne.s32 s1, $0x1  }
.Ltmp32:
0x1bc: {  	_ = 	snop;
	(pc) =	sbr.rel @!p1 .LBB2_43-.Ltmp32, $3  }
0x1bd: {  	_ =	sdelay $0x1  }
0x1be: {  	s0 =	simm.s32 $0xD910;
	s7 =	sadd.s32 $0xFFFFFFFF, s1;
	p0 =	por $0x1, $0x1;
	[tilespmem:s26+$0x0] =	vst v5  }
0x1bf: {  	s30 =	simm.s32 $0xD100;
	s1 =	simm.s32 $0xDD00;
	s31 =	simm.s32 $0xD500;
	v5 =	vld [tilespmem:s0+$0x0]  }
.LBB2_44:
0x1c0: {  	p1 =	sne.s32 s7, $0x1;
	_ =	sdelay $0x2  }
0x1c1: {  	s30 =	sadd.s32 $0x10, s30  }
0x1c2: {  	s1 =	sadd.s32 $0x10, s1;
	[tilespmem:s30+$0x0] =	vst v5  }
0x1c3: {  	v5 =	vld [tilespmem:s1+$0x0];
	_ =	sdelay $0x1  }
.Ltmp33:
0x1c4: {  	(pc) =	sbr.rel @p1 .LBB2_44-.Ltmp33, $4  }
0x1c5: {  	_ = 	snop  }
0x1c6: {  	s31 =	sadd.s32 $0x10, s31  }
0x1c7: {  	s0 =	sadd.s32 $0x10, s0;
	[tilespmem:s31+$0x0] =	vst v5  }
0x1c8: {  	s7 =	sadd.s32 $0xFFFFFFFF, s7;
	v5 =	vld [tilespmem:s0+$0x0]  }
.LBB2_45:
0x1c9: {  	_ =	sdelay $0x1  }
0x1ca: {  	s0 =	sadd.s32 @p0 $0x10, s30  }
0x1cb: {  	s29 =	smov.u32 @p0 s0;
	s0 =	sadd.s32 @p0 $0x10, s1  }
0x1cc: {  	s28 =	smov.u32 @p0 s0;
	[tilespmem:s29+$0x0] =	vst v5  }
0x1cd: {  	v5 =	vld [tilespmem:s28+$0x0]  }
.Ltmp34:
0x1ce: {  	_ = 	snop;
	(pc) =	sbr.rel .LBB2_46-.Ltmp34, $4  }
0x1cf: {  	_ = 	snop  }
0x1d0: {  	s0 =	sadd.s32 @p0 $0x10, s31  }
0x1d1: {  	s26 =	smov.u32 @p0 s0  }
0x1d2: {  	s28 =	smov.u32 s25;
	[tilespmem:s26+$0x0] =	vst v5  }
.LBB2_39:
.Ltmp35:
0x1d3: {  	(pc) =	sbr.rel .LBB2_46-.Ltmp35, $2  }
0x1d4: {  	_ =	sdelay $0x2  }
0x1d5: {  	s28 =	smov.u32 s25  }
.LBB2_41:
.Ltmp36:
0x1d6: {  	(pc) =	sbr.rel .LBB2_45-.Ltmp36, $2  }
0x1d7: {  	_ =	sdelay $0x2  }
0x1d8: {  	s30 =	simm.s32 $0xD100;
	s1 =	simm.s32 $0xDD00;
	s31 =	simm.s32 $0xD500  }
.LBB2_43:
.Ltmp37:
0x1d9: {  	(pc) =	sbr.rel .LBB2_45-.Ltmp37, $2  }
0x1da: {  	_ =	sdelay $0x2  }
0x1db: {  	s30 =	simm.s32 $0xD100;
	s1 =	simm.s32 $0xDD00;
	s31 =	simm.s32 $0xD500  }
.LBB2_31:
.Ltmp38:
0x1dc: {  	(pc) =	sbr.rel .LBB2_37-.Ltmp38, $2  }
0x1dd: {  	_ =	sdelay $0x2  }
0x1de: {  	s26 =	simm.s32 $0xD500;
	s29 =	simm.s32 $0x0  }
.LBB2_35:
.Ltmp39:
0x1df: {  	(pc) =	sbr.rel .LBB2_37-.Ltmp39, $2  }
0x1e0: {  	_ =	sdelay $0x2  }
0x1e1: {  	s26 =	simm.s32 $0xD500;
	s29 =	simm.s32 $0x0  }
.LBB2_13:
0x1e2: {  	s19 =	simm.s32 $0x0  }
.LBB2_49:
0x1e3: {  	s0 =	sadd.s32 $0xF, s19  }
0x1e4: {  	s1 =	sand.u32 $0xF, s0  }
0x1e5: {  	s31 =	sshra.s32 s0, $0x1F;
	p1 =	slt.s32 s0, $0x1;
	p0 =	sne.s32 s1, $0x0  }
0x1e6: {  	s1 =	sshrl.u32 s31, $0x1C;
	p0 =	por !p1, !p0  }
0x1e7: {  	s0 =	sadd.s32 s1, s0;
	s1 =	simm.s32 $0x1;
	p0 =	por !p0, !p0  }
0x1e8: {  	s0 =	sshra.s32 s0, $0x4;
	s1 =	simm.s32 @!p0 $0x0  }
0x1e9: {  	s0 =	ssub.s32 s0, s1  }
0x1ea: {  	p0 =	slt.s32 s0, $0x1  }
.Ltmp40:
0x1eb: {  	_ = 	snop;
	(pc) =	sbr.rel @p0 .LBB2_53-.Ltmp40, $2  }
0x1ec: {  	_ =	sdelay $0x2  }
0x1ed: {  	v5 =	vimm.f32 $-Inf;
	v6 =	vimm.f32 $+Inf;
	s1 =	simm.s32 $0xD100  }
0x1ee: {  	v7 =	vld [tilespmem:s1+$0x0];
	p0 =	sne.s32 s0, $0x1  }
.Ltmp41:
0x1ef: {  	_ = 	snop;
	(pc) =	sbr.rel @!p0 .LBB2_52-.Ltmp41, $2  }
0x1f0: {  	_ =	sdelay $0x2  }
0x1f1: {  	s0 =	sadd.s32 $0xFFFFFFFF, s0;
	s1 =	sadd.s32 $0x10, s1;
	v5 =	vmax.f32 v5, v7;
	vm1 =	veq.f32 v7, $-Inf;
	v7 =	vmin.f32 v6, v7  }
.LBB2_51:
0x1f2: {  	v8 =	vld [tilespmem:s1+$0x0];
	p0 =	sne.s32 s0, $0x1;
	s0 =	sadd.s32 $0xFFFFFFFF, s0;
	v6 =	vsel vm1, v6, v7  }
.Ltmp42:
0x1f3: {  	(pc) =	sbr.rel @p0 .LBB2_51-.Ltmp42, $2  }
0x1f4: {  	_ =	sdelay $0x2  }
0x1f5: {  	s1 =	sadd.s32 $0x10, s1;
	v5 =	vmax.f32 v5, v8;
	vm1 =	veq.f32 v8, $-Inf;
	v7 =	vmin.f32 v6, v8  }
.LBB2_52:
0x1f6: {  	v6 =	vsel vm1, v6, v7  }
.LBB2_53:
0x1f7: {  	p0 =	slt.s32 s19, $0x61  }
.Ltmp43:
0x1f8: {  	_ = 	snop;
	(pc) =	sbr.rel @p0 .LBB2_81-.Ltmp43, $1  }
0x1f9: {  	_ =	sdelay $0x3  }
0x1fa: {  	(xrf0) =	vmin.scan.msk.f32 $0xffff, v6  }
0x1fb: {  	(xrf0) =	vmax.scan.msk.f32 $0xffff, v5;
	_ =	sdelay $0x4  }
0x1fc: {  	v5, _, _ =	vpop (xrf0)  }
0x1fd: {  	(v2sf) =	vpush v5, $0xF;
	v5, _, _ =	vpop (xrf0)  }
0x1fe: {  	(v2sf) =	vpush v5, $0xF;
	_ =	sdelay $0xa  }
.Ltmp44:
0x1ff: {  	_ = 	snop;
	(pc) =	sbr.rel .LBB2_55-.Ltmp44, $3  }
0x200: {  	_ =	sdelay $0x1  }
0x201: {  	s24 =	spop (v2sf)  }
0x202: {  	s21 =	simm.s32 $0x0;
	s20 =	spop (v2sf)  }
.LBB2_60:
0x203: {  	s20 =	smov.u32 s22;
	s22 =	smov.u32 s24  }
.LBB2_79:
0x204: {  	p0 =	slt.s32 s19, $0x61  }
0x205: {  	p1 =	slt.u32 @!p0 s21, $0x27  }
0x206: {  	p1 =	por p0, !p1  }
.Ltmp45:
0x207: {  	_ = 	snop;
	(pc) =	sbr.rel @p1 .LBB2_80-.Ltmp45, $2  }
0x208: {  	_ =	sdelay $0x2  }
0x209: {  	s24 =	smov.u32 s22;
	s21 =	sadd.s32 $0x1, s21  }
.LBB2_55:
0x20a: {  	s0 =	sadd.s32 $0xF, s19  }
0x20b: {  	s1 =	sadd.f32 s20, s24;
	s7 =	sand.u32 $0xF, s0  }
0x20c: {  	s23 =	sshra.s32 s0, $0x1F;
	p0 =	slt.s32 s0, $0x0;
	p1 =	sne.s32 s7, $0x0  }
0x20d: {  	s22 =	smul.f32 $5.000000000e-01, s1;
	s31 =	sshrl.u32 s23, $0x1C;
	p0 =	por !p0, !p1  }
0x20e: {  	s1 =	simm.s32 $0x1;
	s0 =	sadd.s32 s31, s0;
	p0 =	por !p0, !p0  }
0x20f: {  	s25 =	sshra.s32 s0, $0x4;
	s1 =	simm.s32 @!p0 $0x0  }
0x210: {  	s23 =	ssub.s32 s25, s1  }
0x211: {  	p1 =	slt.s32 s23, $0x1  }
.Ltmp46:
0x212: {  	_ = 	snop;
	(pc) =	sbr.rel @p1 .LBB2_59-.Ltmp46, $3  }
0x213: {  	v5 =	vmov s22  }
0x214: {  	v5 =	vadd.f32 $0.0e+00, v5;
	_ =	sdelay $0x1  }
0x215: {  	v6 =	vimm.s32 $0x0;
	s1 =	simm.s32 $0xD100;
	v5 =	vbroadcast v5, $0x0  }
0x216: {  	v7 =	vld [tilespmem:s1+$0x0];
	p1 =	sne.s32 s23, $0x1  }
.Ltmp47:
0x217: {  	_ = 	snop;
	(pc) =	sbr.rel @!p1 .LBB2_58-.Ltmp47, $2  }
0x218: {  	_ =	sdelay $0x2  }
0x219: {  	s0 =	sadd.s32 $0xFFFFFFFF, s23;
	s1 =	sadd.s32 $0x10, s1;
	vm1 =	vge.f32 v7, v5  }
.LBB2_57:
0x21a: {  	v7 =	vld [tilespmem:s1+$0x0];
	p1 =	sne.s32 s0, $0x1;
	s0 =	sadd.s32 $0xFFFFFFFF, s0;
	v8 =	vsel vm1, $0x1, v0  }
.Ltmp48:
0x21b: {  	v6 =	vadd.s32 v8, v6;
	(pc) =	sbr.rel @p1 .LBB2_57-.Ltmp48, $2  }
0x21c: {  	_ =	sdelay $0x2  }
0x21d: {  	s1 =	sadd.s32 $0x10, s1;
	vm1 =	vge.f32 v7, v5  }
.LBB2_58:
0x21e: {  	v7 =	vsel vm1, $0x1, v0  }
0x21f: {  	v6 =	vadd.s32 v7, v6  }
.LBB2_59:
0x220: {  	(xrf0) =	vadd.scan.msk.s32 $0xffff, v6;
	_ =	sdelay $0x5  }
0x221: {  	v6, _, _ =	vpop (xrf0)  }
0x222: {  	(v2sf) =	vpush v6, $0xF;
	_ =	sdelay $0xe  }
0x223: {  	s0 =	spop (v2sf)  }
0x224: {  	p1 =	slt.s32 s0, $0x40  }
.Ltmp49:
0x225: {  	_ = 	snop;
	(pc) =	sbr.rel @p1 .LBB2_60-.Ltmp49, $1  }
0x226: {  	_ =	sdelay $0x3  }
0x227: {  	p1 =	slt.s32 s23, $0x0  }
.Ltmp50:
0x228: {  	_ = 	snop;
	(pc) =	sbr.rel @p1 .LBB2_62-.Ltmp50, $1  }
0x229: {  	_ =	sdelay $0x3  }
0x22a: {  	s0 =	simm.s32 $0xFFFFFFFF  }
0x22b: {  	s0 =	simm.s32 @!p0 $0x0  }
0x22c: {  	s0 =	sadd.s32 s0, s25  }
0x22d: {  	s1 =	sadd.s32 $0x1, s0  }
0x22e: {  	p0 =	seq.s32 s1, $0x1  }
.Ltmp51:
0x22f: {  	_ = 	snop;
	(pc) =	sbr.rel @p0 .LBB2_63-.Ltmp51, $4  }
0x230: {  	_ = 	snop  }
0x231: {  	s7 =	simm.s32 $0xD900  }
0x232: {  	[tilespmem:s7+$0x0] =	vst v2;
	s0 =	simm.s32 $0xDD00  }
0x233: {  	s7 =	simm.s32 $0xD910;
	[tilespmem:s0+$0x0] =	vst v0;
	s1 =	sadd.s32 $0xFFFFFFFF, s1  }
.LBB2_67:
0x234: {  	[tilespmem:s7+$0x0] =	vst v2;
	s0 =	sadd.s32 $0x10, s0;
	p0 =	seq.s32 s1, $0x1  }
.Ltmp52:
0x235: {  	s1 =	sadd.s32 $0xFFFFFFFF, s1;
	[tilespmem:s0+$0x0] =	vst v0;
	(pc) =	sbr.rel @!p0 .LBB2_67-.Ltmp52, $2  }
0x236: {  	_ =	sdelay $0x2  }
0x237: {  	s7 =	sadd.s32 $0x10, s7  }
.LBB2_63:
0x238: {  	p0 =	sgt.s32 s23, $0x0  }
.Ltmp53:
0x239: {  	_ = 	snop;
	(pc) =	sbr.rel @!p0 .LBB2_72-.Ltmp53, $2  }
0x23a: {  	_ =	sdelay $0x2  }
0x23b: {  	s19 =	simm.s32 $0x0  }
0x23c: {  	p1 =	sne.s32 s23, $0x1  }
.Ltmp54:
0x23d: {  	_ = 	snop;
	(pc) =	sbr.rel @!p1 .LBB2_65-.Ltmp54, $3  }
0x23e: {  	_ =	sdelay $0x1  }
0x23f: {  	s0 =	simm.s32 $0xD100  }
0x240: {  	s24 =	simm.s32 $0xD500;
	p0 =	por $0x0, $0x0;
	v6 =	vld [tilespmem:s0+$0x0];
	s0 =	sadd.s32 $0xFFFFFFFF, s23  }
0x241: {  	_ =	sdelay $0x3  }
0x242: {  	vm1 =	vge.f32 v6, v5  }
0x243: {  	v7 =	vsel vm1, $0x1, v0  }
0x244: {  	(xrf0) =	vadd.scan.msk.s32 $0xffff, v7;
	_ =	sdelay $0x3  }
0x245: {  	v7 =	vld [tilespmem:s24+$0x0]  }
0x246: {  	p1 =	sne.s32 s0, $0x1  }
.Ltmp55:
0x247: {  	[tilespmem:s19+$0xD900] =	vst.msk vm1, v6;
	v6, _, _ =	vpop (xrf0);
	(pc) =	sbr.rel @!p1 .LBB2_69-.Ltmp55, $3  }
0x248: {  	(v2sf) =	vpush v6, $0xF;
	_ =	sdelay $0x1  }
0x249: {  	s26 =	simm.s32 $0xD110;
	s28 =	sadd.s32 $0xFFFFFFFF, s0;
	[tilespmem:s19+$0xDD00] =	vst.msk vm1, v7  }
0x24a: {  	p0 =	por $0x1, $0x1;
	s23 =	simm.s32 $0xD500;
	s25 =	simm.s32 $0x0;
	v6 =	vld [tilespmem:s26+$0x0]  }
.LBB2_70:
0x24b: {  	p1 =	sne.s32 s28, $0x1;
	_ =	sdelay $0x3  }
0x24c: {  	vm1 =	vge.f32 v6, v5  }
0x24d: {  	v7 =	vsel vm1, $0x1, v0  }
0x24e: {  	(xrf0) =	vadd.scan.msk.s32 $0xffff, v7;
	_ =	sdelay $0x1  }
0x24f: {  	s23 =	sadd.s32 $0x10, s23  }
0x250: {  	v7 =	vld [tilespmem:s23+$0x0];
	_ =	sdelay $0x1  }
0x251: {  	s0 =	spop (v2sf)  }
.Ltmp56:
0x252: {  	v8, _, _ =	vpop (xrf0);
	s25 =	sadd.s32 s25, s0;
	(pc) =	sbr.rel @p1 .LBB2_70-.Ltmp56, $4  }
0x253: {  	[tilespmem:s25+$0xD900] =	vst.msk vm1, v6;
	(v2sf) =	vpush v8, $0xF  }
0x254: {  	[tilespmem:s25+$0xDD00] =	vst.msk vm1, v7  }
0x255: {  	s26 =	sadd.s32 $0x10, s26  }
0x256: {  	s28 =	sadd.s32 $0xFFFFFFFF, s28;
	v6 =	vld [tilespmem:s26+$0x0]  }
.LBB2_71:
0x257: {  	_ =	sdelay $0x3  }
0x258: {  	vm1 =	vge.f32 v6, v5  }
0x259: {  	v5 =	vsel vm1, $0x1, v0  }
0x25a: {  	(xrf0) =	vadd.scan.msk.s32 $0xffff, v5;
	_ =	sdelay $0x5  }
0x25b: {  	v5, _, _ =	vpop (xrf0)  }
0x25c: {  	(v2sf) =	vpush v5, $0xF;
	_ =	sdelay $0x8  }
0x25d: {  	s0 =	sadd.s32 @p0 $0x10, s23  }
0x25e: {  	s24 =	smov.u32 @p0 s0  }
0x25f: {  	v5 =	vld [tilespmem:s24+$0x0]  }
.Ltmp57:
0x260: {  	s0 =	spop @p0 (v2sf);
	(pc) =	sbr.rel .LBB2_72-.Ltmp57, $4  }
0x261: {  	s0 =	sadd.s32 @p0 s25, s0  }
0x262: {  	s19 =	smov.u32 @p0 s0  }
0x263: {  	[tilespmem:s19+$0xD900] =	vst.msk vm1, v6;
	s31 =	spop (v2sf)  }
0x264: {  	[tilespmem:s19+$0xDD00] =	vst.msk vm1, v5;
	s19 =	sadd.s32 s19, s31  }
.LBB2_62:
0x265: {  	s19 =	simm.s32 $0x0  }
.LBB2_72:
0x266: {  	s0 =	sadd.s32 $0xF, s19  }
0x267: {  	s1 =	sand.u32 $0xF, s0  }
0x268: {  	s7 =	sshra.s32 s0, $0x1F;
	p0 =	slt.s32 s0, $0x1;
	p1 =	sne.s32 s1, $0x0  }
0x269: {  	s31 =	sshrl.u32 s7, $0x1C;
	p0 =	por !p0, !p1  }
0x26a: {  	s1 =	simm.s32 $0x1;
	s0 =	sadd.s32 s31, s0;
	p0 =	por !p0, !p0  }
0x26b: {  	s0 =	sshra.s32 s0, $0x4;
	s1 =	simm.s32 @!p0 $0x0  }
0x26c: {  	s1 =	ssub.s32 s0, s1  }
0x26d: {  	p1 =	slt.s32 s1, $0x0  }
.Ltmp58:
0x26e: {  	_ = 	snop;
	(pc) =	sbr.rel @p1 .LBB2_79-.Ltmp58, $1  }
0x26f: {  	_ =	sdelay $0x3  }
0x270: {  	s1 =	simm.s32 $0xFFFFFFFF  }
0x271: {  	s1 =	simm.s32 @!p0 $0x0  }
0x272: {  	s0 =	sadd.s32 s1, s0  }
0x273: {  	s0 =	sadd.s32 $0x1, s0  }
0x274: {  	p1 =	sne.s32 s0, $0x1  }
.Ltmp59:
0x275: {  	_ = 	snop;
	(pc) =	sbr.rel @!p1 .LBB2_74-.Ltmp59, $3  }
0x276: {  	_ =	sdelay $0x1  }
0x277: {  	s31 =	simm.s32 $0xD900;
	s25 =	simm.s32 $0xD100;
	s24 =	simm.s32 $0xDD00  }
0x278: {  	s23 =	simm.s32 $0xD500;
	v5 =	vld [tilespmem:s31+$0x0];
	p0 =	por $0x0, $0x0;
	s1 =	sadd.s32 $0xFFFFFFFF, s0  }
0x279: {  	_ =	sdelay $0x3  }
0x27a: {  	[tilespmem:s25+$0x0] =	vst v5  }
0x27b: {  	v5 =	vld [tilespmem:s24+$0x0]  }
0x27c: {  	p1 =	sne.s32 s1, $0x1  }
.Ltmp60:
0x27d: {  	_ = 	snop;
	(pc) =	sbr.rel @!p1 .LBB2_76-.Ltmp60, $3  }
0x27e: {  	_ =	sdelay $0x1  }
0x27f: {  	s0 =	simm.s32 $0xD910;
	s7 =	sadd.s32 $0xFFFFFFFF, s1;
	p0 =	por $0x1, $0x1;
	[tilespmem:s23+$0x0] =	vst v5  }
0x280: {  	s26 =	simm.s32 $0xD100;
	s1 =	simm.s32 $0xDD00;
	s28 =	simm.s32 $0xD500;
	v5 =	vld [tilespmem:s0+$0x0]  }
.LBB2_77:
0x281: {  	p1 =	sne.s32 s7, $0x1;
	_ =	sdelay $0x2  }
0x282: {  	s26 =	sadd.s32 $0x10, s26  }
0x283: {  	s1 =	sadd.s32 $0x10, s1;
	[tilespmem:s26+$0x0] =	vst v5  }
0x284: {  	v5 =	vld [tilespmem:s1+$0x0];
	_ =	sdelay $0x1  }
.Ltmp61:
0x285: {  	(pc) =	sbr.rel @p1 .LBB2_77-.Ltmp61, $4  }
0x286: {  	_ = 	snop  }
0x287: {  	s28 =	sadd.s32 $0x10, s28  }
0x288: {  	s0 =	sadd.s32 $0x10, s0;
	[tilespmem:s28+$0x0] =	vst v5  }
0x289: {  	s7 =	sadd.s32 $0xFFFFFFFF, s7;
	v5 =	vld [tilespmem:s0+$0x0]  }
.LBB2_78:
0x28a: {  	_ =	sdelay $0x1  }
0x28b: {  	s0 =	sadd.s32 @p0 $0x10, s26  }
0x28c: {  	s25 =	smov.u32 @p0 s0;
	s0 =	sadd.s32 @p0 $0x10, s1  }
0x28d: {  	s24 =	smov.u32 @p0 s0;
	[tilespmem:s25+$0x0] =	vst v5  }
0x28e: {  	v5 =	vld [tilespmem:s24+$0x0]  }
.Ltmp62:
0x28f: {  	_ = 	snop;
	(pc) =	sbr.rel .LBB2_79-.Ltmp62, $4  }
0x290: {  	_ = 	snop  }
0x291: {  	s0 =	sadd.s32 @p0 $0x10, s28  }
0x292: {  	s23 =	smov.u32 @p0 s0  }
0x293: {  	[tilespmem:s23+$0x0] =	vst v5  }
.LBB2_74:
.Ltmp63:
0x294: {  	(pc) =	sbr.rel .LBB2_78-.Ltmp63, $2  }
0x295: {  	_ =	sdelay $0x2  }
0x296: {  	s26 =	simm.s32 $0xD100;
	s1 =	simm.s32 $0xDD00;
	s28 =	simm.s32 $0xD500  }
.LBB2_76:
.Ltmp64:
0x297: {  	(pc) =	sbr.rel .LBB2_78-.Ltmp64, $2  }
0x298: {  	_ =	sdelay $0x2  }
0x299: {  	s26 =	simm.s32 $0xD100;
	s1 =	simm.s32 $0xDD00;
	s28 =	simm.s32 $0xD500  }
.LBB2_65:
.Ltmp65:
0x29a: {  	(pc) =	sbr.rel .LBB2_71-.Ltmp65, $2  }
0x29b: {  	_ =	sdelay $0x2  }
0x29c: {  	s23 =	simm.s32 $0xD500;
	s25 =	simm.s32 $0x0  }
.LBB2_69:
.Ltmp66:
0x29d: {  	(pc) =	sbr.rel .LBB2_71-.Ltmp66, $2  }
0x29e: {  	_ =	sdelay $0x2  }
0x29f: {  	s23 =	simm.s32 $0xD500;
	s25 =	simm.s32 $0x0  }
.LBB2_83:
0x2a0: {  	_ =	sfence.sel $0x180000  }
0x2a1: {  	[bflag:$0x0] =	sbarrier.arrive $0xFFFF  }
0x2a2: {  	_ =	strace $0x90000047  }
0x2a3: {  	s0 =	stileid.u32;
	[bflag:$0x2] =	sbarrier.arrive $0xFFFF  }
0x2a4: {  	p0 =	sne.s32 s0, $0x0;
	s0 =	rddreg [dreg:$0x1]  }
0x2a5: {  	s0 =	sadd.s32 @!p0 $0x100000, s0  }
0x2a6: {  	[sflag:s0] =	ssyncadd.tile.s32 @!p0 $0x1;
	_ =	shalt  }
.Lfunc_end2:
_tile_overlayer_lowered:
.L_overlay_start_2:
0x2a7: {  	(tag) =	ssettag $0x2  }
0x2a8: {  	s0 =	rddreg [dreg:$0x0];
	s2 =	stileid.u32  }
0x2a9: {  	s1 =	rddreg [dreg:$0x1];
	p0 =	sne.s32 s2, $0x0  }
0x2aa: {  	s3 =	rddreg [dreg:$0x2];
	[bflag:$0x3] =	sbarrier.arrive $0xFFFF;
	s2 =	simm.s32 @!p0 $0x1C02  }
0x2ab: {  	[timem:s3], [sflag:s2] =	dma.local @!p0 [hbm:s0], s1  }
0x2ac: {  	s0 =	simm.s32 @!p0 $0x2  }
0x2ad: {  	_ =	swait.ge @!p0 [sflag:s0], s1  }
0x2ae: {  	s1 =	ssub.s32 @!p0 $0x0, s1;
	[sflag:s0] =	ssyncset.done @!p0 $0x0  }
0x2af: {  	[sflag:s0] =	ssyncadd.s32 @!p0 s1  }
0x2b0: {  	[bflag:$0x3] =	sbarrier.arrive $0xFFFF  }
0x2b1: {  	_ =	shalt  }

</sc_bundles>
